<compile_context>
chip_gen: v7x
topology: tpu7x:2x2x1
jax: 0.10.2.dev20260603
libtpu: 0.0.44.dev20260713+nightly
codegen_flags: <defaults>
</compile_context>

<pallas_src>
import functools

import jax
import jax.numpy as jnp
from jax import lax
from jax.experimental import pallas as pl
from jax.experimental.pallas import tpu as pltpu
from jax.experimental.pallas import tpu_sc as plsc

_NC = 2
_NS = 16
_NW = _NC * _NS
_L = 16

_C = 32
_R = 8
_NBUF = 2


def _sc_dots(x_flat, embeddings, w_flat):
    n_tok = x_flat.shape[0]
    v_rows, d = embeddings.shape
    tpw = n_tok // _NW
    nchunk = tpw // _C
    ndc = d // _L

    mesh = plsc.VectorSubcoreMesh(core_axis_name="c", subcore_axis_name="s")

    @functools.partial(
        pl.kernel,
        out_type=jax.ShapeDtypeStruct((3 * n_tok,), jnp.float32),
        mesh=mesh,
        scratch_types=[
            pltpu.VMEM((tpw,), jnp.int32),
        ] + [pltpu.VMEM((_C, d), jnp.float32) for _ in range(_NBUF)] + [
            pltpu.VMEM((3 * d,), jnp.float32),
            pltpu.VMEM((3 * tpw,), jnp.float32),
            pltpu.VMEM((3 * 16 * 17,), jnp.float32),
        ] + [pltpu.SemaphoreType.DMA for _ in range(_NBUF)],
        compiler_params=pltpu.CompilerParams(needs_layout_passes=False),
    )
    def sc_kernel(x_hbm, emb_hbm, w_hbm, out_hbm, idx_v, *rest):
        rows = rest[:_NBUF]
        wv, outv, stage = rest[_NBUF:_NBUF + 3]
        sems = rest[_NBUF + 3:]
        wid = lax.axis_index("s") * _NC + lax.axis_index("c")
        base = pl.multiple_of(wid * tpw, 8)
        pltpu.sync_copy(w_hbm, wv)
        pltpu.sync_copy(x_hbm.at[pl.ds(base, tpw)], idx_v)

        for p in range(_NBUF - 1):
            pltpu.async_copy(
                emb_hbm.at[idx_v.at[pl.ds(p * _C, _C)]], rows[p], sems[p])

        tidx = lax.iota(jnp.int32, _L) * 17

        def compute_group(c, buf, g):
            for h in range(16 // _R):
                rbase = g * 16 + h * _R

                def dbody(dc, accs):
                    dof = pl.multiple_of(dc * _L, _L)
                    sl = pl.ds(dof, _L)
                    ws = [wv[pl.ds(pl.multiple_of(k * d + dof, _L), _L)]
                          for k in range(3)]
                    es = [buf[rbase + r, sl] for r in range(_R)]
                    return tuple(accs[k * _R + r] + es[r] * ws[k]
                                 for k in range(3) for r in range(_R))

                zero = jnp.zeros((_L,), jnp.float32)
                accs = lax.fori_loop(0, ndc, dbody, (zero,) * (3 * _R),
                                     unroll=2)
                for k in range(3):
                    for r in range(_R):
                        off = k * 16 * 17 + (h * _R + r) * 17
                        stage[pl.ds(off, _L)] = accs[k * _R + r]
            obase = c * _C + g * 16
            for k in range(3):
                tot = plsc.load_gather(stage, [tidx + k * 16 * 17])
                for j in range(1, _L):
                    tot = tot + plsc.load_gather(
                        stage, [tidx + (k * 16 * 17 + j)])
                outv[pl.ds(k * tpw + obase, _L)] = tot

        def step(c, b, prefetch=True):
            pltpu.make_async_copy(
                emb_hbm.at[idx_v.at[pl.ds(0, _C)]], rows[b], sems[b]
            ).wait()
            if prefetch:
                @pl.when(c + _NBUF - 1 < nchunk)
                def _():
                    nxt = pl.multiple_of((c + _NBUF - 1) * _C, 8)
                    nb = (b + _NBUF - 1) % _NBUF
                    pltpu.async_copy(
                        emb_hbm.at[idx_v.at[pl.ds(nxt, _C)]],
                        rows[nb], sems[nb])

            def group_body(g, _):
                compute_group(c, rows[b], g)
                return 0

            lax.fori_loop(0, _C // 16, group_body, 0)

        nring = nchunk // _NBUF

        def chunk_ring(cr, _):
            for b in range(_NBUF):
                step(cr * _NBUF + b, b)
            return 0

        lax.fori_loop(0, nring, chunk_ring, 0)
        for t in range(nring * _NBUF, nchunk):
            step(t, t % _NBUF, prefetch=False)

        for k in range(3):
            pltpu.sync_copy(
                outv.at[pl.ds(k * tpw, tpw)],
                out_hbm.at[pl.ds(pl.multiple_of(k * n_tok + base, 8), tpw)])

    return sc_kernel(x_flat, embeddings, w_flat)


def _tc_pool(suv, l_b2):
    _, b_dim, s_dim = suv.shape

    def body(suv_ref, lb_ref, o_ref):
        s = suv_ref[0]
        u = suv_ref[1]
        v = suv_ref[2]
        m = jnp.max(s, axis=1, keepdims=True)
        e = jnp.exp(s - m)
        z = jnp.sum(e, axis=1, keepdims=True)
        nu = jnp.sum(e * u, axis=1, keepdims=True)
        nv = jnp.sum(e * v, axis=1, keepdims=True)
        o_ref[...] = jnp.concatenate([nu, nv], axis=1) / z + lb_ref[...]

    return pl.pallas_call(
        body,
        out_shape=jax.ShapeDtypeStruct((b_dim, 2), jnp.float32),
    )(suv, l_b2)


def kernel(x, embeddings, q_w, q_b, l_w, l_b):
    b_dim, s_dim = x.shape
    del q_b
    x_flat = x.reshape(-1).astype(jnp.int32)
    w_flat = jnp.concatenate([q_w, l_w], axis=0).reshape(-1)
    suv = _sc_dots(x_flat, embeddings, w_flat)
    out = _tc_pool(suv.reshape(3, b_dim, s_dim), l_b.reshape(1, 2))
    return out

# --- scband reference (transcript-rebuilt; emitter-appended) ---
"""Pipeline reference for scband-model2-51642686767568 (READ-ONLY COPY).

The authoritative reference and input builder live on the scoring server;
editing this copy changes nothing except your own understanding.
"""

import jax, jax.numpy as jnp
import numpy as np

B, S, V, D = 16, 2048, 100000, 1024

def setup_inputs(seed: int = 0) -> dict:
    key = jax.random.key(seed)
    k1, k2, k3, k4, k5, k6 = jax.random.split(key, 6)
    x = jax.random.randint(k1, (B, S), 0, V)
    embeddings = jax.random.normal(k2, (V, D), dtype=jnp.float32)
    bound_q = 1.0 / np.sqrt(D)
    q_w = jax.random.uniform(k3, (1, D), minval=-bound_q, maxval=bound_q, dtype=jnp.float32)
    q_b = jax.random.uniform(k4, (1,), minval=-bound_q, maxval=bound_q, dtype=jnp.float32)
    l_w = jax.random.uniform(k5, (2, D), minval=-bound_q, maxval=bound_q, dtype=jnp.float32)
    l_b = jax.random.uniform(k6, (2,), minval=-bound_q, maxval=bound_q, dtype=jnp.float32)
    return {"x": x, "embeddings": embeddings, "q_w": q_w, "q_b": q_b, "l_w": l_w, "l_b": l_b}

def reference(x, embeddings, q_w, q_b, l_w, l_b):
    # mask of valid (non -1 padded) positions; vectorized version of the
    # per-row python loop in the torch module
    mask = x != -1                                   # [B, S]
    idx = jnp.where(mask, x, 0)
    emb = jnp.take(embeddings, idx, axis=0)          # [B, S, D] gather
    # attention logits: self.q(tmp) per valid token
    scores = jnp.einsum('bsd,od->bso', emb, q_w) + q_b   # [B, S, 1]
    scores = jnp.where(mask[..., None], scores, -jnp.inf)
    # softmax over the sequence dimension (dim 0 of tmp in the torch code)
    p = jax.nn.softmax(scores, axis=1)               # [B, S, 1]
    p = jnp.where(mask[..., None], p, 0.0)
    # t_hat[i] = (tmp * p).sum(0)
    t_hat = jnp.sum(emb * p, axis=1)                 # [B, D]
    # final classifier self.l
    out = t_hat @ l_w.T + l_b                        # [B, 2]
    return out

if __name__ == "__main__":
    import jax
    _d = setup_inputs()
    print(jax.jit(kernel)(*tuple(_d.values())))

</pallas_src>

<mosaic_0001>
#map = affine_map<(d0, d1) -> (0)>
#map1 = affine_map<(d0, d1) -> (0, 0)>
module attributes {stable_mosaic.version = 14 : i64} {
  func.func @sc_kernel(%arg0: i32, %arg1: i32, %arg2: memref<32768xi32, #tpu.memory_space<hbm>>, %arg3: memref<100000x1024xf32, #tpu.memory_space<hbm>>, %arg4: memref<3072xf32, #tpu.memory_space<hbm>>, %arg5: memref<98304xf32, #tpu.memory_space<hbm>>, %arg6: memref<1024xi32, #tpu.memory_space<vmem>>, %arg7: memref<32x1024xf32, #tpu.memory_space<vmem>>, %arg8: memref<32x1024xf32, #tpu.memory_space<vmem>>, %arg9: memref<3072xf32, #tpu.memory_space<vmem>>, %arg10: memref<3072xf32, #tpu.memory_space<vmem>>, %arg11: memref<816xf32, #tpu.memory_space<vmem>>, %arg12: memref<!tpu.dma_semaphore, #tpu.memory_space<semaphore_mem>>, %arg13: memref<!tpu.dma_semaphore, #tpu.memory_space<semaphore_mem>>) attributes {dimension_semantics = [#tpu.dimension_semantics<core_parallel>, #tpu.dimension_semantics<subcore_parallel>], iteration_bounds = array<i64: 2, 16>, scalar_prefetch = 0 : i64, scratch_operands = 8 : i64, tpu.core_type = #tpu.core_type<sc_vector_subcore>, window_params = [{transform_indices = #map}, {transform_indices = #map1}, {transform_indices = #map}, {transform_indices = #map}]} {
    %mul3A = arith.constant 2 : i32
    %mul3A_0 = arith.muli %arg1, %mul3A : i32
    %add3A = arith.addi %mul3A_0, %arg0 : i32
    %mul3A_1 = arith.constant 1024 : i32
    %mul3A_2 = arith.muli %add3A, %mul3A_1 : i32
    %multiple_of3A = tpu.assume_multiple %mul3A_2, 8 : i32
    "tpu.region"() ({
      %run_scoped3A = tpu.sem_alloc : memref<!tpu.dma_semaphore, #tpu.memory_space<semaphore_mem>>
      tpu.enqueue_dma source(%arg4 : memref<3072xf32, #tpu.memory_space<hbm>>) target(%arg9 : memref<3072xf32, #tpu.memory_space<vmem>>) target_semaphore(%run_scoped3A : memref<!tpu.dma_semaphore, #tpu.memory_space<semaphore_mem>>)
      tpu.wait_dma2 semaphore(%run_scoped3A : memref<!tpu.dma_semaphore, #tpu.memory_space<semaphore_mem>>) src(%arg4 : memref<3072xf32, #tpu.memory_space<hbm>>) dst(%arg9 : memref<3072xf32, #tpu.memory_space<vmem>>)
      tpu.yield
    }) : () -> ()
    "tpu.region"() ({
      %run_scoped3A = tpu.sem_alloc : memref<!tpu.dma_semaphore, #tpu.memory_space<semaphore_mem>>
      %dma_start3A_25 = tpu.memref_slice %arg2[%multiple_of3A] : memref<32768xi32, #tpu.memory_space<hbm>> -> memref<1024xi32, #tpu.memory_space<hbm>>
      %dma_start3A_26 = tpu.memref_slice %arg2[%multiple_of3A] : memref<32768xi32, #tpu.memory_space<hbm>> -> memref<1024xi32, #tpu.memory_space<hbm>>
      tpu.enqueue_dma source(%dma_start3A_26 : memref<1024xi32, #tpu.memory_space<hbm>>) target(%arg6 : memref<1024xi32, #tpu.memory_space<vmem>>) target_semaphore(%run_scoped3A : memref<!tpu.dma_semaphore, #tpu.memory_space<semaphore_mem>>)
      %dma_wait3A = tpu.memref_slice %arg2[%multiple_of3A] : memref<32768xi32, #tpu.memory_space<hbm>> -> memref<1024xi32, #tpu.memory_space<hbm>>
      %dma_wait3A_27 = tpu.memref_slice %arg2[%multiple_of3A] : memref<32768xi32, #tpu.memory_space<hbm>> -> memref<1024xi32, #tpu.memory_space<hbm>>
      tpu.wait_dma2 semaphore(%run_scoped3A : memref<!tpu.dma_semaphore, #tpu.memory_space<semaphore_mem>>) src(%dma_wait3A_27 : memref<1024xi32, #tpu.memory_space<hbm>>) dst(%arg6 : memref<1024xi32, #tpu.memory_space<vmem>>)
      tpu.yield
    }) : () -> ()
    %dma_start3A = arith.constant 0 : i32
    %dma_start3A_3 = tpu.memref_slice %arg6[%dma_start3A] : memref<1024xi32, #tpu.memory_space<vmem>> -> memref<32xi32, #tpu.memory_space<vmem>>
    %dma_start3A_4 = arith.constant 0 : i32
    %dma_start3A_5 = arith.constant 0 : i32
    %dma_start3A_6 = tpu.memref_slice %arg3[%dma_start3A_4, %dma_start3A_5] : memref<100000x1024xf32, #tpu.memory_space<hbm>> -> memref<100000x1024xf32, #tpu.memory_space<hbm>>
    tpu.enqueue_indirect_dma source(%dma_start3A_6 : memref<100000x1024xf32, #tpu.memory_space<hbm>>) target(%arg7 : memref<32x1024xf32, #tpu.memory_space<vmem>>) offsets(%dma_start3A_3 : memref<32xi32, #tpu.memory_space<vmem>>) semaphore(%arg12 : memref<!tpu.dma_semaphore, #tpu.memory_space<semaphore_mem>>)
    %iota3A = tpu.iota {dimensions = array<i32: 0>} : vector<16xi32>
    %mul3A_7 = arith.constant 17 : i32
    %mul3A_8 = vector.broadcast %mul3A_7 : i32 to vector<16xi32>
    %mul3A_9 = arith.muli %iota3A, %mul3A_8 : vector<16xi32>
    %scan3A = arith.constant 0 : i32
    %scan3A_10 = arith.constant 0 : i32
    %scan3A_11 = arith.constant 16 : i32
    %scan3A_12 = arith.addi %scan3A_10, %scan3A_11 : i32
    %scan3A_13 = arith.constant 1 : i32
    %scan3A_14 = scf.for %scan3A_25 = %scan3A_10 to %scan3A_12 step %scan3A_13 iter_args(%scan3A_26 = %scan3A) -> (i32)  : i32 {
      %mul3A_27 = arith.constant 2 : i32
      %mul3A_28 = arith.muli %scan3A_25, %mul3A_27 : i32
      %add3A_29 = arith.constant 0 : i32
      %add3A_30 = arith.addi %mul3A_28, %add3A_29 : i32
      %dma_wait3A = arith.constant 0 : i32
      %dma_wait3A_31 = tpu.memref_slice %arg6[%dma_wait3A] : memref<1024xi32, #tpu.memory_space<vmem>> -> memref<32xi32, #tpu.memory_space<vmem>>
      %dma_wait3A_32 = arith.constant 0 : i32
      %dma_wait3A_33 = arith.constant 0 : i32
      %dma_wait3A_34 = tpu.memref_slice %arg3[%dma_wait3A_32, %dma_wait3A_33] : memref<100000x1024xf32, #tpu.memory_space<hbm>> -> memref<100000x1024xf32, #tpu.memory_space<hbm>>
      tpu.wait_indirect_dma semaphore(%arg12 : memref<!tpu.dma_semaphore, #tpu.memory_space<semaphore_mem>>) src(%dma_wait3A_34 : memref<100000x1024xf32, #tpu.memory_space<hbm>>) dst(%arg7 : memref<32x1024xf32, #tpu.memory_space<vmem>>)
      %add3A_35 = arith.constant 2 : i32
      %add3A_36 = arith.addi %add3A_30, %add3A_35 : i32
      %sub3A = arith.constant 1 : i32
      %sub3A_37 = arith.subi %add3A_36, %sub3A : i32
      %lt3A = arith.constant 32 : i32
      %lt3A_38 = arith.cmpi slt, %sub3A_37, %lt3A : i32
      %convert_element_type3A = arith.extui %lt3A_38 : i1 to i32
      %cond3A = arith.constant 0 : i32
      %cond3A_39 = arith.cmpi ne, %convert_element_type3A, %cond3A : i32
      scf.if %cond3A_39 {
        %add3A_73 = arith.constant 2 : i32
        %add3A_74 = arith.addi %add3A_30, %add3A_73 : i32
        %sub3A_75 = arith.constant 1 : i32
        %sub3A_76 = arith.subi %add3A_74, %sub3A_75 : i32
        %mul3A_77 = arith.constant 32 : i32
        %mul3A_78 = arith.muli %sub3A_76, %mul3A_77 : i32
        %multiple_of3A_79 = tpu.assume_multiple %mul3A_78, 8 : i32
        %dma_start3A_80 = tpu.memref_slice %arg6[%multiple_of3A_79] : memref<1024xi32, #tpu.memory_space<vmem>> -> memref<32xi32, #tpu.memory_space<vmem>>
        %dma_start3A_81 = arith.constant 0 : i32
        %dma_start3A_82 = arith.constant 0 : i32
        %dma_start3A_83 = tpu.memref_slice %arg3[%dma_start3A_81, %dma_start3A_82] : memref<100000x1024xf32, #tpu.memory_space<hbm>> -> memref<100000x1024xf32, #tpu.memory_space<hbm>>
        tpu.enqueue_indirect_dma source(%dma_start3A_83 : memref<100000x1024xf32, #tpu.memory_space<hbm>>) target(%arg8 : memref<32x1024xf32, #tpu.memory_space<vmem>>) offsets(%dma_start3A_80 : memref<32xi32, #tpu.memory_space<vmem>>) semaphore(%arg13 : memref<!tpu.dma_semaphore, #tpu.memory_space<semaphore_mem>>)
      } else {
      }
      %scan3A_40 = arith.constant 0 : i32
      %scan3A_41 = arith.constant 0 : i32
      %scan3A_42 = arith.constant 2 : i32
      %scan3A_43 = arith.addi %scan3A_41, %scan3A_42 : i32
      %scan3A_44 = arith.constant 1 : i32
      %scan3A_45 = scf.for %scan3A_73 = %scan3A_41 to %scan3A_43 step %scan3A_44 iter_args(%scan3A_74 = %scan3A_40) -> (i32)  : i32 {
        %mul3A_75 = arith.constant 16 : i32
        %mul3A_76 = arith.muli %scan3A_73, %mul3A_75 : i32
        %add3A_77 = arith.constant 0 : i32
        %add3A_78 = arith.addi %mul3A_76, %add3A_77 : i32
        %broadcast_in_dim3A = arith.constant 0.000000e+00 : f32
        %broadcast_in_dim3A_79 = vector.broadcast %broadcast_in_dim3A : f32 to vector<16xf32>
        %scan3A_80 = arith.constant 0 : i32
        %scan3A_81 = arith.constant 64 : i32
        %scan3A_82 = arith.addi %scan3A_80, %scan3A_81 : i32
        %scan3A_83 = arith.constant 2 : i32
        %scan3A_84:24 = scf.for %scan3A_447 = %scan3A_80 to %scan3A_82 step %scan3A_83 iter_args(%scan3A_448 = %broadcast_in_dim3A_79, %scan3A_449 = %broadcast_in_dim3A_79, %scan3A_450 = %broadcast_in_dim3A_79, %scan3A_451 = %broadcast_in_dim3A_79, %scan3A_452 = %broadcast_in_dim3A_79, %scan3A_453 = %broadcast_in_dim3A_79, %scan3A_454 = %broadcast_in_dim3A_79, %scan3A_455 = %broadcast_in_dim3A_79, %scan3A_456 = %broadcast_in_dim3A_79, %scan3A_457 = %broadcast_in_dim3A_79, %scan3A_458 = %broadcast_in_dim3A_79, %scan3A_459 = %broadcast_in_dim3A_79, %scan3A_460 = %broadcast_in_dim3A_79, %scan3A_461 = %broadcast_in_dim3A_79, %scan3A_462 = %broadcast_in_dim3A_79, %scan3A_463 = %broadcast_in_dim3A_79, %scan3A_464 = %broadcast_in_dim3A_79, %scan3A_465 = %broadcast_in_dim3A_79, %scan3A_466 = %broadcast_in_dim3A_79, %scan3A_467 = %broadcast_in_dim3A_79, %scan3A_468 = %broadcast_in_dim3A_79, %scan3A_469 = %broadcast_in_dim3A_79, %scan3A_470 = %broadcast_in_dim3A_79, %scan3A_471 = %broadcast_in_dim3A_79) -> (vector<16xf32>, vector<16xf32>, vector<16xf32>, vector<16xf32>, vector<16xf32>, vector<16xf32>, vector<16xf32>, vector<16xf32>, vector<16xf32>, vector<16xf32>, vector<16xf32>, vector<16xf32>, vector<16xf32>, vector<16xf32>, vector<16xf32>, vector<16xf32>, vector<16xf32>, vector<16xf32>, vector<16xf32>, vector<16xf32>, vector<16xf32>, vector<16xf32>, vector<16xf32>, vector<16xf32>)  : i32 {
          %mul3A_472 = arith.constant 16 : i32
          %mul3A_473 = arith.muli %scan3A_447, %mul3A_472 : i32
          %multiple_of3A_474 = tpu.assume_multiple %mul3A_473, 16 : i32
          %add3A_475 = arith.constant 0 : i32
          %add3A_476 = arith.addi %add3A_475, %multiple_of3A_474 : i32
          %multiple_of3A_477 = tpu.assume_multiple %add3A_476, 16 : i32
          %get3A = arith.index_cast %multiple_of3A_477 : i32 to index
          %get3A_478 = tpu.vector_load %arg9[%get3A] {strides = array<i32>} : memref<3072xf32, #tpu.memory_space<vmem>>, vector<16xf32>,
          %add3A_479 = arith.constant 1024 : i32
          %add3A_480 = arith.addi %add3A_479, %multiple_of3A_474 : i32
          %multiple_of3A_481 = tpu.assume_multiple %add3A_480, 16 : i32
          %get3A_482 = arith.index_cast %multiple_of3A_481 : i32 to index
          %get3A_483 = tpu.vector_load %arg9[%get3A_482] {strides = array<i32>} : memref<3072xf32, #tpu.memory_space<vmem>>, vector<16xf32>,
          %add3A_484 = arith.constant 2048 : i32
          %add3A_485 = arith.addi %add3A_484, %multiple_of3A_474 : i32
          %multiple_of3A_486 = tpu.assume_multiple %add3A_485, 16 : i32
          %get3A_487 = arith.index_cast %multiple_of3A_486 : i32 to index
          %get3A_488 = tpu.vector_load %arg9[%get3A_487] {strides = array<i32>} : memref<3072xf32, #tpu.memory_space<vmem>>, vector<16xf32>,
          %add3A_489 = arith.constant 0 : i32
          %add3A_490 = arith.addi %add3A_78, %add3A_489 : i32
          %get3A_491 = arith.index_cast %add3A_490 : i32 to index
          %get3A_492 = arith.index_cast %multiple_of3A_474 : i32 to index
          %get3A_493 = tpu.vector_load %arg7[%get3A_491, %get3A_492] {strides = array<i32>} : memref<32x1024xf32, #tpu.memory_space<vmem>>, vector<16xf32>,
          %add3A_494 = arith.constant 1 : i32
          %add3A_495 = arith.addi %add3A_78, %add3A_494 : i32
          %get3A_496 = arith.index_cast %add3A_495 : i32 to index
          %get3A_497 = arith.index_cast %multiple_of3A_474 : i32 to index
          %get3A_498 = tpu.vector_load %arg7[%get3A_496, %get3A_497] {strides = array<i32>} : memref<32x1024xf32, #tpu.memory_space<vmem>>, vector<16xf32>,
          %add3A_499 = arith.constant 2 : i32
          %add3A_500 = arith.addi %add3A_78, %add3A_499 : i32
          %get3A_501 = arith.index_cast %add3A_500 : i32 to index
          %get3A_502 = arith.index_cast %multiple_of3A_474 : i32 to index
          %get3A_503 = tpu.vector_load %arg7[%get3A_501, %get3A_502] {strides = array<i32>} : memref<32x1024xf32, #tpu.memory_space<vmem>>, vector<16xf32>,
          %add3A_504 = arith.constant 3 : i32
          %add3A_505 = arith.addi %add3A_78, %add3A_504 : i32
          %get3A_506 = arith.index_cast %add3A_505 : i32 to index
          %get3A_507 = arith.index_cast %multiple_of3A_474 : i32 to index
          %get3A_508 = tpu.vector_load %arg7[%get3A_506, %get3A_507] {strides = array<i32>} : memref<32x1024xf32, #tpu.memory_space<vmem>>, vector<16xf32>,
          %add3A_509 = arith.constant 4 : i32
          %add3A_510 = arith.addi %add3A_78, %add3A_509 : i32
          %get3A_511 = arith.index_cast %add3A_510 : i32 to index
          %get3A_512 = arith.index_cast %multiple_of3A_474 : i32 to index
          %get3A_513 = tpu.vector_load %arg7[%get3A_511, %get3A_512] {strides = array<i32>} : memref<32x1024xf32, #tpu.memory_space<vmem>>, vector<16xf32>,
          %add3A_514 = arith.constant 5 : i32
          %add3A_515 = arith.addi %add3A_78, %add3A_514 : i32
          %get3A_516 = arith.index_cast %add3A_515 : i32 to index
          %get3A_517 = arith.index_cast %multiple_of3A_474 : i32 to index
          %get3A_518 = tpu.vector_load %arg7[%get3A_516, %get3A_517] {strides = array<i32>} : memref<32x1024xf32, #tpu.memory_space<vmem>>, vector<16xf32>,
          %add3A_519 = arith.constant 6 : i32
          %add3A_520 = arith.addi %add3A_78, %add3A_519 : i32
          %get3A_521 = arith.index_cast %add3A_520 : i32 to index
          %get3A_522 = arith.index_cast %multiple_of3A_474 : i32 to index
          %get3A_523 = tpu.vector_load %arg7[%get3A_521, %get3A_522] {strides = array<i32>} : memref<32x1024xf32, #tpu.memory_space<vmem>>, vector<16xf32>,
          %add3A_524 = arith.constant 7 : i32
          %add3A_525 = arith.addi %add3A_78, %add3A_524 : i32
          %get3A_526 = arith.index_cast %add3A_525 : i32 to index
          %get3A_527 = arith.index_cast %multiple_of3A_474 : i32 to index
          %get3A_528 = tpu.vector_load %arg7[%get3A_526, %get3A_527] {strides = array<i32>} : memref<32x1024xf32, #tpu.memory_space<vmem>>, vector<16xf32>,
          %mul3A_529 = arith.mulf %get3A_493, %get3A_478 : vector<16xf32>
          %add3A_530 = arith.addf %scan3A_448, %mul3A_529 : vector<16xf32>
          %mul3A_531 = arith.mulf %get3A_498, %get3A_478 : vector<16xf32>
          %add3A_532 = arith.addf %scan3A_449, %mul3A_531 : vector<16xf32>
          %mul3A_533 = arith.mulf %get3A_503, %get3A_478 : vector<16xf32>
          %add3A_534 = arith.addf %scan3A_450, %mul3A_533 : vector<16xf32>
          %mul3A_535 = arith.mulf %get3A_508, %get3A_478 : vector<16xf32>
          %add3A_536 = arith.addf %scan3A_451, %mul3A_535 : vector<16xf32>
          %mul3A_537 = arith.mulf %get3A_513, %get3A_478 : vector<16xf32>
          %add3A_538 = arith.addf %scan3A_452, %mul3A_537 : vector<16xf32>
          %mul3A_539 = arith.mulf %get3A_518, %get3A_478 : vector<16xf32>
          %add3A_540 = arith.addf %scan3A_453, %mul3A_539 : vector<16xf32>
          %mul3A_541 = arith.mulf %get3A_523, %get3A_478 : vector<16xf32>
          %add3A_542 = arith.addf %scan3A_454, %mul3A_541 : vector<16xf32>
          %mul3A_543 = arith.mulf %get3A_528, %get3A_478 : vector<16xf32>
          %add3A_544 = arith.addf %scan3A_455, %mul3A_543 : vector<16xf32>
          %mul3A_545 = arith.mulf %get3A_493, %get3A_483 : vector<16xf32>
          %add3A_546 = arith.addf %scan3A_456, %mul3A_545 : vector<16xf32>
          %mul3A_547 = arith.mulf %get3A_498, %get3A_483 : vector<16xf32>
          %add3A_548 = arith.addf %scan3A_457, %mul3A_547 : vector<16xf32>
          %mul3A_549 = arith.mulf %get3A_503, %get3A_483 : vector<16xf32>
          %add3A_550 = arith.addf %scan3A_458, %mul3A_549 : vector<16xf32>
          %mul3A_551 = arith.mulf %get3A_508, %get3A_483 : vector<16xf32>
          %add3A_552 = arith.addf %scan3A_459, %mul3A_551 : vector<16xf32>
          %mul3A_553 = arith.mulf %get3A_513, %get3A_483 : vector<16xf32>
          %add3A_554 = arith.addf %scan3A_460, %mul3A_553 : vector<16xf32>
          %mul3A_555 = arith.mulf %get3A_518, %get3A_483 : vector<16xf32>
          %add3A_556 = arith.addf %scan3A_461, %mul3A_555 : vector<16xf32>
          %mul3A_557 = arith.mulf %get3A_523, %get3A_483 : vector<16xf32>
          %add3A_558 = arith.addf %scan3A_462, %mul3A_557 : vector<16xf32>
          %mul3A_559 = arith.mulf %get3A_528, %get3A_483 : vector<16xf32>
          %add3A_560 = arith.addf %scan3A_463, %mul3A_559 : vector<16xf32>
          %mul3A_561 = arith.mulf %get3A_493, %get3A_488 : vector<16xf32>
          %add3A_562 = arith.addf %scan3A_464, %mul3A_561 : vector<16xf32>
          %mul3A_563 = arith.mulf %get3A_498, %get3A_488 : vector<16xf32>
          %add3A_564 = arith.addf %scan3A_465, %mul3A_563 : vector<16xf32>
          %mul3A_565 = arith.mulf %get3A_503, %get3A_488 : vector<16xf32>
          %add3A_566 = arith.addf %scan3A_466, %mul3A_565 : vector<16xf32>
          %mul3A_567 = arith.mulf %get3A_508, %get3A_488 : vector<16xf32>
          %add3A_568 = arith.addf %scan3A_467, %mul3A_567 : vector<16xf32>
          %mul3A_569 = arith.mulf %get3A_513, %get3A_488 : vector<16xf32>
          %add3A_570 = arith.addf %scan3A_468, %mul3A_569 : vector<16xf32>
          %mul3A_571 = arith.mulf %get3A_518, %get3A_488 : vector<16xf32>
          %add3A_572 = arith.addf %scan3A_469, %mul3A_571 : vector<16xf32>
          %mul3A_573 = arith.mulf %get3A_523, %get3A_488 : vector<16xf32>
          %add3A_574 = arith.addf %scan3A_470, %mul3A_573 : vector<16xf32>
          %mul3A_575 = arith.mulf %get3A_528, %get3A_488 : vector<16xf32>
          %add3A_576 = arith.addf %scan3A_471, %mul3A_575 : vector<16xf32>
          %scan3A_577 = arith.constant 1 : i32
          %scan3A_578 = arith.addi %scan3A_447, %scan3A_577 : i32
          %mul3A_579 = arith.constant 16 : i32
          %mul3A_580 = arith.muli %scan3A_578, %mul3A_579 : i32
          %multiple_of3A_581 = tpu.assume_multiple %mul3A_580, 16 : i32
          %add3A_582 = arith.constant 0 : i32
          %add3A_583 = arith.addi %add3A_582, %multiple_of3A_581 : i32
          %multiple_of3A_584 = tpu.assume_multiple %add3A_583, 16 : i32
          %get3A_585 = arith.index_cast %multiple_of3A_584 : i32 to index
          %get3A_586 = tpu.vector_load %arg9[%get3A_585] {strides = array<i32>} : memref<3072xf32, #tpu.memory_space<vmem>>, vector<16xf32>,
          %add3A_587 = arith.constant 1024 : i32
          %add3A_588 = arith.addi %add3A_587, %multiple_of3A_581 : i32
          %multiple_of3A_589 = tpu.assume_multiple %add3A_588, 16 : i32
          %get3A_590 = arith.index_cast %multiple_of3A_589 : i32 to index
          %get3A_591 = tpu.vector_load %arg9[%get3A_590] {strides = array<i32>} : memref<3072xf32, #tpu.memory_space<vmem>>, vector<16xf32>,
          %add3A_592 = arith.constant 2048 : i32
          %add3A_593 = arith.addi %add3A_592, %multiple_of3A_581 : i32
          %multiple_of3A_594 = tpu.assume_multiple %add3A_593, 16 : i32
          %get3A_595 = arith.index_cast %multiple_of3A_594 : i32 to index
          %get3A_596 = tpu.vector_load %arg9[%get3A_595] {strides = array<i32>} : memref<3072xf32, #tpu.memory_space<vmem>>, vector<16xf32>,
          %add3A_597 = arith.constant 0 : i32
          %add3A_598 = arith.addi %add3A_78, %add3A_597 : i32
          %get3A_599 = arith.index_cast %add3A_598 : i32 to index
          %get3A_600 = arith.index_cast %multiple_of3A_581 : i32 to index
          %get3A_601 = tpu.vector_load %arg7[%get3A_599, %get3A_600] {strides = array<i32>} : memref<32x1024xf32, #tpu.memory_space<vmem>>, vector<16xf32>,
          %add3A_602 = arith.constant 1 : i32
          %add3A_603 = arith.addi %add3A_78, %add3A_602 : i32
          %get3A_604 = arith.index_cast %add3A_603 : i32 to index
          %get3A_605 = arith.index_cast %multiple_of3A_581 : i32 to index
          %get3A_606 = tpu.vector_load %arg7[%get3A_604, %get3A_605] {strides = array<i32>} : memref<32x1024xf32, #tpu.memory_space<vmem>>, vector<16xf32>,
          %add3A_607 = arith.constant 2 : i32
          %add3A_608 = arith.addi %add3A_78, %add3A_607 : i32
          %get3A_609 = arith.index_cast %add3A_608 : i32 to index
          %get3A_610 = arith.index_cast %multiple_of3A_581 : i32 to index
          %get3A_611 = tpu.vector_load %arg7[%get3A_609, %get3A_610] {strides = array<i32>} : memref<32x1024xf32, #tpu.memory_space<vmem>>, vector<16xf32>,
          %add3A_612 = arith.constant 3 : i32
          %add3A_613 = arith.addi %add3A_78, %add3A_612 : i32
          %get3A_614 = arith.index_cast %add3A_613 : i32 to index
          %get3A_615 = arith.index_cast %multiple_of3A_581 : i32 to index
          %get3A_616 = tpu.vector_load %arg7[%get3A_614, %get3A_615] {strides = array<i32>} : memref<32x1024xf32, #tpu.memory_space<vmem>>, vector<16xf32>,
          %add3A_617 = arith.constant 4 : i32
          %add3A_618 = arith.addi %add3A_78, %add3A_617 : i32
          %get3A_619 = arith.index_cast %add3A_618 : i32 to index
          %get3A_620 = arith.index_cast %multiple_of3A_581 : i32 to index
          %get3A_621 = tpu.vector_load %arg7[%get3A_619, %get3A_620] {strides = array<i32>} : memref<32x1024xf32, #tpu.memory_space<vmem>>, vector<16xf32>,
          %add3A_622 = arith.constant 5 : i32
          %add3A_623 = arith.addi %add3A_78, %add3A_622 : i32
          %get3A_624 = arith.index_cast %add3A_623 : i32 to index
          %get3A_625 = arith.index_cast %multiple_of3A_581 : i32 to index
          %get3A_626 = tpu.vector_load %arg7[%get3A_624, %get3A_625] {strides = array<i32>} : memref<32x1024xf32, #tpu.memory_space<vmem>>, vector<16xf32>,
          %add3A_627 = arith.constant 6 : i32
          %add3A_628 = arith.addi %add3A_78, %add3A_627 : i32
          %get3A_629 = arith.index_cast %add3A_628 : i32 to index
          %get3A_630 = arith.index_cast %multiple_of3A_581 : i32 to index
          %get3A_631 = tpu.vector_load %arg7[%get3A_629, %get3A_630] {strides = array<i32>} : memref<32x1024xf32, #tpu.memory_space<vmem>>, vector<16xf32>,
          %add3A_632 = arith.constant 7 : i32
          %add3A_633 = arith.addi %add3A_78, %add3A_632 : i32
          %get3A_634 = arith.index_cast %add3A_633 : i32 to index
          %get3A_635 = arith.index_cast %multiple_of3A_581 : i32 to index
          %get3A_636 = tpu.vector_load %arg7[%get3A_634, %get3A_635] {strides = array<i32>} : memref<32x1024xf32, #tpu.memory_space<vmem>>, vector<16xf32>,
          %mul3A_637 = arith.mulf %get3A_601, %get3A_586 : vector<16xf32>
          %add3A_638 = arith.addf %add3A_530, %mul3A_637 : vector<16xf32>
          %mul3A_639 = arith.mulf %get3A_606, %get3A_586 : vector<16xf32>
          %add3A_640 = arith.addf %add3A_532, %mul3A_639 : vector<16xf32>
          %mul3A_641 = arith.mulf %get3A_611, %get3A_586 : vector<16xf32>
          %add3A_642 = arith.addf %add3A_534, %mul3A_641 : vector<16xf32>
          %mul3A_643 = arith.mulf %get3A_616, %get3A_586 : vector<16xf32>
          %add3A_644 = arith.addf %add3A_536, %mul3A_643 : vector<16xf32>
          %mul3A_645 = arith.mulf %get3A_621, %get3A_586 : vector<16xf32>
          %add3A_646 = arith.addf %add3A_538, %mul3A_645 : vector<16xf32>
          %mul3A_647 = arith.mulf %get3A_626, %get3A_586 : vector<16xf32>
          %add3A_648 = arith.addf %add3A_540, %mul3A_647 : vector<16xf32>
          %mul3A_649 = arith.mulf %get3A_631, %get3A_586 : vector<16xf32>
          %add3A_650 = arith.addf %add3A_542, %mul3A_649 : vector<16xf32>
          %mul3A_651 = arith.mulf %get3A_636, %get3A_586 : vector<16xf32>
          %add3A_652 = arith.addf %add3A_544, %mul3A_651 : vector<16xf32>
          %mul3A_653 = arith.mulf %get3A_601, %get3A_591 : vector<16xf32>
          %add3A_654 = arith.addf %add3A_546, %mul3A_653 : vector<16xf32>
          %mul3A_655 = arith.mulf %get3A_606, %get3A_591 : vector<16xf32>
          %add3A_656 = arith.addf %add3A_548, %mul3A_655 : vector<16xf32>
          %mul3A_657 = arith.mulf %get3A_611, %get3A_591 : vector<16xf32>
          %add3A_658 = arith.addf %add3A_550, %mul3A_657 : vector<16xf32>
          %mul3A_659 = arith.mulf %get3A_616, %get3A_591 : vector<16xf32>
          %add3A_660 = arith.addf %add3A_552, %mul3A_659 : vector<16xf32>
          %mul3A_661 = arith.mulf %get3A_621, %get3A_591 : vector<16xf32>
          %add3A_662 = arith.addf %add3A_554, %mul3A_661 : vector<16xf32>
          %mul3A_663 = arith.mulf %get3A_626, %get3A_591 : vector<16xf32>
          %add3A_664 = arith.addf %add3A_556, %mul3A_663 : vector<16xf32>
          %mul3A_665 = arith.mulf %get3A_631, %get3A_591 : vector<16xf32>
          %add3A_666 = arith.addf %add3A_558, %mul3A_665 : vector<16xf32>
          %mul3A_667 = arith.mulf %get3A_636, %get3A_591 : vector<16xf32>
          %add3A_668 = arith.addf %add3A_560, %mul3A_667 : vector<16xf32>
          %mul3A_669 = arith.mulf %get3A_601, %get3A_596 : vector<16xf32>
          %add3A_670 = arith.addf %add3A_562, %mul3A_669 : vector<16xf32>
          %mul3A_671 = arith.mulf %get3A_606, %get3A_596 : vector<16xf32>
          %add3A_672 = arith.addf %add3A_564, %mul3A_671 : vector<16xf32>
          %mul3A_673 = arith.mulf %get3A_611, %get3A_596 : vector<16xf32>
          %add3A_674 = arith.addf %add3A_566, %mul3A_673 : vector<16xf32>
          %mul3A_675 = arith.mulf %get3A_616, %get3A_596 : vector<16xf32>
          %add3A_676 = arith.addf %add3A_568, %mul3A_675 : vector<16xf32>
          %mul3A_677 = arith.mulf %get3A_621, %get3A_596 : vector<16xf32>
          %add3A_678 = arith.addf %add3A_570, %mul3A_677 : vector<16xf32>
          %mul3A_679 = arith.mulf %get3A_626, %get3A_596 : vector<16xf32>
          %add3A_680 = arith.addf %add3A_572, %mul3A_679 : vector<16xf32>
          %mul3A_681 = arith.mulf %get3A_631, %get3A_596 : vector<16xf32>
          %add3A_682 = arith.addf %add3A_574, %mul3A_681 : vector<16xf32>
          %mul3A_683 = arith.mulf %get3A_636, %get3A_596 : vector<16xf32>
          %add3A_684 = arith.addf %add3A_576, %mul3A_683 : vector<16xf32>
          scf.yield %add3A_638, %add3A_640, %add3A_642, %add3A_644, %add3A_646, %add3A_648, %add3A_650, %add3A_652, %add3A_654, %add3A_656, %add3A_658, %add3A_660, %add3A_662, %add3A_664, %add3A_666, %add3A_668, %add3A_670, %add3A_672, %add3A_674, %add3A_676, %add3A_678, %add3A_680, %add3A_682, %add3A_684 : vector<16xf32>, vector<16xf32>, vector<16xf32>, vector<16xf32>, vector<16xf32>, vector<16xf32>, vector<16xf32>, vector<16xf32>, vector<16xf32>, vector<16xf32>, vector<16xf32>, vector<16xf32>, vector<16xf32>, vector<16xf32>, vector<16xf32>, vector<16xf32>, vector<16xf32>, vector<16xf32>, vector<16xf32>, vector<16xf32>, vector<16xf32>, vector<16xf32>, vector<16xf32>, vector<16xf32>
        }
        %scan3A_85 = arith.constant 64 : i32
        %swap3A = arith.constant 0 : index
        %swap3A_86 = tpu.vector_load %arg11[%swap3A] {strides = array<i32>} : memref<816xf32, #tpu.memory_space<vmem>>, vector<16xf32>,
        tpu.vector_store %arg11[%swap3A], %scan3A_84#0 {strides = array<i32>} : memref<816xf32, #tpu.memory_space<vmem>>, vector<16xf32>,
        %swap3A_87 = arith.constant 17 : index
        %swap3A_88 = tpu.vector_load %arg11[%swap3A_87] {strides = array<i32>} : memref<816xf32, #tpu.memory_space<vmem>>, vector<16xf32>,
        tpu.vector_store %arg11[%swap3A_87], %scan3A_84#1 {strides = array<i32>} : memref<816xf32, #tpu.memory_space<vmem>>, vector<16xf32>,
        %swap3A_89 = arith.constant 34 : index
        %swap3A_90 = tpu.vector_load %arg11[%swap3A_89] {strides = array<i32>} : memref<816xf32, #tpu.memory_space<vmem>>, vector<16xf32>,
        tpu.vector_store %arg11[%swap3A_89], %scan3A_84#2 {strides = array<i32>} : memref<816xf32, #tpu.memory_space<vmem>>, vector<16xf32>,
        %swap3A_91 = arith.constant 51 : index
        %swap3A_92 = tpu.vector_load %arg11[%swap3A_91] {strides = array<i32>} : memref<816xf32, #tpu.memory_space<vmem>>, vector<16xf32>,
        tpu.vector_store %arg11[%swap3A_91], %scan3A_84#3 {strides = array<i32>} : memref<816xf32, #tpu.memory_space<vmem>>, vector<16xf32>,
        %swap3A_93 = arith.constant 68 : index
        %swap3A_94 = tpu.vector_load %arg11[%swap3A_93] {strides = array<i32>} : memref<816xf32, #tpu.memory_space<vmem>>, vector<16xf32>,
        tpu.vector_store %arg11[%swap3A_93], %scan3A_84#4 {strides = array<i32>} : memref<816xf32, #tpu.memory_space<vmem>>, vector<16xf32>,
        %swap3A_95 = arith.constant 85 : index
        %swap3A_96 = tpu.vector_load %arg11[%swap3A_95] {strides = array<i32>} : memref<816xf32, #tpu.memory_space<vmem>>, vector<16xf32>,
        tpu.vector_store %arg11[%swap3A_95], %scan3A_84#5 {strides = array<i32>} : memref<816xf32, #tpu.memory_space<vmem>>, vector<16xf32>,
        %swap3A_97 = arith.constant 102 : index
        %swap3A_98 = tpu.vector_load %arg11[%swap3A_97] {strides = array<i32>} : memref<816xf32, #tpu.memory_space<vmem>>, vector<16xf32>,
        tpu.vector_store %arg11[%swap3A_97], %scan3A_84#6 {strides = array<i32>} : memref<816xf32, #tpu.memory_space<vmem>>, vector<16xf32>,
        %swap3A_99 = arith.constant 119 : index
        %swap3A_100 = tpu.vector_load %arg11[%swap3A_99] {strides = array<i32>} : memref<816xf32, #tpu.memory_space<vmem>>, vector<16xf32>,
        tpu.vector_store %arg11[%swap3A_99], %scan3A_84#7 {strides = array<i32>} : memref<816xf32, #tpu.memory_space<vmem>>, vector<16xf32>,
        %swap3A_101 = arith.constant 272 : index
        %swap3A_102 = tpu.vector_load %arg11[%swap3A_101] {strides = array<i32>} : memref<816xf32, #tpu.memory_space<vmem>>, vector<16xf32>,
        tpu.vector_store %arg11[%swap3A_101], %scan3A_84#8 {strides = array<i32>} : memref<816xf32, #tpu.memory_space<vmem>>, vector<16xf32>,
        %swap3A_103 = arith.constant 289 : index
        %swap3A_104 = tpu.vector_load %arg11[%swap3A_103] {strides = array<i32>} : memref<816xf32, #tpu.memory_space<vmem>>, vector<16xf32>,
        tpu.vector_store %arg11[%swap3A_103], %scan3A_84#9 {strides = array<i32>} : memref<816xf32, #tpu.memory_space<vmem>>, vector<16xf32>,
        %swap3A_105 = arith.constant 306 : index
        %swap3A_106 = tpu.vector_load %arg11[%swap3A_105] {strides = array<i32>} : memref<816xf32, #tpu.memory_space<vmem>>, vector<16xf32>,
        tpu.vector_store %arg11[%swap3A_105], %scan3A_84#10 {strides = array<i32>} : memref<816xf32, #tpu.memory_space<vmem>>, vector<16xf32>,
        %swap3A_107 = arith.constant 323 : index
        %swap3A_108 = tpu.vector_load %arg11[%swap3A_107] {strides = array<i32>} : memref<816xf32, #tpu.memory_space<vmem>>, vector<16xf32>,
        tpu.vector_store %arg11[%swap3A_107], %scan3A_84#11 {strides = array<i32>} : memref<816xf32, #tpu.memory_space<vmem>>, vector<16xf32>,
        %swap3A_109 = arith.constant 340 : index
        %swap3A_110 = tpu.vector_load %arg11[%swap3A_109] {strides = array<i32>} : memref<816xf32, #tpu.memory_space<vmem>>, vector<16xf32>,
        tpu.vector_store %arg11[%swap3A_109], %scan3A_84#12 {strides = array<i32>} : memref<816xf32, #tpu.memory_space<vmem>>, vector<16xf32>,
        %swap3A_111 = arith.constant 357 : index
        %swap3A_112 = tpu.vector_load %arg11[%swap3A_111] {strides = array<i32>} : memref<816xf32, #tpu.memory_space<vmem>>, vector<16xf32>,
        tpu.vector_store %arg11[%swap3A_111], %scan3A_84#13 {strides = array<i32>} : memref<816xf32, #tpu.memory_space<vmem>>, vector<16xf32>,
        %swap3A_113 = arith.constant 374 : index
        %swap3A_114 = tpu.vector_load %arg11[%swap3A_113] {strides = array<i32>} : memref<816xf32, #tpu.memory_space<vmem>>, vector<16xf32>,
        tpu.vector_store %arg11[%swap3A_113], %scan3A_84#14 {strides = array<i32>} : memref<816xf32, #tpu.memory_space<vmem>>, vector<16xf32>,
        %swap3A_115 = arith.constant 391 : index
        %swap3A_116 = tpu.vector_load %arg11[%swap3A_115] {strides = array<i32>} : memref<816xf32, #tpu.memory_space<vmem>>, vector<16xf32>,
        tpu.vector_store %arg11[%swap3A_115], %scan3A_84#15 {strides = array<i32>} : memref<816xf32, #tpu.memory_space<vmem>>, vector<16xf32>,
        %swap3A_117 = arith.constant 544 : index
        %swap3A_118 = tpu.vector_load %arg11[%swap3A_117] {strides = array<i32>} : memref<816xf32, #tpu.memory_space<vmem>>, vector<16xf32>,
        tpu.vector_store %arg11[%swap3A_117], %scan3A_84#16 {strides = array<i32>} : memref<816xf32, #tpu.memory_space<vmem>>, vector<16xf32>,
        %swap3A_119 = arith.constant 561 : index
        %swap3A_120 = tpu.vector_load %arg11[%swap3A_119] {strides = array<i32>} : memref<816xf32, #tpu.memory_space<vmem>>, vector<16xf32>,
        tpu.vector_store %arg11[%swap3A_119], %scan3A_84#17 {strides = array<i32>} : memref<816xf32, #tpu.memory_space<vmem>>, vector<16xf32>,
        %swap3A_121 = arith.constant 578 : index
        %swap3A_122 = tpu.vector_load %arg11[%swap3A_121] {strides = array<i32>} : memref<816xf32, #tpu.memory_space<vmem>>, vector<16xf32>,
        tpu.vector_store %arg11[%swap3A_121], %scan3A_84#18 {strides = array<i32>} : memref<816xf32, #tpu.memory_space<vmem>>, vector<16xf32>,
        %swap3A_123 = arith.constant 595 : index
        %swap3A_124 = tpu.vector_load %arg11[%swap3A_123] {strides = array<i32>} : memref<816xf32, #tpu.memory_space<vmem>>, vector<16xf32>,
        tpu.vector_store %arg11[%swap3A_123], %scan3A_84#19 {strides = array<i32>} : memref<816xf32, #tpu.memory_space<vmem>>, vector<16xf32>,
        %swap3A_125 = arith.constant 612 : index
        %swap3A_126 = tpu.vector_load %arg11[%swap3A_125] {strides = array<i32>} : memref<816xf32, #tpu.memory_space<vmem>>, vector<16xf32>,
        tpu.vector_store %arg11[%swap3A_125], %scan3A_84#20 {strides = array<i32>} : memref<816xf32, #tpu.memory_space<vmem>>, vector<16xf32>,
        %swap3A_127 = arith.constant 629 : index
        %swap3A_128 = tpu.vector_load %arg11[%swap3A_127] {strides = array<i32>} : memref<816xf32, #tpu.memory_space<vmem>>, vector<16xf32>,
        tpu.vector_store %arg11[%swap3A_127], %scan3A_84#21 {strides = array<i32>} : memref<816xf32, #tpu.memory_space<vmem>>, vector<16xf32>,
        %swap3A_129 = arith.constant 646 : index
        %swap3A_130 = tpu.vector_load %arg11[%swap3A_129] {strides = array<i32>} : memref<816xf32, #tpu.memory_space<vmem>>, vector<16xf32>,
        tpu.vector_store %arg11[%swap3A_129], %scan3A_84#22 {strides = array<i32>} : memref<816xf32, #tpu.memory_space<vmem>>, vector<16xf32>,
        %swap3A_131 = arith.constant 663 : index
        %swap3A_132 = tpu.vector_load %arg11[%swap3A_131] {strides = array<i32>} : memref<816xf32, #tpu.memory_space<vmem>>, vector<16xf32>,
        tpu.vector_store %arg11[%swap3A_131], %scan3A_84#23 {strides = array<i32>} : memref<816xf32, #tpu.memory_space<vmem>>, vector<16xf32>,
        %mul3A_133 = arith.constant 16 : i32
        %mul3A_134 = arith.muli %scan3A_73, %mul3A_133 : i32
        %add3A_135 = arith.constant 8 : i32
        %add3A_136 = arith.addi %mul3A_134, %add3A_135 : i32
        %broadcast_in_dim3A_137 = arith.constant 0.000000e+00 : f32
        %broadcast_in_dim3A_138 = vector.broadcast %broadcast_in_dim3A_137 : f32 to vector<16xf32>
        %scan3A_139 = arith.constant 0 : i32
        %scan3A_140 = arith.constant 64 : i32
        %scan3A_141 = arith.addi %scan3A_139, %scan3A_140 : i32
        %scan3A_142 = arith.constant 2 : i32
        %scan3A_143:24 = scf.for %scan3A_447 = %scan3A_139 to %scan3A_141 step %scan3A_142 iter_args(%scan3A_448 = %broadcast_in_dim3A_138, %scan3A_449 = %broadcast_in_dim3A_138, %scan3A_450 = %broadcast_in_dim3A_138, %scan3A_451 = %broadcast_in_dim3A_138, %scan3A_452 = %broadcast_in_dim3A_138, %scan3A_453 = %broadcast_in_dim3A_138, %scan3A_454 = %broadcast_in_dim3A_138, %scan3A_455 = %broadcast_in_dim3A_138, %scan3A_456 = %broadcast_in_dim3A_138, %scan3A_457 = %broadcast_in_dim3A_138, %scan3A_458 = %broadcast_in_dim3A_138, %scan3A_459 = %broadcast_in_dim3A_138, %scan3A_460 = %broadcast_in_dim3A_138, %scan3A_461 = %broadcast_in_dim3A_138, %scan3A_462 = %broadcast_in_dim3A_138, %scan3A_463 = %broadcast_in_dim3A_138, %scan3A_464 = %broadcast_in_dim3A_138, %scan3A_465 = %broadcast_in_dim3A_138, %scan3A_466 = %broadcast_in_dim3A_138, %scan3A_467 = %broadcast_in_dim3A_138, %scan3A_468 = %broadcast_in_dim3A_138, %scan3A_469 = %broadcast_in_dim3A_138, %scan3A_470 = %broadcast_in_dim3A_138, %scan3A_471 = %broadcast_in_dim3A_138) -> (vector<16xf32>, vector<16xf32>, vector<16xf32>, vector<16xf32>, vector<16xf32>, vector<16xf32>, vector<16xf32>, vector<16xf32>, vector<16xf32>, vector<16xf32>, vector<16xf32>, vector<16xf32>, vector<16xf32>, vector<16xf32>, vector<16xf32>, vector<16xf32>, vector<16xf32>, vector<16xf32>, vector<16xf32>, vector<16xf32>, vector<16xf32>, vector<16xf32>, vector<16xf32>, vector<16xf32>)  : i32 {
          %mul3A_472 = arith.constant 16 : i32
          %mul3A_473 = arith.muli %scan3A_447, %mul3A_472 : i32
          %multiple_of3A_474 = tpu.assume_multiple %mul3A_473, 16 : i32
          %add3A_475 = arith.constant 0 : i32
          %add3A_476 = arith.addi %add3A_475, %multiple_of3A_474 : i32
          %multiple_of3A_477 = tpu.assume_multiple %add3A_476, 16 : i32
          %get3A = arith.index_cast %multiple_of3A_477 : i32 to index
          %get3A_478 = tpu.vector_load %arg9[%get3A] {strides = array<i32>} : memref<3072xf32, #tpu.memory_space<vmem>>, vector<16xf32>,
          %add3A_479 = arith.constant 1024 : i32
          %add3A_480 = arith.addi %add3A_479, %multiple_of3A_474 : i32
          %multiple_of3A_481 = tpu.assume_multiple %add3A_480, 16 : i32
          %get3A_482 = arith.index_cast %multiple_of3A_481 : i32 to index
          %get3A_483 = tpu.vector_load %arg9[%get3A_482] {strides = array<i32>} : memref<3072xf32, #tpu.memory_space<vmem>>, vector<16xf32>,
          %add3A_484 = arith.constant 2048 : i32
          %add3A_485 = arith.addi %add3A_484, %multiple_of3A_474 : i32
          %multiple_of3A_486 = tpu.assume_multiple %add3A_485, 16 : i32
          %get3A_487 = arith.index_cast %multiple_of3A_486 : i32 to index
          %get3A_488 = tpu.vector_load %arg9[%get3A_487] {strides = array<i32>} : memref<3072xf32, #tpu.memory_space<vmem>>, vector<16xf32>,
          %add3A_489 = arith.constant 0 : i32
          %add3A_490 = arith.addi %add3A_136, %add3A_489 : i32
          %get3A_491 = arith.index_cast %add3A_490 : i32 to index
          %get3A_492 = arith.index_cast %multiple_of3A_474 : i32 to index
          %get3A_493 = tpu.vector_load %arg7[%get3A_491, %get3A_492] {strides = array<i32>} : memref<32x1024xf32, #tpu.memory_space<vmem>>, vector<16xf32>,
          %add3A_494 = arith.constant 1 : i32
          %add3A_495 = arith.addi %add3A_136, %add3A_494 : i32
          %get3A_496 = arith.index_cast %add3A_495 : i32 to index
          %get3A_497 = arith.index_cast %multiple_of3A_474 : i32 to index
          %get3A_498 = tpu.vector_load %arg7[%get3A_496, %get3A_497] {strides = array<i32>} : memref<32x1024xf32, #tpu.memory_space<vmem>>, vector<16xf32>,
          %add3A_499 = arith.constant 2 : i32
          %add3A_500 = arith.addi %add3A_136, %add3A_499 : i32
          %get3A_501 = arith.index_cast %add3A_500 : i32 to index
          %get3A_502 = arith.index_cast %multiple_of3A_474 : i32 to index
          %get3A_503 = tpu.vector_load %arg7[%get3A_501, %get3A_502] {strides = array<i32>} : memref<32x1024xf32, #tpu.memory_space<vmem>>, vector<16xf32>,
          %add3A_504 = arith.constant 3 : i32
          %add3A_505 = arith.addi %add3A_136, %add3A_504 : i32
          %get3A_506 = arith.index_cast %add3A_505 : i32 to index
          %get3A_507 = arith.index_cast %multiple_of3A_474 : i32 to index
          %get3A_508 = tpu.vector_load %arg7[%get3A_506, %get3A_507] {strides = array<i32>} : memref<32x1024xf32, #tpu.memory_space<vmem>>, vector<16xf32>,
          %add3A_509 = arith.constant 4 : i32
          %add3A_510 = arith.addi %add3A_136, %add3A_509 : i32
          %get3A_511 = arith.index_cast %add3A_510 : i32 to index
          %get3A_512 = arith.index_cast %multiple_of3A_474 : i32 to index
          %get3A_513 = tpu.vector_load %arg7[%get3A_511, %get3A_512] {strides = array<i32>} : memref<32x1024xf32, #tpu.memory_space<vmem>>, vector<16xf32>,
          %add3A_514 = arith.constant 5 : i32
          %add3A_515 = arith.addi %add3A_136, %add3A_514 : i32
          %get3A_516 = arith.index_cast %add3A_515 : i32 to index
          %get3A_517 = arith.index_cast %multiple_of3A_474 : i32 to index
          %get3A_518 = tpu.vector_load %arg7[%get3A_516, %get3A_517] {strides = array<i32>} : memref<32x1024xf32, #tpu.memory_space<vmem>>, vector<16xf32>,
          %add3A_519 = arith.constant 6 : i32
          %add3A_520 = arith.addi %add3A_136, %add3A_519 : i32
          %get3A_521 = arith.index_cast %add3A_520 : i32 to index
          %get3A_522 = arith.index_cast %multiple_of3A_474 : i32 to index
          %get3A_523 = tpu.vector_load %arg7[%get3A_521, %get3A_522] {strides = array<i32>} : memref<32x1024xf32, #tpu.memory_space<vmem>>, vector<16xf32>,
          %add3A_524 = arith.constant 7 : i32
          %add3A_525 = arith.addi %add3A_136, %add3A_524 : i32
          %get3A_526 = arith.index_cast %add3A_525 : i32 to index
          %get3A_527 = arith.index_cast %multiple_of3A_474 : i32 to index
          %get3A_528 = tpu.vector_load %arg7[%get3A_526, %get3A_527] {strides = array<i32>} : memref<32x1024xf32, #tpu.memory_space<vmem>>, vector<16xf32>,
          %mul3A_529 = arith.mulf %get3A_493, %get3A_478 : vector<16xf32>
          %add3A_530 = arith.addf %scan3A_448, %mul3A_529 : vector<16xf32>
          %mul3A_531 = arith.mulf %get3A_498, %get3A_478 : vector<16xf32>
          %add3A_532 = arith.addf %scan3A_449, %mul3A_531 : vector<16xf32>
          %mul3A_533 = arith.mulf %get3A_503, %get3A_478 : vector<16xf32>
          %add3A_534 = arith.addf %scan3A_450, %mul3A_533 : vector<16xf32>
          %mul3A_535 = arith.mulf %get3A_508, %get3A_478 : vector<16xf32>
          %add3A_536 = arith.addf %scan3A_451, %mul3A_535 : vector<16xf32>
          %mul3A_537 = arith.mulf %get3A_513, %get3A_478 : vector<16xf32>
          %add3A_538 = arith.addf %scan3A_452, %mul3A_537 : vector<16xf32>
          %mul3A_539 = arith.mulf %get3A_518, %get3A_478 : vector<16xf32>
          %add3A_540 = arith.addf %scan3A_453, %mul3A_539 : vector<16xf32>
          %mul3A_541 = arith.mulf %get3A_523, %get3A_478 : vector<16xf32>
          %add3A_542 = arith.addf %scan3A_454, %mul3A_541 : vector<16xf32>
          %mul3A_543 = arith.mulf %get3A_528, %get3A_478 : vector<16xf32>
          %add3A_544 = arith.addf %scan3A_455, %mul3A_543 : vector<16xf32>
          %mul3A_545 = arith.mulf %get3A_493, %get3A_483 : vector<16xf32>
          %add3A_546 = arith.addf %scan3A_456, %mul3A_545 : vector<16xf32>
          %mul3A_547 = arith.mulf %get3A_498, %get3A_483 : vector<16xf32>
          %add3A_548 = arith.addf %scan3A_457, %mul3A_547 : vector<16xf32>
          %mul3A_549 = arith.mulf %get3A_503, %get3A_483 : vector<16xf32>
          %add3A_550 = arith.addf %scan3A_458, %mul3A_549 : vector<16xf32>
          %mul3A_551 = arith.mulf %get3A_508, %get3A_483 : vector<16xf32>
          %add3A_552 = arith.addf %scan3A_459, %mul3A_551 : vector<16xf32>
          %mul3A_553 = arith.mulf %get3A_513, %get3A_483 : vector<16xf32>
          %add3A_554 = arith.addf %scan3A_460, %mul3A_553 : vector<16xf32>
          %mul3A_555 = arith.mulf %get3A_518, %get3A_483 : vector<16xf32>
          %add3A_556 = arith.addf %scan3A_461, %mul3A_555 : vector<16xf32>
          %mul3A_557 = arith.mulf %get3A_523, %get3A_483 : vector<16xf32>
          %add3A_558 = arith.addf %scan3A_462, %mul3A_557 : vector<16xf32>
          %mul3A_559 = arith.mulf %get3A_528, %get3A_483 : vector<16xf32>
          %add3A_560 = arith.addf %scan3A_463, %mul3A_559 : vector<16xf32>
          %mul3A_561 = arith.mulf %get3A_493, %get3A_488 : vector<16xf32>
          %add3A_562 = arith.addf %scan3A_464, %mul3A_561 : vector<16xf32>
          %mul3A_563 = arith.mulf %get3A_498, %get3A_488 : vector<16xf32>
          %add3A_564 = arith.addf %scan3A_465, %mul3A_563 : vector<16xf32>
          %mul3A_565 = arith.mulf %get3A_503, %get3A_488 : vector<16xf32>
          %add3A_566 = arith.addf %scan3A_466, %mul3A_565 : vector<16xf32>
          %mul3A_567 = arith.mulf %get3A_508, %get3A_488 : vector<16xf32>
          %add3A_568 = arith.addf %scan3A_467, %mul3A_567 : vector<16xf32>
          %mul3A_569 = arith.mulf %get3A_513, %get3A_488 : vector<16xf32>
          %add3A_570 = arith.addf %scan3A_468, %mul3A_569 : vector<16xf32>
          %mul3A_571 = arith.mulf %get3A_518, %get3A_488 : vector<16xf32>
          %add3A_572 = arith.addf %scan3A_469, %mul3A_571 : vector<16xf32>
          %mul3A_573 = arith.mulf %get3A_523, %get3A_488 : vector<16xf32>
          %add3A_574 = arith.addf %scan3A_470, %mul3A_573 : vector<16xf32>
          %mul3A_575 = arith.mulf %get3A_528, %get3A_488 : vector<16xf32>
          %add3A_576 = arith.addf %scan3A_471, %mul3A_575 : vector<16xf32>
          %scan3A_577 = arith.constant 1 : i32
          %scan3A_578 = arith.addi %scan3A_447, %scan3A_577 : i32
          %mul3A_579 = arith.constant 16 : i32
          %mul3A_580 = arith.muli %scan3A_578, %mul3A_579 : i32
          %multiple_of3A_581 = tpu.assume_multiple %mul3A_580, 16 : i32
          %add3A_582 = arith.constant 0 : i32
          %add3A_583 = arith.addi %add3A_582, %multiple_of3A_581 : i32
          %multiple_of3A_584 = tpu.assume_multiple %add3A_583, 16 : i32
          %get3A_585 = arith.index_cast %multiple_of3A_584 : i32 to index
          %get3A_586 = tpu.vector_load %arg9[%get3A_585] {strides = array<i32>} : memref<3072xf32, #tpu.memory_space<vmem>>, vector<16xf32>,
          %add3A_587 = arith.constant 1024 : i32
          %add3A_588 = arith.addi %add3A_587, %multiple_of3A_581 : i32
          %multiple_of3A_589 = tpu.assume_multiple %add3A_588, 16 : i32
          %get3A_590 = arith.index_cast %multiple_of3A_589 : i32 to index
          %get3A_591 = tpu.vector_load %arg9[%get3A_590] {strides = array<i32>} : memref<3072xf32, #tpu.memory_space<vmem>>, vector<16xf32>,
          %add3A_592 = arith.constant 2048 : i32
          %add3A_593 = arith.addi %add3A_592, %multiple_of3A_581 : i32
          %multiple_of3A_594 = tpu.assume_multiple %add3A_593, 16 : i32
          %get3A_595 = arith.index_cast %multiple_of3A_594 : i32 to index
          %get3A_596 = tpu.vector_load %arg9[%get3A_595] {strides = array<i32>} : memref<3072xf32, #tpu.memory_space<vmem>>, vector<16xf32>,
          %add3A_597 = arith.constant 0 : i32
          %add3A_598 = arith.addi %add3A_136, %add3A_597 : i32
          %get3A_599 = arith.index_cast %add3A_598 : i32 to index
          %get3A_600 = arith.index_cast %multiple_of3A_581 : i32 to index
          %get3A_601 = tpu.vector_load %arg7[%get3A_599, %get3A_600] {strides = array<i32>} : memref<32x1024xf32, #tpu.memory_space<vmem>>, vector<16xf32>,
          %add3A_602 = arith.constant 1 : i32
          %add3A_603 = arith.addi %add3A_136, %add3A_602 : i32
          %get3A_604 = arith.index_cast %add3A_603 : i32 to index
          %get3A_605 = arith.index_cast %multiple_of3A_581 : i32 to index
          %get3A_606 = tpu.vector_load %arg7[%get3A_604, %get3A_605] {strides = array<i32>} : memref<32x1024xf32, #tpu.memory_space<vmem>>, vector<16xf32>,
          %add3A_607 = arith.constant 2 : i32
          %add3A_608 = arith.addi %add3A_136, %add3A_607 : i32
          %get3A_609 = arith.index_cast %add3A_608 : i32 to index
          %get3A_610 = arith.index_cast %multiple_of3A_581 : i32 to index
          %get3A_611 = tpu.vector_load %arg7[%get3A_609, %get3A_610] {strides = array<i32>} : memref<32x1024xf32, #tpu.memory_space<vmem>>, vector<16xf32>,
          %add3A_612 = arith.constant 3 : i32
          %add3A_613 = arith.addi %add3A_136, %add3A_612 : i32
          %get3A_614 = arith.index_cast %add3A_613 : i32 to index
          %get3A_615 = arith.index_cast %multiple_of3A_581 : i32 to index
          %get3A_616 = tpu.vector_load %arg7[%get3A_614, %get3A_615] {strides = array<i32>} : memref<32x1024xf32, #tpu.memory_space<vmem>>, vector<16xf32>,
          %add3A_617 = arith.constant 4 : i32
          %add3A_618 = arith.addi %add3A_136, %add3A_617 : i32
          %get3A_619 = arith.index_cast %add3A_618 : i32 to index
          %get3A_620 = arith.index_cast %multiple_of3A_581 : i32 to index
          %get3A_621 = tpu.vector_load %arg7[%get3A_619, %get3A_620] {strides = array<i32>} : memref<32x1024xf32, #tpu.memory_space<vmem>>, vector<16xf32>,
          %add3A_622 = arith.constant 5 : i32
          %add3A_623 = arith.addi %add3A_136, %add3A_622 : i32
          %get3A_624 = arith.index_cast %add3A_623 : i32 to index
          %get3A_625 = arith.index_cast %multiple_of3A_581 : i32 to index
          %get3A_626 = tpu.vector_load %arg7[%get3A_624, %get3A_625] {strides = array<i32>} : memref<32x1024xf32, #tpu.memory_space<vmem>>, vector<16xf32>,
          %add3A_627 = arith.constant 6 : i32
          %add3A_628 = arith.addi %add3A_136, %add3A_627 : i32
          %get3A_629 = arith.index_cast %add3A_628 : i32 to index
          %get3A_630 = arith.index_cast %multiple_of3A_581 : i32 to index
          %get3A_631 = tpu.vector_load %arg7[%get3A_629, %get3A_630] {strides = array<i32>} : memref<32x1024xf32, #tpu.memory_space<vmem>>, vector<16xf32>,
          %add3A_632 = arith.constant 7 : i32
          %add3A_633 = arith.addi %add3A_136, %add3A_632 : i32
          %get3A_634 = arith.index_cast %add3A_633 : i32 to index
          %get3A_635 = arith.index_cast %multiple_of3A_581 : i32 to index
          %get3A_636 = tpu.vector_load %arg7[%get3A_634, %get3A_635] {strides = array<i32>} : memref<32x1024xf32, #tpu.memory_space<vmem>>, vector<16xf32>,
          %mul3A_637 = arith.mulf %get3A_601, %get3A_586 : vector<16xf32>
          %add3A_638 = arith.addf %add3A_530, %mul3A_637 : vector<16xf32>
          %mul3A_639 = arith.mulf %get3A_606, %get3A_586 : vector<16xf32>
          %add3A_640 = arith.addf %add3A_532, %mul3A_639 : vector<16xf32>
          %mul3A_641 = arith.mulf %get3A_611, %get3A_586 : vector<16xf32>
          %add3A_642 = arith.addf %add3A_534, %mul3A_641 : vector<16xf32>
          %mul3A_643 = arith.mulf %get3A_616, %get3A_586 : vector<16xf32>
          %add3A_644 = arith.addf %add3A_536, %mul3A_643 : vector<16xf32>
          %mul3A_645 = arith.mulf %get3A_621, %get3A_586 : vector<16xf32>
          %add3A_646 = arith.addf %add3A_538, %mul3A_645 : vector<16xf32>
          %mul3A_647 = arith.mulf %get3A_626, %get3A_586 : vector<16xf32>
          %add3A_648 = arith.addf %add3A_540, %mul3A_647 : vector<16xf32>
          %mul3A_649 = arith.mulf %get3A_631, %get3A_586 : vector<16xf32>
          %add3A_650 = arith.addf %add3A_542, %mul3A_649 : vector<16xf32>
          %mul3A_651 = arith.mulf %get3A_636, %get3A_586 : vector<16xf32>
          %add3A_652 = arith.addf %add3A_544, %mul3A_651 : vector<16xf32>
          %mul3A_653 = arith.mulf %get3A_601, %get3A_591 : vector<16xf32>
          %add3A_654 = arith.addf %add3A_546, %mul3A_653 : vector<16xf32>
          %mul3A_655 = arith.mulf %get3A_606, %get3A_591 : vector<16xf32>
          %add3A_656 = arith.addf %add3A_548, %mul3A_655 : vector<16xf32>
          %mul3A_657 = arith.mulf %get3A_611, %get3A_591 : vector<16xf32>
          %add3A_658 = arith.addf %add3A_550, %mul3A_657 : vector<16xf32>
          %mul3A_659 = arith.mulf %get3A_616, %get3A_591 : vector<16xf32>
          %add3A_660 = arith.addf %add3A_552, %mul3A_659 : vector<16xf32>
          %mul3A_661 = arith.mulf %get3A_621, %get3A_591 : vector<16xf32>
          %add3A_662 = arith.addf %add3A_554, %mul3A_661 : vector<16xf32>
          %mul3A_663 = arith.mulf %get3A_626, %get3A_591 : vector<16xf32>
          %add3A_664 = arith.addf %add3A_556, %mul3A_663 : vector<16xf32>
          %mul3A_665 = arith.mulf %get3A_631, %get3A_591 : vector<16xf32>
          %add3A_666 = arith.addf %add3A_558, %mul3A_665 : vector<16xf32>
          %mul3A_667 = arith.mulf %get3A_636, %get3A_591 : vector<16xf32>
          %add3A_668 = arith.addf %add3A_560, %mul3A_667 : vector<16xf32>
          %mul3A_669 = arith.mulf %get3A_601, %get3A_596 : vector<16xf32>
          %add3A_670 = arith.addf %add3A_562, %mul3A_669 : vector<16xf32>
          %mul3A_671 = arith.mulf %get3A_606, %get3A_596 : vector<16xf32>
          %add3A_672 = arith.addf %add3A_564, %mul3A_671 : vector<16xf32>
          %mul3A_673 = arith.mulf %get3A_611, %get3A_596 : vector<16xf32>
          %add3A_674 = arith.addf %add3A_566, %mul3A_673 : vector<16xf32>
          %mul3A_675 = arith.mulf %get3A_616, %get3A_596 : vector<16xf32>
          %add3A_676 = arith.addf %add3A_568, %mul3A_675 : vector<16xf32>
          %mul3A_677 = arith.mulf %get3A_621, %get3A_596 : vector<16xf32>
          %add3A_678 = arith.addf %add3A_570, %mul3A_677 : vector<16xf32>
          %mul3A_679 = arith.mulf %get3A_626, %get3A_596 : vector<16xf32>
          %add3A_680 = arith.addf %add3A_572, %mul3A_679 : vector<16xf32>
          %mul3A_681 = arith.mulf %get3A_631, %get3A_596 : vector<16xf32>
          %add3A_682 = arith.addf %add3A_574, %mul3A_681 : vector<16xf32>
          %mul3A_683 = arith.mulf %get3A_636, %get3A_596 : vector<16xf32>
          %add3A_684 = arith.addf %add3A_576, %mul3A_683 : vector<16xf32>
          scf.yield %add3A_638, %add3A_640, %add3A_642, %add3A_644, %add3A_646, %add3A_648, %add3A_650, %add3A_652, %add3A_654, %add3A_656, %add3A_658, %add3A_660, %add3A_662, %add3A_664, %add3A_666, %add3A_668, %add3A_670, %add3A_672, %add3A_674, %add3A_676, %add3A_678, %add3A_680, %add3A_682, %add3A_684 : vector<16xf32>, vector<16xf32>, vector<16xf32>, vector<16xf32>, vector<16xf32>, vector<16xf32>, vector<16xf32>, vector<16xf32>, vector<16xf32>, vector<16xf32>, vector<16xf32>, vector<16xf32>, vector<16xf32>, vector<16xf32>, vector<16xf32>, vector<16xf32>, vector<16xf32>, vector<16xf32>, vector<16xf32>, vector<16xf32>, vector<16xf32>, vector<16xf32>, vector<16xf32>, vector<16xf32>
        }
        %scan3A_144 = arith.constant 64 : i32
        %swap3A_145 = arith.constant 136 : index
        %swap3A_146 = tpu.vector_load %arg11[%swap3A_145] {strides = array<i32>} : memref<816xf32, #tpu.memory_space<vmem>>, vector<16xf32>,
        tpu.vector_store %arg11[%swap3A_145], %scan3A_143#0 {strides = array<i32>} : memref<816xf32, #tpu.memory_space<vmem>>, vector<16xf32>,
        %swap3A_147 = arith.constant 153 : index
        %swap3A_148 = tpu.vector_load %arg11[%swap3A_147] {strides = array<i32>} : memref<816xf32, #tpu.memory_space<vmem>>, vector<16xf32>,
        tpu.vector_store %arg11[%swap3A_147], %scan3A_143#1 {strides = array<i32>} : memref<816xf32, #tpu.memory_space<vmem>>, vector<16xf32>,
        %swap3A_149 = arith.constant 170 : index
        %swap3A_150 = tpu.vector_load %arg11[%swap3A_149] {strides = array<i32>} : memref<816xf32, #tpu.memory_space<vmem>>, vector<16xf32>,
        tpu.vector_store %arg11[%swap3A_149], %scan3A_143#2 {strides = array<i32>} : memref<816xf32, #tpu.memory_space<vmem>>, vector<16xf32>,
        %swap3A_151 = arith.constant 187 : index
        %swap3A_152 = tpu.vector_load %arg11[%swap3A_151] {strides = array<i32>} : memref<816xf32, #tpu.memory_space<vmem>>, vector<16xf32>,
        tpu.vector_store %arg11[%swap3A_151], %scan3A_143#3 {strides = array<i32>} : memref<816xf32, #tpu.memory_space<vmem>>, vector<16xf32>,
        %swap3A_153 = arith.constant 204 : index
        %swap3A_154 = tpu.vector_load %arg11[%swap3A_153] {strides = array<i32>} : memref<816xf32, #tpu.memory_space<vmem>>, vector<16xf32>,
        tpu.vector_store %arg11[%swap3A_153], %scan3A_143#4 {strides = array<i32>} : memref<816xf32, #tpu.memory_space<vmem>>, vector<16xf32>,
        %swap3A_155 = arith.constant 221 : index
        %swap3A_156 = tpu.vector_load %arg11[%swap3A_155] {strides = array<i32>} : memref<816xf32, #tpu.memory_space<vmem>>, vector<16xf32>,
        tpu.vector_store %arg11[%swap3A_155], %scan3A_143#5 {strides = array<i32>} : memref<816xf32, #tpu.memory_space<vmem>>, vector<16xf32>,
        %swap3A_157 = arith.constant 238 : index
        %swap3A_158 = tpu.vector_load %arg11[%swap3A_157] {strides = array<i32>} : memref<816xf32, #tpu.memory_space<vmem>>, vector<16xf32>,
        tpu.vector_store %arg11[%swap3A_157], %scan3A_143#6 {strides = array<i32>} : memref<816xf32, #tpu.memory_space<vmem>>, vector<16xf32>,
        %swap3A_159 = arith.constant 255 : index
        %swap3A_160 = tpu.vector_load %arg11[%swap3A_159] {strides = array<i32>} : memref<816xf32, #tpu.memory_space<vmem>>, vector<16xf32>,
        tpu.vector_store %arg11[%swap3A_159], %scan3A_143#7 {strides = array<i32>} : memref<816xf32, #tpu.memory_space<vmem>>, vector<16xf32>,
        %swap3A_161 = arith.constant 408 : index
        %swap3A_162 = tpu.vector_load %arg11[%swap3A_161] {strides = array<i32>} : memref<816xf32, #tpu.memory_space<vmem>>, vector<16xf32>,
        tpu.vector_store %arg11[%swap3A_161], %scan3A_143#8 {strides = array<i32>} : memref<816xf32, #tpu.memory_space<vmem>>, vector<16xf32>,
        %swap3A_163 = arith.constant 425 : index
        %swap3A_164 = tpu.vector_load %arg11[%swap3A_163] {strides = array<i32>} : memref<816xf32, #tpu.memory_space<vmem>>, vector<16xf32>,
        tpu.vector_store %arg11[%swap3A_163], %scan3A_143#9 {strides = array<i32>} : memref<816xf32, #tpu.memory_space<vmem>>, vector<16xf32>,
        %swap3A_165 = arith.constant 442 : index
        %swap3A_166 = tpu.vector_load %arg11[%swap3A_165] {strides = array<i32>} : memref<816xf32, #tpu.memory_space<vmem>>, vector<16xf32>,
        tpu.vector_store %arg11[%swap3A_165], %scan3A_143#10 {strides = array<i32>} : memref<816xf32, #tpu.memory_space<vmem>>, vector<16xf32>,
        %swap3A_167 = arith.constant 459 : index
        %swap3A_168 = tpu.vector_load %arg11[%swap3A_167] {strides = array<i32>} : memref<816xf32, #tpu.memory_space<vmem>>, vector<16xf32>,
        tpu.vector_store %arg11[%swap3A_167], %scan3A_143#11 {strides = array<i32>} : memref<816xf32, #tpu.memory_space<vmem>>, vector<16xf32>,
        %swap3A_169 = arith.constant 476 : index
        %swap3A_170 = tpu.vector_load %arg11[%swap3A_169] {strides = array<i32>} : memref<816xf32, #tpu.memory_space<vmem>>, vector<16xf32>,
        tpu.vector_store %arg11[%swap3A_169], %scan3A_143#12 {strides = array<i32>} : memref<816xf32, #tpu.memory_space<vmem>>, vector<16xf32>,
        %swap3A_171 = arith.constant 493 : index
        %swap3A_172 = tpu.vector_load %arg11[%swap3A_171] {strides = array<i32>} : memref<816xf32, #tpu.memory_space<vmem>>, vector<16xf32>,
        tpu.vector_store %arg11[%swap3A_171], %scan3A_143#13 {strides = array<i32>} : memref<816xf32, #tpu.memory_space<vmem>>, vector<16xf32>,
        %swap3A_173 = arith.constant 510 : index
        %swap3A_174 = tpu.vector_load %arg11[%swap3A_173] {strides = array<i32>} : memref<816xf32, #tpu.memory_space<vmem>>, vector<16xf32>,
        tpu.vector_store %arg11[%swap3A_173], %scan3A_143#14 {strides = array<i32>} : memref<816xf32, #tpu.memory_space<vmem>>, vector<16xf32>,
        %swap3A_175 = arith.constant 527 : index
        %swap3A_176 = tpu.vector_load %arg11[%swap3A_175] {strides = array<i32>} : memref<816xf32, #tpu.memory_space<vmem>>, vector<16xf32>,
        tpu.vector_store %arg11[%swap3A_175], %scan3A_143#15 {strides = array<i32>} : memref<816xf32, #tpu.memory_space<vmem>>, vector<16xf32>,
        %swap3A_177 = arith.constant 680 : index
        %swap3A_178 = tpu.vector_load %arg11[%swap3A_177] {strides = array<i32>} : memref<816xf32, #tpu.memory_space<vmem>>, vector<16xf32>,
        tpu.vector_store %arg11[%swap3A_177], %scan3A_143#16 {strides = array<i32>} : memref<816xf32, #tpu.memory_space<vmem>>, vector<16xf32>,
        %swap3A_179 = arith.constant 697 : index
        %swap3A_180 = tpu.vector_load %arg11[%swap3A_179] {strides = array<i32>} : memref<816xf32, #tpu.memory_space<vmem>>, vector<16xf32>,
        tpu.vector_store %arg11[%swap3A_179], %scan3A_143#17 {strides = array<i32>} : memref<816xf32, #tpu.memory_space<vmem>>, vector<16xf32>,
        %swap3A_181 = arith.constant 714 : index
        %swap3A_182 = tpu.vector_load %arg11[%swap3A_181] {strides = array<i32>} : memref<816xf32, #tpu.memory_space<vmem>>, vector<16xf32>,
        tpu.vector_store %arg11[%swap3A_181], %scan3A_143#18 {strides = array<i32>} : memref<816xf32, #tpu.memory_space<vmem>>, vector<16xf32>,
        %swap3A_183 = arith.constant 731 : index
        %swap3A_184 = tpu.vector_load %arg11[%swap3A_183] {strides = array<i32>} : memref<816xf32, #tpu.memory_space<vmem>>, vector<16xf32>,
        tpu.vector_store %arg11[%swap3A_183], %scan3A_143#19 {strides = array<i32>} : memref<816xf32, #tpu.memory_space<vmem>>, vector<16xf32>,
        %swap3A_185 = arith.constant 748 : index
        %swap3A_186 = tpu.vector_load %arg11[%swap3A_185] {strides = array<i32>} : memref<816xf32, #tpu.memory_space<vmem>>, vector<16xf32>,
        tpu.vector_store %arg11[%swap3A_185], %scan3A_143#20 {strides = array<i32>} : memref<816xf32, #tpu.memory_space<vmem>>, vector<16xf32>,
        %swap3A_187 = arith.constant 765 : index
        %swap3A_188 = tpu.vector_load %arg11[%swap3A_187] {strides = array<i32>} : memref<816xf32, #tpu.memory_space<vmem>>, vector<16xf32>,
        tpu.vector_store %arg11[%swap3A_187], %scan3A_143#21 {strides = array<i32>} : memref<816xf32, #tpu.memory_space<vmem>>, vector<16xf32>,
        %swap3A_189 = arith.constant 782 : index
        %swap3A_190 = tpu.vector_load %arg11[%swap3A_189] {strides = array<i32>} : memref<816xf32, #tpu.memory_space<vmem>>, vector<16xf32>,
        tpu.vector_store %arg11[%swap3A_189], %scan3A_143#22 {strides = array<i32>} : memref<816xf32, #tpu.memory_space<vmem>>, vector<16xf32>,
        %swap3A_191 = arith.constant 799 : index
        %swap3A_192 = tpu.vector_load %arg11[%swap3A_191] {strides = array<i32>} : memref<816xf32, #tpu.memory_space<vmem>>, vector<16xf32>,
        tpu.vector_store %arg11[%swap3A_191], %scan3A_143#23 {strides = array<i32>} : memref<816xf32, #tpu.memory_space<vmem>>, vector<16xf32>,
        %mul3A_193 = arith.constant 32 : i32
        %mul3A_194 = arith.muli %add3A_30, %mul3A_193 : i32
        %mul3A_195 = arith.constant 16 : i32
        %mul3A_196 = arith.muli %scan3A_73, %mul3A_195 : i32
        %add3A_197 = arith.addi %mul3A_194, %mul3A_196 : i32
        %add3A_198 = arith.constant 0 : i32
        %add3A_199 = vector.broadcast %add3A_198 : i32 to vector<16xi32>
        %add3A_200 = arith.addi %mul3A_9, %add3A_199 : vector<16xi32>
        %gather3A = tpu.vector_load_idx %arg11[%add3A_200] : memref<816xf32, #tpu.memory_space<vmem>>[vector<16xi32>], vector<16xf32>,
        %add3A_201 = arith.constant 1 : i32
        %add3A_202 = vector.broadcast %add3A_201 : i32 to vector<16xi32>
        %add3A_203 = arith.addi %mul3A_9, %add3A_202 : vector<16xi32>
        %gather3A_204 = tpu.vector_load_idx %arg11[%add3A_203] : memref<816xf32, #tpu.memory_space<vmem>>[vector<16xi32>], vector<16xf32>,
        %add3A_205 = arith.addf %gather3A, %gather3A_204 : vector<16xf32>
        %add3A_206 = arith.constant 2 : i32
        %add3A_207 = vector.broadcast %add3A_206 : i32 to vector<16xi32>
        %add3A_208 = arith.addi %mul3A_9, %add3A_207 : vector<16xi32>
        %gather3A_209 = tpu.vector_load_idx %arg11[%add3A_208] : memref<816xf32, #tpu.memory_space<vmem>>[vector<16xi32>], vector<16xf32>,
        %add3A_210 = arith.addf %add3A_205, %gather3A_209 : vector<16xf32>
        %add3A_211 = arith.constant 3 : i32
        %add3A_212 = vector.broadcast %add3A_211 : i32 to vector<16xi32>
        %add3A_213 = arith.addi %mul3A_9, %add3A_212 : vector<16xi32>
        %gather3A_214 = tpu.vector_load_idx %arg11[%add3A_213] : memref<816xf32, #tpu.memory_space<vmem>>[vector<16xi32>], vector<16xf32>,
        %add3A_215 = arith.addf %add3A_210, %gather3A_214 : vector<16xf32>
        %add3A_216 = arith.constant 4 : i32
        %add3A_217 = vector.broadcast %add3A_216 : i32 to vector<16xi32>
        %add3A_218 = arith.addi %mul3A_9, %add3A_217 : vector<16xi32>
        %gather3A_219 = tpu.vector_load_idx %arg11[%add3A_218] : memref<816xf32, #tpu.memory_space<vmem>>[vector<16xi32>], vector<16xf32>,
        %add3A_220 = arith.addf %add3A_215, %gather3A_219 : vector<16xf32>
        %add3A_221 = arith.constant 5 : i32
        %add3A_222 = vector.broadcast %add3A_221 : i32 to vector<16xi32>
        %add3A_223 = arith.addi %mul3A_9, %add3A_222 : vector<16xi32>
        %gather3A_224 = tpu.vector_load_idx %arg11[%add3A_223] : memref<816xf32, #tpu.memory_space<vmem>>[vector<16xi32>], vector<16xf32>,
        %add3A_225 = arith.addf %add3A_220, %gather3A_224 : vector<16xf32>
        %add3A_226 = arith.constant 6 : i32
        %add3A_227 = vector.broadcast %add3A_226 : i32 to vector<16xi32>
        %add3A_228 = arith.addi %mul3A_9, %add3A_227 : vector<16xi32>
        %gather3A_229 = tpu.vector_load_idx %arg11[%add3A_228] : memref<816xf32, #tpu.memory_space<vmem>>[vector<16xi32>], vector<16xf32>,
        %add3A_230 = arith.addf %add3A_225, %gather3A_229 : vector<16xf32>
        %add3A_231 = arith.constant 7 : i32
        %add3A_232 = vector.broadcast %add3A_231 : i32 to vector<16xi32>
        %add3A_233 = arith.addi %mul3A_9, %add3A_232 : vector<16xi32>
        %gather3A_234 = tpu.vector_load_idx %arg11[%add3A_233] : memref<816xf32, #tpu.memory_space<vmem>>[vector<16xi32>], vector<16xf32>,
        %add3A_235 = arith.addf %add3A_230, %gather3A_234 : vector<16xf32>
        %add3A_236 = arith.constant 8 : i32
        %add3A_237 = vector.broadcast %add3A_236 : i32 to vector<16xi32>
        %add3A_238 = arith.addi %mul3A_9, %add3A_237 : vector<16xi32>
        %gather3A_239 = tpu.vector_load_idx %arg11[%add3A_238] : memref<816xf32, #tpu.memory_space<vmem>>[vector<16xi32>], vector<16xf32>,
        %add3A_240 = arith.addf %add3A_235, %gather3A_239 : vector<16xf32>
        %add3A_241 = arith.constant 9 : i32
        %add3A_242 = vector.broadcast %add3A_241 : i32 to vector<16xi32>
        %add3A_243 = arith.addi %mul3A_9, %add3A_242 : vector<16xi32>
        %gather3A_244 = tpu.vector_load_idx %arg11[%add3A_243] : memref<816xf32, #tpu.memory_space<vmem>>[vector<16xi32>], vector<16xf32>,
        %add3A_245 = arith.addf %add3A_240, %gather3A_244 : vector<16xf32>
        %add3A_246 = arith.constant 10 : i32
        %add3A_247 = vector.broadcast %add3A_246 : i32 to vector<16xi32>
        %add3A_248 = arith.addi %mul3A_9, %add3A_247 : vector<16xi32>
        %gather3A_249 = tpu.vector_load_idx %arg11[%add3A_248] : memref<816xf32, #tpu.memory_space<vmem>>[vector<16xi32>], vector<16xf32>,
        %add3A_250 = arith.addf %add3A_245, %gather3A_249 : vector<16xf32>
        %add3A_251 = arith.constant 11 : i32
        %add3A_252 = vector.broadcast %add3A_251 : i32 to vector<16xi32>
        %add3A_253 = arith.addi %mul3A_9, %add3A_252 : vector<16xi32>
        %gather3A_254 = tpu.vector_load_idx %arg11[%add3A_253] : memref<816xf32, #tpu.memory_space<vmem>>[vector<16xi32>], vector<16xf32>,
        %add3A_255 = arith.addf %add3A_250, %gather3A_254 : vector<16xf32>
        %add3A_256 = arith.constant 12 : i32
        %add3A_257 = vector.broadcast %add3A_256 : i32 to vector<16xi32>
        %add3A_258 = arith.addi %mul3A_9, %add3A_257 : vector<16xi32>
        %gather3A_259 = tpu.vector_load_idx %arg11[%add3A_258] : memref<816xf32, #tpu.memory_space<vmem>>[vector<16xi32>], vector<16xf32>,
        %add3A_260 = arith.addf %add3A_255, %gather3A_259 : vector<16xf32>
        %add3A_261 = arith.constant 13 : i32
        %add3A_262 = vector.broadcast %add3A_261 : i32 to vector<16xi32>
        %add3A_263 = arith.addi %mul3A_9, %add3A_262 : vector<16xi32>
        %gather3A_264 = tpu.vector_load_idx %arg11[%add3A_263] : memref<816xf32, #tpu.memory_space<vmem>>[vector<16xi32>], vector<16xf32>,
        %add3A_265 = arith.addf %add3A_260, %gather3A_264 : vector<16xf32>
        %add3A_266 = arith.constant 14 : i32
        %add3A_267 = vector.broadcast %add3A_266 : i32 to vector<16xi32>
        %add3A_268 = arith.addi %mul3A_9, %add3A_267 : vector<16xi32>
        %gather3A_269 = tpu.vector_load_idx %arg11[%add3A_268] : memref<816xf32, #tpu.memory_space<vmem>>[vector<16xi32>], vector<16xf32>,
        %add3A_270 = arith.addf %add3A_265, %gather3A_269 : vector<16xf32>
        %add3A_271 = arith.constant 15 : i32
        %add3A_272 = vector.broadcast %add3A_271 : i32 to vector<16xi32>
        %add3A_273 = arith.addi %mul3A_9, %add3A_272 : vector<16xi32>
        %gather3A_274 = tpu.vector_load_idx %arg11[%add3A_273] : memref<816xf32, #tpu.memory_space<vmem>>[vector<16xi32>], vector<16xf32>,
        %add3A_275 = arith.addf %add3A_270, %gather3A_274 : vector<16xf32>
        %add3A_276 = arith.constant 0 : i32
        %add3A_277 = arith.addi %add3A_276, %add3A_197 : i32
        %swap3A_278 = arith.index_cast %add3A_277 : i32 to index
        %swap3A_279 = tpu.vector_load %arg10[%swap3A_278] {strides = array<i32>} : memref<3072xf32, #tpu.memory_space<vmem>>, vector<16xf32>,
        tpu.vector_store %arg10[%swap3A_278], %add3A_275 {strides = array<i32>} : memref<3072xf32, #tpu.memory_space<vmem>>, vector<16xf32>,
        %add3A_280 = arith.constant 272 : i32
        %add3A_281 = vector.broadcast %add3A_280 : i32 to vector<16xi32>
        %add3A_282 = arith.addi %mul3A_9, %add3A_281 : vector<16xi32>
        %gather3A_283 = tpu.vector_load_idx %arg11[%add3A_282] : memref<816xf32, #tpu.memory_space<vmem>>[vector<16xi32>], vector<16xf32>,
        %add3A_284 = arith.constant 273 : i32
        %add3A_285 = vector.broadcast %add3A_284 : i32 to vector<16xi32>
        %add3A_286 = arith.addi %mul3A_9, %add3A_285 : vector<16xi32>
        %gather3A_287 = tpu.vector_load_idx %arg11[%add3A_286] : memref<816xf32, #tpu.memory_space<vmem>>[vector<16xi32>], vector<16xf32>,
        %add3A_288 = arith.addf %gather3A_283, %gather3A_287 : vector<16xf32>
        %add3A_289 = arith.constant 274 : i32
        %add3A_290 = vector.broadcast %add3A_289 : i32 to vector<16xi32>
        %add3A_291 = arith.addi %mul3A_9, %add3A_290 : vector<16xi32>
        %gather3A_292 = tpu.vector_load_idx %arg11[%add3A_291] : memref<816xf32, #tpu.memory_space<vmem>>[vector<16xi32>], vector<16xf32>,
        %add3A_293 = arith.addf %add3A_288, %gather3A_292 : vector<16xf32>
        %add3A_294 = arith.constant 275 : i32
        %add3A_295 = vector.broadcast %add3A_294 : i32 to vector<16xi32>
        %add3A_296 = arith.addi %mul3A_9, %add3A_295 : vector<16xi32>
        %gather3A_297 = tpu.vector_load_idx %arg11[%add3A_296] : memref<816xf32, #tpu.memory_space<vmem>>[vector<16xi32>], vector<16xf32>,
        %add3A_298 = arith.addf %add3A_293, %gather3A_297 : vector<16xf32>
        %add3A_299 = arith.constant 276 : i32
        %add3A_300 = vector.broadcast %add3A_299 : i32 to vector<16xi32>
        %add3A_301 = arith.addi %mul3A_9, %add3A_300 : vector<16xi32>
        %gather3A_302 = tpu.vector_load_idx %arg11[%add3A_301] : memref<816xf32, #tpu.memory_space<vmem>>[vector<16xi32>], vector<16xf32>,
        %add3A_303 = arith.addf %add3A_298, %gather3A_302 : vector<16xf32>
        %add3A_304 = arith.constant 277 : i32
        %add3A_305 = vector.broadcast %add3A_304 : i32 to vector<16xi32>
        %add3A_306 = arith.addi %mul3A_9, %add3A_305 : vector<16xi32>
        %gather3A_307 = tpu.vector_load_idx %arg11[%add3A_306] : memref<816xf32, #tpu.memory_space<vmem>>[vector<16xi32>], vector<16xf32>,
        %add3A_308 = arith.addf %add3A_303, %gather3A_307 : vector<16xf32>
        %add3A_309 = arith.constant 278 : i32
        %add3A_310 = vector.broadcast %add3A_309 : i32 to vector<16xi32>
        %add3A_311 = arith.addi %mul3A_9, %add3A_310 : vector<16xi32>
        %gather3A_312 = tpu.vector_load_idx %arg11[%add3A_311] : memref<816xf32, #tpu.memory_space<vmem>>[vector<16xi32>], vector<16xf32>,
        %add3A_313 = arith.addf %add3A_308, %gather3A_312 : vector<16xf32>
        %add3A_314 = arith.constant 279 : i32
        %add3A_315 = vector.broadcast %add3A_314 : i32 to vector<16xi32>
        %add3A_316 = arith.addi %mul3A_9, %add3A_315 : vector<16xi32>
        %gather3A_317 = tpu.vector_load_idx %arg11[%add3A_316] : memref<816xf32, #tpu.memory_space<vmem>>[vector<16xi32>], vector<16xf32>,
        %add3A_318 = arith.addf %add3A_313, %gather3A_317 : vector<16xf32>
        %add3A_319 = arith.constant 280 : i32
        %add3A_320 = vector.broadcast %add3A_319 : i32 to vector<16xi32>
        %add3A_321 = arith.addi %mul3A_9, %add3A_320 : vector<16xi32>
        %gather3A_322 = tpu.vector_load_idx %arg11[%add3A_321] : memref<816xf32, #tpu.memory_space<vmem>>[vector<16xi32>], vector<16xf32>,
        %add3A_323 = arith.addf %add3A_318, %gather3A_322 : vector<16xf32>
        %add3A_324 = arith.constant 281 : i32
        %add3A_325 = vector.broadcast %add3A_324 : i32 to vector<16xi32>
        %add3A_326 = arith.addi %mul3A_9, %add3A_325 : vector<16xi32>
        %gather3A_327 = tpu.vector_load_idx %arg11[%add3A_326] : memref<816xf32, #tpu.memory_space<vmem>>[vector<16xi32>], vector<16xf32>,
        %add3A_328 = arith.addf %add3A_323, %gather3A_327 : vector<16xf32>
        %add3A_329 = arith.constant 282 : i32
        %add3A_330 = vector.broadcast %add3A_329 : i32 to vector<16xi32>
        %add3A_331 = arith.addi %mul3A_9, %add3A_330 : vector<16xi32>
        %gather3A_332 = tpu.vector_load_idx %arg11[%add3A_331] : memref<816xf32, #tpu.memory_space<vmem>>[vector<16xi32>], vector<16xf32>,
        %add3A_333 = arith.addf %add3A_328, %gather3A_332 : vector<16xf32>
        %add3A_334 = arith.constant 283 : i32
        %add3A_335 = vector.broadcast %add3A_334 : i32 to vector<16xi32>
        %add3A_336 = arith.addi %mul3A_9, %add3A_335 : vector<16xi32>
        %gather3A_337 = tpu.vector_load_idx %arg11[%add3A_336] : memref<816xf32, #tpu.memory_space<vmem>>[vector<16xi32>], vector<16xf32>,
        %add3A_338 = arith.addf %add3A_333, %gather3A_337 : vector<16xf32>
        %add3A_339 = arith.constant 284 : i32
        %add3A_340 = vector.broadcast %add3A_339 : i32 to vector<16xi32>
        %add3A_341 = arith.addi %mul3A_9, %add3A_340 : vector<16xi32>
        %gather3A_342 = tpu.vector_load_idx %arg11[%add3A_341] : memref<816xf32, #tpu.memory_space<vmem>>[vector<16xi32>], vector<16xf32>,
        %add3A_343 = arith.addf %add3A_338, %gather3A_342 : vector<16xf32>
        %add3A_344 = arith.constant 285 : i32
        %add3A_345 = vector.broadcast %add3A_344 : i32 to vector<16xi32>
        %add3A_346 = arith.addi %mul3A_9, %add3A_345 : vector<16xi32>
        %gather3A_347 = tpu.vector_load_idx %arg11[%add3A_346] : memref<816xf32, #tpu.memory_space<vmem>>[vector<16xi32>], vector<16xf32>,
        %add3A_348 = arith.addf %add3A_343, %gather3A_347 : vector<16xf32>
        %add3A_349 = arith.constant 286 : i32
        %add3A_350 = vector.broadcast %add3A_349 : i32 to vector<16xi32>
        %add3A_351 = arith.addi %mul3A_9, %add3A_350 : vector<16xi32>
        %gather3A_352 = tpu.vector_load_idx %arg11[%add3A_351] : memref<816xf32, #tpu.memory_space<vmem>>[vector<16xi32>], vector<16xf32>,
        %add3A_353 = arith.addf %add3A_348, %gather3A_352 : vector<16xf32>
        %add3A_354 = arith.constant 287 : i32
        %add3A_355 = vector.broadcast %add3A_354 : i32 to vector<16xi32>
        %add3A_356 = arith.addi %mul3A_9, %add3A_355 : vector<16xi32>
        %gather3A_357 = tpu.vector_load_idx %arg11[%add3A_356] : memref<816xf32, #tpu.memory_space<vmem>>[vector<16xi32>], vector<16xf32>,
        %add3A_358 = arith.addf %add3A_353, %gather3A_357 : vector<16xf32>
        %add3A_359 = arith.constant 1024 : i32
        %add3A_360 = arith.addi %add3A_359, %add3A_197 : i32
        %swap3A_361 = arith.index_cast %add3A_360 : i32 to index
        %swap3A_362 = tpu.vector_load %arg10[%swap3A_361] {strides = array<i32>} : memref<3072xf32, #tpu.memory_space<vmem>>, vector<16xf32>,
        tpu.vector_store %arg10[%swap3A_361], %add3A_358 {strides = array<i32>} : memref<3072xf32, #tpu.memory_space<vmem>>, vector<16xf32>,
        %add3A_363 = arith.constant 544 : i32
        %add3A_364 = vector.broadcast %add3A_363 : i32 to vector<16xi32>
        %add3A_365 = arith.addi %mul3A_9, %add3A_364 : vector<16xi32>
        %gather3A_366 = tpu.vector_load_idx %arg11[%add3A_365] : memref<816xf32, #tpu.memory_space<vmem>>[vector<16xi32>], vector<16xf32>,
        %add3A_367 = arith.constant 545 : i32
        %add3A_368 = vector.broadcast %add3A_367 : i32 to vector<16xi32>
        %add3A_369 = arith.addi %mul3A_9, %add3A_368 : vector<16xi32>
        %gather3A_370 = tpu.vector_load_idx %arg11[%add3A_369] : memref<816xf32, #tpu.memory_space<vmem>>[vector<16xi32>], vector<16xf32>,
        %add3A_371 = arith.addf %gather3A_366, %gather3A_370 : vector<16xf32>
        %add3A_372 = arith.constant 546 : i32
        %add3A_373 = vector.broadcast %add3A_372 : i32 to vector<16xi32>
        %add3A_374 = arith.addi %mul3A_9, %add3A_373 : vector<16xi32>
        %gather3A_375 = tpu.vector_load_idx %arg11[%add3A_374] : memref<816xf32, #tpu.memory_space<vmem>>[vector<16xi32>], vector<16xf32>,
        %add3A_376 = arith.addf %add3A_371, %gather3A_375 : vector<16xf32>
        %add3A_377 = arith.constant 547 : i32
        %add3A_378 = vector.broadcast %add3A_377 : i32 to vector<16xi32>
        %add3A_379 = arith.addi %mul3A_9, %add3A_378 : vector<16xi32>
        %gather3A_380 = tpu.vector_load_idx %arg11[%add3A_379] : memref<816xf32, #tpu.memory_space<vmem>>[vector<16xi32>], vector<16xf32>,
        %add3A_381 = arith.addf %add3A_376, %gather3A_380 : vector<16xf32>
        %add3A_382 = arith.constant 548 : i32
        %add3A_383 = vector.broadcast %add3A_382 : i32 to vector<16xi32>
        %add3A_384 = arith.addi %mul3A_9, %add3A_383 : vector<16xi32>
        %gather3A_385 = tpu.vector_load_idx %arg11[%add3A_384] : memref<816xf32, #tpu.memory_space<vmem>>[vector<16xi32>], vector<16xf32>,
        %add3A_386 = arith.addf %add3A_381, %gather3A_385 : vector<16xf32>
        %add3A_387 = arith.constant 549 : i32
        %add3A_388 = vector.broadcast %add3A_387 : i32 to vector<16xi32>
        %add3A_389 = arith.addi %mul3A_9, %add3A_388 : vector<16xi32>
        %gather3A_390 = tpu.vector_load_idx %arg11[%add3A_389] : memref<816xf32, #tpu.memory_space<vmem>>[vector<16xi32>], vector<16xf32>,
        %add3A_391 = arith.addf %add3A_386, %gather3A_390 : vector<16xf32>
        %add3A_392 = arith.constant 550 : i32
        %add3A_393 = vector.broadcast %add3A_392 : i32 to vector<16xi32>
        %add3A_394 = arith.addi %mul3A_9, %add3A_393 : vector<16xi32>
        %gather3A_395 = tpu.vector_load_idx %arg11[%add3A_394] : memref<816xf32, #tpu.memory_space<vmem>>[vector<16xi32>], vector<16xf32>,
        %add3A_396 = arith.addf %add3A_391, %gather3A_395 : vector<16xf32>
        %add3A_397 = arith.constant 551 : i32
        %add3A_398 = vector.broadcast %add3A_397 : i32 to vector<16xi32>
        %add3A_399 = arith.addi %mul3A_9, %add3A_398 : vector<16xi32>
        %gather3A_400 = tpu.vector_load_idx %arg11[%add3A_399] : memref<816xf32, #tpu.memory_space<vmem>>[vector<16xi32>], vector<16xf32>,
        %add3A_401 = arith.addf %add3A_396, %gather3A_400 : vector<16xf32>
        %add3A_402 = arith.constant 552 : i32
        %add3A_403 = vector.broadcast %add3A_402 : i32 to vector<16xi32>
        %add3A_404 = arith.addi %mul3A_9, %add3A_403 : vector<16xi32>
        %gather3A_405 = tpu.vector_load_idx %arg11[%add3A_404] : memref<816xf32, #tpu.memory_space<vmem>>[vector<16xi32>], vector<16xf32>,
        %add3A_406 = arith.addf %add3A_401, %gather3A_405 : vector<16xf32>
        %add3A_407 = arith.constant 553 : i32
        %add3A_408 = vector.broadcast %add3A_407 : i32 to vector<16xi32>
        %add3A_409 = arith.addi %mul3A_9, %add3A_408 : vector<16xi32>
        %gather3A_410 = tpu.vector_load_idx %arg11[%add3A_409] : memref<816xf32, #tpu.memory_space<vmem>>[vector<16xi32>], vector<16xf32>,
        %add3A_411 = arith.addf %add3A_406, %gather3A_410 : vector<16xf32>
        %add3A_412 = arith.constant 554 : i32
        %add3A_413 = vector.broadcast %add3A_412 : i32 to vector<16xi32>
        %add3A_414 = arith.addi %mul3A_9, %add3A_413 : vector<16xi32>
        %gather3A_415 = tpu.vector_load_idx %arg11[%add3A_414] : memref<816xf32, #tpu.memory_space<vmem>>[vector<16xi32>], vector<16xf32>,
        %add3A_416 = arith.addf %add3A_411, %gather3A_415 : vector<16xf32>
        %add3A_417 = arith.constant 555 : i32
        %add3A_418 = vector.broadcast %add3A_417 : i32 to vector<16xi32>
        %add3A_419 = arith.addi %mul3A_9, %add3A_418 : vector<16xi32>
        %gather3A_420 = tpu.vector_load_idx %arg11[%add3A_419] : memref<816xf32, #tpu.memory_space<vmem>>[vector<16xi32>], vector<16xf32>,
        %add3A_421 = arith.addf %add3A_416, %gather3A_420 : vector<16xf32>
        %add3A_422 = arith.constant 556 : i32
        %add3A_423 = vector.broadcast %add3A_422 : i32 to vector<16xi32>
        %add3A_424 = arith.addi %mul3A_9, %add3A_423 : vector<16xi32>
        %gather3A_425 = tpu.vector_load_idx %arg11[%add3A_424] : memref<816xf32, #tpu.memory_space<vmem>>[vector<16xi32>], vector<16xf32>,
        %add3A_426 = arith.addf %add3A_421, %gather3A_425 : vector<16xf32>
        %add3A_427 = arith.constant 557 : i32
        %add3A_428 = vector.broadcast %add3A_427 : i32 to vector<16xi32>
        %add3A_429 = arith.addi %mul3A_9, %add3A_428 : vector<16xi32>
        %gather3A_430 = tpu.vector_load_idx %arg11[%add3A_429] : memref<816xf32, #tpu.memory_space<vmem>>[vector<16xi32>], vector<16xf32>,
        %add3A_431 = arith.addf %add3A_426, %gather3A_430 : vector<16xf32>
        %add3A_432 = arith.constant 558 : i32
        %add3A_433 = vector.broadcast %add3A_432 : i32 to vector<16xi32>
        %add3A_434 = arith.addi %mul3A_9, %add3A_433 : vector<16xi32>
        %gather3A_435 = tpu.vector_load_idx %arg11[%add3A_434] : memref<816xf32, #tpu.memory_space<vmem>>[vector<16xi32>], vector<16xf32>,
        %add3A_436 = arith.addf %add3A_431, %gather3A_435 : vector<16xf32>
        %add3A_437 = arith.constant 559 : i32
        %add3A_438 = vector.broadcast %add3A_437 : i32 to vector<16xi32>
        %add3A_439 = arith.addi %mul3A_9, %add3A_438 : vector<16xi32>
        %gather3A_440 = tpu.vector_load_idx %arg11[%add3A_439] : memref<816xf32, #tpu.memory_space<vmem>>[vector<16xi32>], vector<16xf32>,
        %add3A_441 = arith.addf %add3A_436, %gather3A_440 : vector<16xf32>
        %add3A_442 = arith.constant 2048 : i32
        %add3A_443 = arith.addi %add3A_442, %add3A_197 : i32
        %swap3A_444 = arith.index_cast %add3A_443 : i32 to index
        %swap3A_445 = tpu.vector_load %arg10[%swap3A_444] {strides = array<i32>} : memref<3072xf32, #tpu.memory_space<vmem>>, vector<16xf32>,
        tpu.vector_store %arg10[%swap3A_444], %add3A_441 {strides = array<i32>} : memref<3072xf32, #tpu.memory_space<vmem>>, vector<16xf32>,
        %scan3A_446 = arith.constant 0 : i32
        scf.yield %scan3A_446 : i32
      }
      %scan3A_46 = arith.constant 2 : i32
      %mul3A_47 = arith.constant 2 : i32
      %mul3A_48 = arith.muli %scan3A_25, %mul3A_47 : i32
      %add3A_49 = arith.constant 1 : i32
      %add3A_50 = arith.addi %mul3A_48, %add3A_49 : i32
      %dma_wait3A_51 = arith.constant 0 : i32
      %dma_wait3A_52 = tpu.memref_slice %arg6[%dma_wait3A_51] : memref<1024xi32, #tpu.memory_space<vmem>> -> memref<32xi32, #tpu.memory_space<vmem>>
      %dma_wait3A_53 = arith.constant 0 : i32
      %dma_wait3A_54 = arith.constant 0 : i32
      %dma_wait3A_55 = tpu.memref_slice %arg3[%dma_wait3A_53, %dma_wait3A_54] : memref<100000x1024xf32, #tpu.memory_space<hbm>> -> memref<100000x1024xf32, #tpu.memory_space<hbm>>
      tpu.wait_indirect_dma semaphore(%arg13 : memref<!tpu.dma_semaphore, #tpu.memory_space<semaphore_mem>>) src(%dma_wait3A_55 : memref<100000x1024xf32, #tpu.memory_space<hbm>>) dst(%arg8 : memref<32x1024xf32, #tpu.memory_space<vmem>>)
      %add3A_56 = arith.constant 2 : i32
      %add3A_57 = arith.addi %add3A_50, %add3A_56 : i32
      %sub3A_58 = arith.constant 1 : i32
      %sub3A_59 = arith.subi %add3A_57, %sub3A_58 : i32
      %lt3A_60 = arith.constant 32 : i32
      %lt3A_61 = arith.cmpi slt, %sub3A_59, %lt3A_60 : i32
      %convert_element_type3A_62 = arith.extui %lt3A_61 : i1 to i32
      %cond3A_63 = arith.constant 0 : i32
      %cond3A_64 = arith.cmpi ne, %convert_element_type3A_62, %cond3A_63 : i32
      scf.if %cond3A_64 {
        %add3A_73 = arith.constant 2 : i32
        %add3A_74 = arith.addi %add3A_50, %add3A_73 : i32
        %sub3A_75 = arith.constant 1 : i32
        %sub3A_76 = arith.subi %add3A_74, %sub3A_75 : i32
        %mul3A_77 = arith.constant 32 : i32
        %mul3A_78 = arith.muli %sub3A_76, %mul3A_77 : i32
        %multiple_of3A_79 = tpu.assume_multiple %mul3A_78, 8 : i32
        %dma_start3A_80 = tpu.memref_slice %arg6[%multiple_of3A_79] : memref<1024xi32, #tpu.memory_space<vmem>> -> memref<32xi32, #tpu.memory_space<vmem>>
        %dma_start3A_81 = arith.constant 0 : i32
        %dma_start3A_82 = arith.constant 0 : i32
        %dma_start3A_83 = tpu.memref_slice %arg3[%dma_start3A_81, %dma_start3A_82] : memref<100000x1024xf32, #tpu.memory_space<hbm>> -> memref<100000x1024xf32, #tpu.memory_space<hbm>>
        tpu.enqueue_indirect_dma source(%dma_start3A_83 : memref<100000x1024xf32, #tpu.memory_space<hbm>>) target(%arg7 : memref<32x1024xf32, #tpu.memory_space<vmem>>) offsets(%dma_start3A_80 : memref<32xi32, #tpu.memory_space<vmem>>) semaphore(%arg12 : memref<!tpu.dma_semaphore, #tpu.memory_space<semaphore_mem>>)
      } else {
      }
      %scan3A_65 = arith.constant 0 : i32
      %scan3A_66 = arith.constant 0 : i32
      %scan3A_67 = arith.constant 2 : i32
      %scan3A_68 = arith.addi %scan3A_66, %scan3A_67 : i32
      %scan3A_69 = arith.constant 1 : i32
      %scan3A_70 = scf.for %scan3A_73 = %scan3A_66 to %scan3A_68 step %scan3A_69 iter_args(%scan3A_74 = %scan3A_65) -> (i32)  : i32 {
        %mul3A_75 = arith.constant 16 : i32
        %mul3A_76 = arith.muli %scan3A_73, %mul3A_75 : i32
        %add3A_77 = arith.constant 0 : i32
        %add3A_78 = arith.addi %mul3A_76, %add3A_77 : i32
        %broadcast_in_dim3A = arith.constant 0.000000e+00 : f32
        %broadcast_in_dim3A_79 = vector.broadcast %broadcast_in_dim3A : f32 to vector<16xf32>
        %scan3A_80 = arith.constant 0 : i32
        %scan3A_81 = arith.constant 64 : i32
        %scan3A_82 = arith.addi %scan3A_80, %scan3A_81 : i32
        %scan3A_83 = arith.constant 2 : i32
        %scan3A_84:24 = scf.for %scan3A_447 = %scan3A_80 to %scan3A_82 step %scan3A_83 iter_args(%scan3A_448 = %broadcast_in_dim3A_79, %scan3A_449 = %broadcast_in_dim3A_79, %scan3A_450 = %broadcast_in_dim3A_79, %scan3A_451 = %broadcast_in_dim3A_79, %scan3A_452 = %broadcast_in_dim3A_79, %scan3A_453 = %broadcast_in_dim3A_79, %scan3A_454 = %broadcast_in_dim3A_79, %scan3A_455 = %broadcast_in_dim3A_79, %scan3A_456 = %broadcast_in_dim3A_79, %scan3A_457 = %broadcast_in_dim3A_79, %scan3A_458 = %broadcast_in_dim3A_79, %scan3A_459 = %broadcast_in_dim3A_79, %scan3A_460 = %broadcast_in_dim3A_79, %scan3A_461 = %broadcast_in_dim3A_79, %scan3A_462 = %broadcast_in_dim3A_79, %scan3A_463 = %broadcast_in_dim3A_79, %scan3A_464 = %broadcast_in_dim3A_79, %scan3A_465 = %broadcast_in_dim3A_79, %scan3A_466 = %broadcast_in_dim3A_79, %scan3A_467 = %broadcast_in_dim3A_79, %scan3A_468 = %broadcast_in_dim3A_79, %scan3A_469 = %broadcast_in_dim3A_79, %scan3A_470 = %broadcast_in_dim3A_79, %scan3A_471 = %broadcast_in_dim3A_79) -> (vector<16xf32>, vector<16xf32>, vector<16xf32>, vector<16xf32>, vector<16xf32>, vector<16xf32>, vector<16xf32>, vector<16xf32>, vector<16xf32>, vector<16xf32>, vector<16xf32>, vector<16xf32>, vector<16xf32>, vector<16xf32>, vector<16xf32>, vector<16xf32>, vector<16xf32>, vector<16xf32>, vector<16xf32>, vector<16xf32>, vector<16xf32>, vector<16xf32>, vector<16xf32>, vector<16xf32>)  : i32 {
          %mul3A_472 = arith.constant 16 : i32
          %mul3A_473 = arith.muli %scan3A_447, %mul3A_472 : i32
          %multiple_of3A_474 = tpu.assume_multiple %mul3A_473, 16 : i32
          %add3A_475 = arith.constant 0 : i32
          %add3A_476 = arith.addi %add3A_475, %multiple_of3A_474 : i32
          %multiple_of3A_477 = tpu.assume_multiple %add3A_476, 16 : i32
          %get3A = arith.index_cast %multiple_of3A_477 : i32 to index
          %get3A_478 = tpu.vector_load %arg9[%get3A] {strides = array<i32>} : memref<3072xf32, #tpu.memory_space<vmem>>, vector<16xf32>,
          %add3A_479 = arith.constant 1024 : i32
          %add3A_480 = arith.addi %add3A_479, %multiple_of3A_474 : i32
          %multiple_of3A_481 = tpu.assume_multiple %add3A_480, 16 : i32
          %get3A_482 = arith.index_cast %multiple_of3A_481 : i32 to index
          %get3A_483 = tpu.vector_load %arg9[%get3A_482] {strides = array<i32>} : memref<3072xf32, #tpu.memory_space<vmem>>, vector<16xf32>,
          %add3A_484 = arith.constant 2048 : i32
          %add3A_485 = arith.addi %add3A_484, %multiple_of3A_474 : i32
          %multiple_of3A_486 = tpu.assume_multiple %add3A_485, 16 : i32
          %get3A_487 = arith.index_cast %multiple_of3A_486 : i32 to index
          %get3A_488 = tpu.vector_load %arg9[%get3A_487] {strides = array<i32>} : memref<3072xf32, #tpu.memory_space<vmem>>, vector<16xf32>,
          %add3A_489 = arith.constant 0 : i32
          %add3A_490 = arith.addi %add3A_78, %add3A_489 : i32
          %get3A_491 = arith.index_cast %add3A_490 : i32 to index
          %get3A_492 = arith.index_cast %multiple_of3A_474 : i32 to index
          %get3A_493 = tpu.vector_load %arg8[%get3A_491, %get3A_492] {strides = array<i32>} : memref<32x1024xf32, #tpu.memory_space<vmem>>, vector<16xf32>,
          %add3A_494 = arith.constant 1 : i32
          %add3A_495 = arith.addi %add3A_78, %add3A_494 : i32
          %get3A_496 = arith.index_cast %add3A_495 : i32 to index
          %get3A_497 = arith.index_cast %multiple_of3A_474 : i32 to index
          %get3A_498 = tpu.vector_load %arg8[%get3A_496, %get3A_497] {strides = array<i32>} : memref<32x1024xf32, #tpu.memory_space<vmem>>, vector<16xf32>,
          %add3A_499 = arith.constant 2 : i32
          %add3A_500 = arith.addi %add3A_78, %add3A_499 : i32
          %get3A_501 = arith.index_cast %add3A_500 : i32 to index
          %get3A_502 = arith.index_cast %multiple_of3A_474 : i32 to index
          %get3A_503 = tpu.vector_load %arg8[%get3A_501, %get3A_502] {strides = array<i32>} : memref<32x1024xf32, #tpu.memory_space<vmem>>, vector<16xf32>,
          %add3A_504 = arith.constant 3 : i32
          %add3A_505 = arith.addi %add3A_78, %add3A_504 : i32
          %get3A_506 = arith.index_cast %add3A_505 : i32 to index
          %get3A_507 = arith.index_cast %multiple_of3A_474 : i32 to index
          %get3A_508 = tpu.vector_load %arg8[%get3A_506, %get3A_507] {strides = array<i32>} : memref<32x1024xf32, #tpu.memory_space<vmem>>, vector<16xf32>,
          %add3A_509 = arith.constant 4 : i32
          %add3A_510 = arith.addi %add3A_78, %add3A_509 : i32
          %get3A_511 = arith.index_cast %add3A_510 : i32 to index
          %get3A_512 = arith.index_cast %multiple_of3A_474 : i32 to index
          %get3A_513 = tpu.vector_load %arg8[%get3A_511, %get3A_512] {strides = array<i32>} : memref<32x1024xf32, #tpu.memory_space<vmem>>, vector<16xf32>,
          %add3A_514 = arith.constant 5 : i32
          %add3A_515 = arith.addi %add3A_78, %add3A_514 : i32
          %get3A_516 = arith.index_cast %add3A_515 : i32 to index
          %get3A_517 = arith.index_cast %multiple_of3A_474 : i32 to index
          %get3A_518 = tpu.vector_load %arg8[%get3A_516, %get3A_517] {strides = array<i32>} : memref<32x1024xf32, #tpu.memory_space<vmem>>, vector<16xf32>,
          %add3A_519 = arith.constant 6 : i32
          %add3A_520 = arith.addi %add3A_78, %add3A_519 : i32
          %get3A_521 = arith.index_cast %add3A_520 : i32 to index
          %get3A_522 = arith.index_cast %multiple_of3A_474 : i32 to index
          %get3A_523 = tpu.vector_load %arg8[%get3A_521, %get3A_522] {strides = array<i32>} : memref<32x1024xf32, #tpu.memory_space<vmem>>, vector<16xf32>,
          %add3A_524 = arith.constant 7 : i32
          %add3A_525 = arith.addi %add3A_78, %add3A_524 : i32
          %get3A_526 = arith.index_cast %add3A_525 : i32 to index
          %get3A_527 = arith.index_cast %multiple_of3A_474 : i32 to index
          %get3A_528 = tpu.vector_load %arg8[%get3A_526, %get3A_527] {strides = array<i32>} : memref<32x1024xf32, #tpu.memory_space<vmem>>, vector<16xf32>,
          %mul3A_529 = arith.mulf %get3A_493, %get3A_478 : vector<16xf32>
          %add3A_530 = arith.addf %scan3A_448, %mul3A_529 : vector<16xf32>
          %mul3A_531 = arith.mulf %get3A_498, %get3A_478 : vector<16xf32>
          %add3A_532 = arith.addf %scan3A_449, %mul3A_531 : vector<16xf32>
          %mul3A_533 = arith.mulf %get3A_503, %get3A_478 : vector<16xf32>
          %add3A_534 = arith.addf %scan3A_450, %mul3A_533 : vector<16xf32>
          %mul3A_535 = arith.mulf %get3A_508, %get3A_478 : vector<16xf32>
          %add3A_536 = arith.addf %scan3A_451, %mul3A_535 : vector<16xf32>
          %mul3A_537 = arith.mulf %get3A_513, %get3A_478 : vector<16xf32>
          %add3A_538 = arith.addf %scan3A_452, %mul3A_537 : vector<16xf32>
          %mul3A_539 = arith.mulf %get3A_518, %get3A_478 : vector<16xf32>
          %add3A_540 = arith.addf %scan3A_453, %mul3A_539 : vector<16xf32>
          %mul3A_541 = arith.mulf %get3A_523, %get3A_478 : vector<16xf32>
          %add3A_542 = arith.addf %scan3A_454, %mul3A_541 : vector<16xf32>
          %mul3A_543 = arith.mulf %get3A_528, %get3A_478 : vector<16xf32>
          %add3A_544 = arith.addf %scan3A_455, %mul3A_543 : vector<16xf32>
          %mul3A_545 = arith.mulf %get3A_493, %get3A_483 : vector<16xf32>
          %add3A_546 = arith.addf %scan3A_456, %mul3A_545 : vector<16xf32>
          %mul3A_547 = arith.mulf %get3A_498, %get3A_483 : vector<16xf32>
          %add3A_548 = arith.addf %scan3A_457, %mul3A_547 : vector<16xf32>
          %mul3A_549 = arith.mulf %get3A_503, %get3A_483 : vector<16xf32>
          %add3A_550 = arith.addf %scan3A_458, %mul3A_549 : vector<16xf32>
          %mul3A_551 = arith.mulf %get3A_508, %get3A_483 : vector<16xf32>
          %add3A_552 = arith.addf %scan3A_459, %mul3A_551 : vector<16xf32>
          %mul3A_553 = arith.mulf %get3A_513, %get3A_483 : vector<16xf32>
          %add3A_554 = arith.addf %scan3A_460, %mul3A_553 : vector<16xf32>
          %mul3A_555 = arith.mulf %get3A_518, %get3A_483 : vector<16xf32>
          %add3A_556 = arith.addf %scan3A_461, %mul3A_555 : vector<16xf32>
          %mul3A_557 = arith.mulf %get3A_523, %get3A_483 : vector<16xf32>
          %add3A_558 = arith.addf %scan3A_462, %mul3A_557 : vector<16xf32>
          %mul3A_559 = arith.mulf %get3A_528, %get3A_483 : vector<16xf32>
          %add3A_560 = arith.addf %scan3A_463, %mul3A_559 : vector<16xf32>
          %mul3A_561 = arith.mulf %get3A_493, %get3A_488 : vector<16xf32>
          %add3A_562 = arith.addf %scan3A_464, %mul3A_561 : vector<16xf32>
          %mul3A_563 = arith.mulf %get3A_498, %get3A_488 : vector<16xf32>
          %add3A_564 = arith.addf %scan3A_465, %mul3A_563 : vector<16xf32>
          %mul3A_565 = arith.mulf %get3A_503, %get3A_488 : vector<16xf32>
          %add3A_566 = arith.addf %scan3A_466, %mul3A_565 : vector<16xf32>
          %mul3A_567 = arith.mulf %get3A_508, %get3A_488 : vector<16xf32>
          %add3A_568 = arith.addf %scan3A_467, %mul3A_567 : vector<16xf32>
          %mul3A_569 = arith.mulf %get3A_513, %get3A_488 : vector<16xf32>
          %add3A_570 = arith.addf %scan3A_468, %mul3A_569 : vector<16xf32>
          %mul3A_571 = arith.mulf %get3A_518, %get3A_488 : vector<16xf32>
          %add3A_572 = arith.addf %scan3A_469, %mul3A_571 : vector<16xf32>
          %mul3A_573 = arith.mulf %get3A_523, %get3A_488 : vector<16xf32>
          %add3A_574 = arith.addf %scan3A_470, %mul3A_573 : vector<16xf32>
          %mul3A_575 = arith.mulf %get3A_528, %get3A_488 : vector<16xf32>
          %add3A_576 = arith.addf %scan3A_471, %mul3A_575 : vector<16xf32>
          %scan3A_577 = arith.constant 1 : i32
          %scan3A_578 = arith.addi %scan3A_447, %scan3A_577 : i32
          %mul3A_579 = arith.constant 16 : i32
          %mul3A_580 = arith.muli %scan3A_578, %mul3A_579 : i32
          %multiple_of3A_581 = tpu.assume_multiple %mul3A_580, 16 : i32
          %add3A_582 = arith.constant 0 : i32
          %add3A_583 = arith.addi %add3A_582, %multiple_of3A_581 : i32
          %multiple_of3A_584 = tpu.assume_multiple %add3A_583, 16 : i32
          %get3A_585 = arith.index_cast %multiple_of3A_584 : i32 to index
          %get3A_586 = tpu.vector_load %arg9[%get3A_585] {strides = array<i32>} : memref<3072xf32, #tpu.memory_space<vmem>>, vector<16xf32>,
          %add3A_587 = arith.constant 1024 : i32
          %add3A_588 = arith.addi %add3A_587, %multiple_of3A_581 : i32
          %multiple_of3A_589 = tpu.assume_multiple %add3A_588, 16 : i32
          %get3A_590 = arith.index_cast %multiple_of3A_589 : i32 to index
          %get3A_591 = tpu.vector_load %arg9[%get3A_590] {strides = array<i32>} : memref<3072xf32, #tpu.memory_space<vmem>>, vector<16xf32>,
          %add3A_592 = arith.constant 2048 : i32
          %add3A_593 = arith.addi %add3A_592, %multiple_of3A_581 : i32
          %multiple_of3A_594 = tpu.assume_multiple %add3A_593, 16 : i32
          %get3A_595 = arith.index_cast %multiple_of3A_594 : i32 to index
          %get3A_596 = tpu.vector_load %arg9[%get3A_595] {strides = array<i32>} : memref<3072xf32, #tpu.memory_space<vmem>>, vector<16xf32>,
          %add3A_597 = arith.constant 0 : i32
          %add3A_598 = arith.addi %add3A_78, %add3A_597 : i32
          %get3A_599 = arith.index_cast %add3A_598 : i32 to index
          %get3A_600 = arith.index_cast %multiple_of3A_581 : i32 to index
          %get3A_601 = tpu.vector_load %arg8[%get3A_599, %get3A_600] {strides = array<i32>} : memref<32x1024xf32, #tpu.memory_space<vmem>>, vector<16xf32>,
          %add3A_602 = arith.constant 1 : i32
          %add3A_603 = arith.addi %add3A_78, %add3A_602 : i32
          %get3A_604 = arith.index_cast %add3A_603 : i32 to index
          %get3A_605 = arith.index_cast %multiple_of3A_581 : i32 to index
          %get3A_606 = tpu.vector_load %arg8[%get3A_604, %get3A_605] {strides = array<i32>} : memref<32x1024xf32, #tpu.memory_space<vmem>>, vector<16xf32>,
          %add3A_607 = arith.constant 2 : i32
          %add3A_608 = arith.addi %add3A_78, %add3A_607 : i32
          %get3A_609 = arith.index_cast %add3A_608 : i32 to index
          %get3A_610 = arith.index_cast %multiple_of3A_581 : i32 to index
          %get3A_611 = tpu.vector_load %arg8[%get3A_609, %get3A_610] {strides = array<i32>} : memref<32x1024xf32, #tpu.memory_space<vmem>>, vector<16xf32>,
          %add3A_612 = arith.constant 3 : i32
          %add3A_613 = arith.addi %add3A_78, %add3A_612 : i32
          %get3A_614 = arith.index_cast %add3A_613 : i32 to index
          %get3A_615 = arith.index_cast %multiple_of3A_581 : i32 to index
          %get3A_616 = tpu.vector_load %arg8[%get3A_614, %get3A_615] {strides = array<i32>} : memref<32x1024xf32, #tpu.memory_space<vmem>>, vector<16xf32>,
          %add3A_617 = arith.constant 4 : i32
          %add3A_618 = arith.addi %add3A_78, %add3A_617 : i32
          %get3A_619 = arith.index_cast %add3A_618 : i32 to index
          %get3A_620 = arith.index_cast %multiple_of3A_581 : i32 to index
          %get3A_621 = tpu.vector_load %arg8[%get3A_619, %get3A_620] {strides = array<i32>} : memref<32x1024xf32, #tpu.memory_space<vmem>>, vector<16xf32>,
          %add3A_622 = arith.constant 5 : i32
          %add3A_623 = arith.addi %add3A_78, %add3A_622 : i32
          %get3A_624 = arith.index_cast %add3A_623 : i32 to index
          %get3A_625 = arith.index_cast %multiple_of3A_581 : i32 to index
          %get3A_626 = tpu.vector_load %arg8[%get3A_624, %get3A_625] {strides = array<i32>} : memref<32x1024xf32, #tpu.memory_space<vmem>>, vector<16xf32>,
          %add3A_627 = arith.constant 6 : i32
          %add3A_628 = arith.addi %add3A_78, %add3A_627 : i32
          %get3A_629 = arith.index_cast %add3A_628 : i32 to index
          %get3A_630 = arith.index_cast %multiple_of3A_581 : i32 to index
          %get3A_631 = tpu.vector_load %arg8[%get3A_629, %get3A_630] {strides = array<i32>} : memref<32x1024xf32, #tpu.memory_space<vmem>>, vector<16xf32>,
          %add3A_632 = arith.constant 7 : i32
          %add3A_633 = arith.addi %add3A_78, %add3A_632 : i32
          %get3A_634 = arith.index_cast %add3A_633 : i32 to index
          %get3A_635 = arith.index_cast %multiple_of3A_581 : i32 to index
          %get3A_636 = tpu.vector_load %arg8[%get3A_634, %get3A_635] {strides = array<i32>} : memref<32x1024xf32, #tpu.memory_space<vmem>>, vector<16xf32>,
          %mul3A_637 = arith.mulf %get3A_601, %get3A_586 : vector<16xf32>
          %add3A_638 = arith.addf %add3A_530, %mul3A_637 : vector<16xf32>
          %mul3A_639 = arith.mulf %get3A_606, %get3A_586 : vector<16xf32>
          %add3A_640 = arith.addf %add3A_532, %mul3A_639 : vector<16xf32>
          %mul3A_641 = arith.mulf %get3A_611, %get3A_586 : vector<16xf32>
          %add3A_642 = arith.addf %add3A_534, %mul3A_641 : vector<16xf32>
          %mul3A_643 = arith.mulf %get3A_616, %get3A_586 : vector<16xf32>
          %add3A_644 = arith.addf %add3A_536, %mul3A_643 : vector<16xf32>
          %mul3A_645 = arith.mulf %get3A_621, %get3A_586 : vector<16xf32>
          %add3A_646 = arith.addf %add3A_538, %mul3A_645 : vector<16xf32>
          %mul3A_647 = arith.mulf %get3A_626, %get3A_586 : vector<16xf32>
          %add3A_648 = arith.addf %add3A_540, %mul3A_647 : vector<16xf32>
          %mul3A_649 = arith.mulf %get3A_631, %get3A_586 : vector<16xf32>
          %add3A_650 = arith.addf %add3A_542, %mul3A_649 : vector<16xf32>
          %mul3A_651 = arith.mulf %get3A_636, %get3A_586 : vector<16xf32>
          %add3A_652 = arith.addf %add3A_544, %mul3A_651 : vector<16xf32>
          %mul3A_653 = arith.mulf %get3A_601, %get3A_591 : vector<16xf32>
          %add3A_654 = arith.addf %add3A_546, %mul3A_653 : vector<16xf32>
          %mul3A_655 = arith.mulf %get3A_606, %get3A_591 : vector<16xf32>
          %add3A_656 = arith.addf %add3A_548, %mul3A_655 : vector<16xf32>
          %mul3A_657 = arith.mulf %get3A_611, %get3A_591 : vector<16xf32>
          %add3A_658 = arith.addf %add3A_550, %mul3A_657 : vector<16xf32>
          %mul3A_659 = arith.mulf %get3A_616, %get3A_591 : vector<16xf32>
          %add3A_660 = arith.addf %add3A_552, %mul3A_659 : vector<16xf32>
          %mul3A_661 = arith.mulf %get3A_621, %get3A_591 : vector<16xf32>
          %add3A_662 = arith.addf %add3A_554, %mul3A_661 : vector<16xf32>
          %mul3A_663 = arith.mulf %get3A_626, %get3A_591 : vector<16xf32>
          %add3A_664 = arith.addf %add3A_556, %mul3A_663 : vector<16xf32>
          %mul3A_665 = arith.mulf %get3A_631, %get3A_591 : vector<16xf32>
          %add3A_666 = arith.addf %add3A_558, %mul3A_665 : vector<16xf32>
          %mul3A_667 = arith.mulf %get3A_636, %get3A_591 : vector<16xf32>
          %add3A_668 = arith.addf %add3A_560, %mul3A_667 : vector<16xf32>
          %mul3A_669 = arith.mulf %get3A_601, %get3A_596 : vector<16xf32>
          %add3A_670 = arith.addf %add3A_562, %mul3A_669 : vector<16xf32>
          %mul3A_671 = arith.mulf %get3A_606, %get3A_596 : vector<16xf32>
          %add3A_672 = arith.addf %add3A_564, %mul3A_671 : vector<16xf32>
          %mul3A_673 = arith.mulf %get3A_611, %get3A_596 : vector<16xf32>
          %add3A_674 = arith.addf %add3A_566, %mul3A_673 : vector<16xf32>
          %mul3A_675 = arith.mulf %get3A_616, %get3A_596 : vector<16xf32>
          %add3A_676 = arith.addf %add3A_568, %mul3A_675 : vector<16xf32>
          %mul3A_677 = arith.mulf %get3A_621, %get3A_596 : vector<16xf32>
          %add3A_678 = arith.addf %add3A_570, %mul3A_677 : vector<16xf32>
          %mul3A_679 = arith.mulf %get3A_626, %get3A_596 : vector<16xf32>
          %add3A_680 = arith.addf %add3A_572, %mul3A_679 : vector<16xf32>
          %mul3A_681 = arith.mulf %get3A_631, %get3A_596 : vector<16xf32>
          %add3A_682 = arith.addf %add3A_574, %mul3A_681 : vector<16xf32>
          %mul3A_683 = arith.mulf %get3A_636, %get3A_596 : vector<16xf32>
          %add3A_684 = arith.addf %add3A_576, %mul3A_683 : vector<16xf32>
          scf.yield %add3A_638, %add3A_640, %add3A_642, %add3A_644, %add3A_646, %add3A_648, %add3A_650, %add3A_652, %add3A_654, %add3A_656, %add3A_658, %add3A_660, %add3A_662, %add3A_664, %add3A_666, %add3A_668, %add3A_670, %add3A_672, %add3A_674, %add3A_676, %add3A_678, %add3A_680, %add3A_682, %add3A_684 : vector<16xf32>, vector<16xf32>, vector<16xf32>, vector<16xf32>, vector<16xf32>, vector<16xf32>, vector<16xf32>, vector<16xf32>, vector<16xf32>, vector<16xf32>, vector<16xf32>, vector<16xf32>, vector<16xf32>, vector<16xf32>, vector<16xf32>, vector<16xf32>, vector<16xf32>, vector<16xf32>, vector<16xf32>, vector<16xf32>, vector<16xf32>, vector<16xf32>, vector<16xf32>, vector<16xf32>
        }
        %scan3A_85 = arith.constant 64 : i32
        %swap3A = arith.constant 0 : index
        %swap3A_86 = tpu.vector_load %arg11[%swap3A] {strides = array<i32>} : memref<816xf32, #tpu.memory_space<vmem>>, vector<16xf32>,
        tpu.vector_store %arg11[%swap3A], %scan3A_84#0 {strides = array<i32>} : memref<816xf32, #tpu.memory_space<vmem>>, vector<16xf32>,
        %swap3A_87 = arith.constant 17 : index
        %swap3A_88 = tpu.vector_load %arg11[%swap3A_87] {strides = array<i32>} : memref<816xf32, #tpu.memory_space<vmem>>, vector<16xf32>,
        tpu.vector_store %arg11[%swap3A_87], %scan3A_84#1 {strides = array<i32>} : memref<816xf32, #tpu.memory_space<vmem>>, vector<16xf32>,
        %swap3A_89 = arith.constant 34 : index
        %swap3A_90 = tpu.vector_load %arg11[%swap3A_89] {strides = array<i32>} : memref<816xf32, #tpu.memory_space<vmem>>, vector<16xf32>,
        tpu.vector_store %arg11[%swap3A_89], %scan3A_84#2 {strides = array<i32>} : memref<816xf32, #tpu.memory_space<vmem>>, vector<16xf32>,
        %swap3A_91 = arith.constant 51 : index
        %swap3A_92 = tpu.vector_load %arg11[%swap3A_91] {strides = array<i32>} : memref<816xf32, #tpu.memory_space<vmem>>, vector<16xf32>,
        tpu.vector_store %arg11[%swap3A_91], %scan3A_84#3 {strides = array<i32>} : memref<816xf32, #tpu.memory_space<vmem>>, vector<16xf32>,
        %swap3A_93 = arith.constant 68 : index
        %swap3A_94 = tpu.vector_load %arg11[%swap3A_93] {strides = array<i32>} : memref<816xf32, #tpu.memory_space<vmem>>, vector<16xf32>,
        tpu.vector_store %arg11[%swap3A_93], %scan3A_84#4 {strides = array<i32>} : memref<816xf32, #tpu.memory_space<vmem>>, vector<16xf32>,
        %swap3A_95 = arith.constant 85 : index
        %swap3A_96 = tpu.vector_load %arg11[%swap3A_95] {strides = array<i32>} : memref<816xf32, #tpu.memory_space<vmem>>, vector<16xf32>,
        tpu.vector_store %arg11[%swap3A_95], %scan3A_84#5 {strides = array<i32>} : memref<816xf32, #tpu.memory_space<vmem>>, vector<16xf32>,
        %swap3A_97 = arith.constant 102 : index
        %swap3A_98 = tpu.vector_load %arg11[%swap3A_97] {strides = array<i32>} : memref<816xf32, #tpu.memory_space<vmem>>, vector<16xf32>,
        tpu.vector_store %arg11[%swap3A_97], %scan3A_84#6 {strides = array<i32>} : memref<816xf32, #tpu.memory_space<vmem>>, vector<16xf32>,
        %swap3A_99 = arith.constant 119 : index
        %swap3A_100 = tpu.vector_load %arg11[%swap3A_99] {strides = array<i32>} : memref<816xf32, #tpu.memory_space<vmem>>, vector<16xf32>,
        tpu.vector_store %arg11[%swap3A_99], %scan3A_84#7 {strides = array<i32>} : memref<816xf32, #tpu.memory_space<vmem>>, vector<16xf32>,
        %swap3A_101 = arith.constant 272 : index
        %swap3A_102 = tpu.vector_load %arg11[%swap3A_101] {strides = array<i32>} : memref<816xf32, #tpu.memory_space<vmem>>, vector<16xf32>,
        tpu.vector_store %arg11[%swap3A_101], %scan3A_84#8 {strides = array<i32>} : memref<816xf32, #tpu.memory_space<vmem>>, vector<16xf32>,
        %swap3A_103 = arith.constant 289 : index
        %swap3A_104 = tpu.vector_load %arg11[%swap3A_103] {strides = array<i32>} : memref<816xf32, #tpu.memory_space<vmem>>, vector<16xf32>,
        tpu.vector_store %arg11[%swap3A_103], %scan3A_84#9 {strides = array<i32>} : memref<816xf32, #tpu.memory_space<vmem>>, vector<16xf32>,
        %swap3A_105 = arith.constant 306 : index
        %swap3A_106 = tpu.vector_load %arg11[%swap3A_105] {strides = array<i32>} : memref<816xf32, #tpu.memory_space<vmem>>, vector<16xf32>,
        tpu.vector_store %arg11[%swap3A_105], %scan3A_84#10 {strides = array<i32>} : memref<816xf32, #tpu.memory_space<vmem>>, vector<16xf32>,
        %swap3A_107 = arith.constant 323 : index
        %swap3A_108 = tpu.vector_load %arg11[%swap3A_107] {strides = array<i32>} : memref<816xf32, #tpu.memory_space<vmem>>, vector<16xf32>,
        tpu.vector_store %arg11[%swap3A_107], %scan3A_84#11 {strides = array<i32>} : memref<816xf32, #tpu.memory_space<vmem>>, vector<16xf32>,
        %swap3A_109 = arith.constant 340 : index
        %swap3A_110 = tpu.vector_load %arg11[%swap3A_109] {strides = array<i32>} : memref<816xf32, #tpu.memory_space<vmem>>, vector<16xf32>,
        tpu.vector_store %arg11[%swap3A_109], %scan3A_84#12 {strides = array<i32>} : memref<816xf32, #tpu.memory_space<vmem>>, vector<16xf32>,
        %swap3A_111 = arith.constant 357 : index
        %swap3A_112 = tpu.vector_load %arg11[%swap3A_111] {strides = array<i32>} : memref<816xf32, #tpu.memory_space<vmem>>, vector<16xf32>,
        tpu.vector_store %arg11[%swap3A_111], %scan3A_84#13 {strides = array<i32>} : memref<816xf32, #tpu.memory_space<vmem>>, vector<16xf32>,
        %swap3A_113 = arith.constant 374 : index
        %swap3A_114 = tpu.vector_load %arg11[%swap3A_113] {strides = array<i32>} : memref<816xf32, #tpu.memory_space<vmem>>, vector<16xf32>,
        tpu.vector_store %arg11[%swap3A_113], %scan3A_84#14 {strides = array<i32>} : memref<816xf32, #tpu.memory_space<vmem>>, vector<16xf32>,
        %swap3A_115 = arith.constant 391 : index
        %swap3A_116 = tpu.vector_load %arg11[%swap3A_115] {strides = array<i32>} : memref<816xf32, #tpu.memory_space<vmem>>, vector<16xf32>,
        tpu.vector_store %arg11[%swap3A_115], %scan3A_84#15 {strides = array<i32>} : memref<816xf32, #tpu.memory_space<vmem>>, vector<16xf32>,
        %swap3A_117 = arith.constant 544 : index
        %swap3A_118 = tpu.vector_load %arg11[%swap3A_117] {strides = array<i32>} : memref<816xf32, #tpu.memory_space<vmem>>, vector<16xf32>,
        tpu.vector_store %arg11[%swap3A_117], %scan3A_84#16 {strides = array<i32>} : memref<816xf32, #tpu.memory_space<vmem>>, vector<16xf32>,
        %swap3A_119 = arith.constant 561 : index
        %swap3A_120 = tpu.vector_load %arg11[%swap3A_119] {strides = array<i32>} : memref<816xf32, #tpu.memory_space<vmem>>, vector<16xf32>,
        tpu.vector_store %arg11[%swap3A_119], %scan3A_84#17 {strides = array<i32>} : memref<816xf32, #tpu.memory_space<vmem>>, vector<16xf32>,
        %swap3A_121 = arith.constant 578 : index
        %swap3A_122 = tpu.vector_load %arg11[%swap3A_121] {strides = array<i32>} : memref<816xf32, #tpu.memory_space<vmem>>, vector<16xf32>,
        tpu.vector_store %arg11[%swap3A_121], %scan3A_84#18 {strides = array<i32>} : memref<816xf32, #tpu.memory_space<vmem>>, vector<16xf32>,
        %swap3A_123 = arith.constant 595 : index
        %swap3A_124 = tpu.vector_load %arg11[%swap3A_123] {strides = array<i32>} : memref<816xf32, #tpu.memory_space<vmem>>, vector<16xf32>,
        tpu.vector_store %arg11[%swap3A_123], %scan3A_84#19 {strides = array<i32>} : memref<816xf32, #tpu.memory_space<vmem>>, vector<16xf32>,
        %swap3A_125 = arith.constant 612 : index
        %swap3A_126 = tpu.vector_load %arg11[%swap3A_125] {strides = array<i32>} : memref<816xf32, #tpu.memory_space<vmem>>, vector<16xf32>,
        tpu.vector_store %arg11[%swap3A_125], %scan3A_84#20 {strides = array<i32>} : memref<816xf32, #tpu.memory_space<vmem>>, vector<16xf32>,
        %swap3A_127 = arith.constant 629 : index
        %swap3A_128 = tpu.vector_load %arg11[%swap3A_127] {strides = array<i32>} : memref<816xf32, #tpu.memory_space<vmem>>, vector<16xf32>,
        tpu.vector_store %arg11[%swap3A_127], %scan3A_84#21 {strides = array<i32>} : memref<816xf32, #tpu.memory_space<vmem>>, vector<16xf32>,
        %swap3A_129 = arith.constant 646 : index
        %swap3A_130 = tpu.vector_load %arg11[%swap3A_129] {strides = array<i32>} : memref<816xf32, #tpu.memory_space<vmem>>, vector<16xf32>,
        tpu.vector_store %arg11[%swap3A_129], %scan3A_84#22 {strides = array<i32>} : memref<816xf32, #tpu.memory_space<vmem>>, vector<16xf32>,
        %swap3A_131 = arith.constant 663 : index
        %swap3A_132 = tpu.vector_load %arg11[%swap3A_131] {strides = array<i32>} : memref<816xf32, #tpu.memory_space<vmem>>, vector<16xf32>,
        tpu.vector_store %arg11[%swap3A_131], %scan3A_84#23 {strides = array<i32>} : memref<816xf32, #tpu.memory_space<vmem>>, vector<16xf32>,
        %mul3A_133 = arith.constant 16 : i32
        %mul3A_134 = arith.muli %scan3A_73, %mul3A_133 : i32
        %add3A_135 = arith.constant 8 : i32
        %add3A_136 = arith.addi %mul3A_134, %add3A_135 : i32
        %broadcast_in_dim3A_137 = arith.constant 0.000000e+00 : f32
        %broadcast_in_dim3A_138 = vector.broadcast %broadcast_in_dim3A_137 : f32 to vector<16xf32>
        %scan3A_139 = arith.constant 0 : i32
        %scan3A_140 = arith.constant 64 : i32
        %scan3A_141 = arith.addi %scan3A_139, %scan3A_140 : i32
        %scan3A_142 = arith.constant 2 : i32
        %scan3A_143:24 = scf.for %scan3A_447 = %scan3A_139 to %scan3A_141 step %scan3A_142 iter_args(%scan3A_448 = %broadcast_in_dim3A_138, %scan3A_449 = %broadcast_in_dim3A_138, %scan3A_450 = %broadcast_in_dim3A_138, %scan3A_451 = %broadcast_in_dim3A_138, %scan3A_452 = %broadcast_in_dim3A_138, %scan3A_453 = %broadcast_in_dim3A_138, %scan3A_454 = %broadcast_in_dim3A_138, %scan3A_455 = %broadcast_in_dim3A_138, %scan3A_456 = %broadcast_in_dim3A_138, %scan3A_457 = %broadcast_in_dim3A_138, %scan3A_458 = %broadcast_in_dim3A_138, %scan3A_459 = %broadcast_in_dim3A_138, %scan3A_460 = %broadcast_in_dim3A_138, %scan3A_461 = %broadcast_in_dim3A_138, %scan3A_462 = %broadcast_in_dim3A_138, %scan3A_463 = %broadcast_in_dim3A_138, %scan3A_464 = %broadcast_in_dim3A_138, %scan3A_465 = %broadcast_in_dim3A_138, %scan3A_466 = %broadcast_in_dim3A_138, %scan3A_467 = %broadcast_in_dim3A_138, %scan3A_468 = %broadcast_in_dim3A_138, %scan3A_469 = %broadcast_in_dim3A_138, %scan3A_470 = %broadcast_in_dim3A_138, %scan3A_471 = %broadcast_in_dim3A_138) -> (vector<16xf32>, vector<16xf32>, vector<16xf32>, vector<16xf32>, vector<16xf32>, vector<16xf32>, vector<16xf32>, vector<16xf32>, vector<16xf32>, vector<16xf32>, vector<16xf32>, vector<16xf32>, vector<16xf32>, vector<16xf32>, vector<16xf32>, vector<16xf32>, vector<16xf32>, vector<16xf32>, vector<16xf32>, vector<16xf32>, vector<16xf32>, vector<16xf32>, vector<16xf32>, vector<16xf32>)  : i32 {
          %mul3A_472 = arith.constant 16 : i32
          %mul3A_473 = arith.muli %scan3A_447, %mul3A_472 : i32
          %multiple_of3A_474 = tpu.assume_multiple %mul3A_473, 16 : i32
          %add3A_475 = arith.constant 0 : i32
          %add3A_476 = arith.addi %add3A_475, %multiple_of3A_474 : i32
          %multiple_of3A_477 = tpu.assume_multiple %add3A_476, 16 : i32
          %get3A = arith.index_cast %multiple_of3A_477 : i32 to index
          %get3A_478 = tpu.vector_load %arg9[%get3A] {strides = array<i32>} : memref<3072xf32, #tpu.memory_space<vmem>>, vector<16xf32>,
          %add3A_479 = arith.constant 1024 : i32
          %add3A_480 = arith.addi %add3A_479, %multiple_of3A_474 : i32
          %multiple_of3A_481 = tpu.assume_multiple %add3A_480, 16 : i32
          %get3A_482 = arith.index_cast %multiple_of3A_481 : i32 to index
          %get3A_483 = tpu.vector_load %arg9[%get3A_482] {strides = array<i32>} : memref<3072xf32, #tpu.memory_space<vmem>>, vector<16xf32>,
          %add3A_484 = arith.constant 2048 : i32
          %add3A_485 = arith.addi %add3A_484, %multiple_of3A_474 : i32
          %multiple_of3A_486 = tpu.assume_multiple %add3A_485, 16 : i32
          %get3A_487 = arith.index_cast %multiple_of3A_486 : i32 to index
          %get3A_488 = tpu.vector_load %arg9[%get3A_487] {strides = array<i32>} : memref<3072xf32, #tpu.memory_space<vmem>>, vector<16xf32>,
          %add3A_489 = arith.constant 0 : i32
          %add3A_490 = arith.addi %add3A_136, %add3A_489 : i32
          %get3A_491 = arith.index_cast %add3A_490 : i32 to index
          %get3A_492 = arith.index_cast %multiple_of3A_474 : i32 to index
          %get3A_493 = tpu.vector_load %arg8[%get3A_491, %get3A_492] {strides = array<i32>} : memref<32x1024xf32, #tpu.memory_space<vmem>>, vector<16xf32>,
          %add3A_494 = arith.constant 1 : i32
          %add3A_495 = arith.addi %add3A_136, %add3A_494 : i32
          %get3A_496 = arith.index_cast %add3A_495 : i32 to index
          %get3A_497 = arith.index_cast %multiple_of3A_474 : i32 to index
          %get3A_498 = tpu.vector_load %arg8[%get3A_496, %get3A_497] {strides = array<i32>} : memref<32x1024xf32, #tpu.memory_space<vmem>>, vector<16xf32>,
          %add3A_499 = arith.constant 2 : i32
          %add3A_500 = arith.addi %add3A_136, %add3A_499 : i32
          %get3A_501 = arith.index_cast %add3A_500 : i32 to index
          %get3A_502 = arith.index_cast %multiple_of3A_474 : i32 to index
          %get3A_503 = tpu.vector_load %arg8[%get3A_501, %get3A_502] {strides = array<i32>} : memref<32x1024xf32, #tpu.memory_space<vmem>>, vector<16xf32>,
          %add3A_504 = arith.constant 3 : i32
          %add3A_505 = arith.addi %add3A_136, %add3A_504 : i32
          %get3A_506 = arith.index_cast %add3A_505 : i32 to index
          %get3A_507 = arith.index_cast %multiple_of3A_474 : i32 to index
          %get3A_508 = tpu.vector_load %arg8[%get3A_506, %get3A_507] {strides = array<i32>} : memref<32x1024xf32, #tpu.memory_space<vmem>>, vector<16xf32>,
          %add3A_509 = arith.constant 4 : i32
          %add3A_510 = arith.addi %add3A_136, %add3A_509 : i32
          %get3A_511 = arith.index_cast %add3A_510 : i32 to index
          %get3A_512 = arith.index_cast %multiple_of3A_474 : i32 to index
          %get3A_513 = tpu.vector_load %arg8[%get3A_511, %get3A_512] {strides = array<i32>} : memref<32x1024xf32, #tpu.memory_space<vmem>>, vector<16xf32>,
          %add3A_514 = arith.constant 5 : i32
          %add3A_515 = arith.addi %add3A_136, %add3A_514 : i32
          %get3A_516 = arith.index_cast %add3A_515 : i32 to index
          %get3A_517 = arith.index_cast %multiple_of3A_474 : i32 to index
          %get3A_518 = tpu.vector_load %arg8[%get3A_516, %get3A_517] {strides = array<i32>} : memref<32x1024xf32, #tpu.memory_space<vmem>>, vector<16xf32>,
          %add3A_519 = arith.constant 6 : i32
          %add3A_520 = arith.addi %add3A_136, %add3A_519 : i32
          %get3A_521 = arith.index_cast %add3A_520 : i32 to index
          %get3A_522 = arith.index_cast %multiple_of3A_474 : i32 to index
          %get3A_523 = tpu.vector_load %arg8[%get3A_521, %get3A_522] {strides = array<i32>} : memref<32x1024xf32, #tpu.memory_space<vmem>>, vector<16xf32>,
          %add3A_524 = arith.constant 7 : i32
          %add3A_525 = arith.addi %add3A_136, %add3A_524 : i32
          %get3A_526 = arith.index_cast %add3A_525 : i32 to index
          %get3A_527 = arith.index_cast %multiple_of3A_474 : i32 to index
          %get3A_528 = tpu.vector_load %arg8[%get3A_526, %get3A_527] {strides = array<i32>} : memref<32x1024xf32, #tpu.memory_space<vmem>>, vector<16xf32>,
          %mul3A_529 = arith.mulf %get3A_493, %get3A_478 : vector<16xf32>
          %add3A_530 = arith.addf %scan3A_448, %mul3A_529 : vector<16xf32>
          %mul3A_531 = arith.mulf %get3A_498, %get3A_478 : vector<16xf32>
          %add3A_532 = arith.addf %scan3A_449, %mul3A_531 : vector<16xf32>
          %mul3A_533 = arith.mulf %get3A_503, %get3A_478 : vector<16xf32>
          %add3A_534 = arith.addf %scan3A_450, %mul3A_533 : vector<16xf32>
          %mul3A_535 = arith.mulf %get3A_508, %get3A_478 : vector<16xf32>
          %add3A_536 = arith.addf %scan3A_451, %mul3A_535 : vector<16xf32>
          %mul3A_537 = arith.mulf %get3A_513, %get3A_478 : vector<16xf32>
          %add3A_538 = arith.addf %scan3A_452, %mul3A_537 : vector<16xf32>
          %mul3A_539 = arith.mulf %get3A_518, %get3A_478 : vector<16xf32>
          %add3A_540 = arith.addf %scan3A_453, %mul3A_539 : vector<16xf32>
          %mul3A_541 = arith.mulf %get3A_523, %get3A_478 : vector<16xf32>
          %add3A_542 = arith.addf %scan3A_454, %mul3A_541 : vector<16xf32>
          %mul3A_543 = arith.mulf %get3A_528, %get3A_478 : vector<16xf32>
          %add3A_544 = arith.addf %scan3A_455, %mul3A_543 : vector<16xf32>
          %mul3A_545 = arith.mulf %get3A_493, %get3A_483 : vector<16xf32>
          %add3A_546 = arith.addf %scan3A_456, %mul3A_545 : vector<16xf32>
          %mul3A_547 = arith.mulf %get3A_498, %get3A_483 : vector<16xf32>
          %add3A_548 = arith.addf %scan3A_457, %mul3A_547 : vector<16xf32>
          %mul3A_549 = arith.mulf %get3A_503, %get3A_483 : vector<16xf32>
          %add3A_550 = arith.addf %scan3A_458, %mul3A_549 : vector<16xf32>
          %mul3A_551 = arith.mulf %get3A_508, %get3A_483 : vector<16xf32>
          %add3A_552 = arith.addf %scan3A_459, %mul3A_551 : vector<16xf32>
          %mul3A_553 = arith.mulf %get3A_513, %get3A_483 : vector<16xf32>
          %add3A_554 = arith.addf %scan3A_460, %mul3A_553 : vector<16xf32>
          %mul3A_555 = arith.mulf %get3A_518, %get3A_483 : vector<16xf32>
          %add3A_556 = arith.addf %scan3A_461, %mul3A_555 : vector<16xf32>
          %mul3A_557 = arith.mulf %get3A_523, %get3A_483 : vector<16xf32>
          %add3A_558 = arith.addf %scan3A_462, %mul3A_557 : vector<16xf32>
          %mul3A_559 = arith.mulf %get3A_528, %get3A_483 : vector<16xf32>
          %add3A_560 = arith.addf %scan3A_463, %mul3A_559 : vector<16xf32>
          %mul3A_561 = arith.mulf %get3A_493, %get3A_488 : vector<16xf32>
          %add3A_562 = arith.addf %scan3A_464, %mul3A_561 : vector<16xf32>
          %mul3A_563 = arith.mulf %get3A_498, %get3A_488 : vector<16xf32>
          %add3A_564 = arith.addf %scan3A_465, %mul3A_563 : vector<16xf32>
          %mul3A_565 = arith.mulf %get3A_503, %get3A_488 : vector<16xf32>
          %add3A_566 = arith.addf %scan3A_466, %mul3A_565 : vector<16xf32>
          %mul3A_567 = arith.mulf %get3A_508, %get3A_488 : vector<16xf32>
          %add3A_568 = arith.addf %scan3A_467, %mul3A_567 : vector<16xf32>
          %mul3A_569 = arith.mulf %get3A_513, %get3A_488 : vector<16xf32>
          %add3A_570 = arith.addf %scan3A_468, %mul3A_569 : vector<16xf32>
          %mul3A_571 = arith.mulf %get3A_518, %get3A_488 : vector<16xf32>
          %add3A_572 = arith.addf %scan3A_469, %mul3A_571 : vector<16xf32>
          %mul3A_573 = arith.mulf %get3A_523, %get3A_488 : vector<16xf32>
          %add3A_574 = arith.addf %scan3A_470, %mul3A_573 : vector<16xf32>
          %mul3A_575 = arith.mulf %get3A_528, %get3A_488 : vector<16xf32>
          %add3A_576 = arith.addf %scan3A_471, %mul3A_575 : vector<16xf32>
          %scan3A_577 = arith.constant 1 : i32
          %scan3A_578 = arith.addi %scan3A_447, %scan3A_577 : i32
          %mul3A_579 = arith.constant 16 : i32
          %mul3A_580 = arith.muli %scan3A_578, %mul3A_579 : i32
          %multiple_of3A_581 = tpu.assume_multiple %mul3A_580, 16 : i32
          %add3A_582 = arith.constant 0 : i32
          %add3A_583 = arith.addi %add3A_582, %multiple_of3A_581 : i32
          %multiple_of3A_584 = tpu.assume_multiple %add3A_583, 16 : i32
          %get3A_585 = arith.index_cast %multiple_of3A_584 : i32 to index
          %get3A_586 = tpu.vector_load %arg9[%get3A_585] {strides = array<i32>} : memref<3072xf32, #tpu.memory_space<vmem>>, vector<16xf32>,
          %add3A_587 = arith.constant 1024 : i32
          %add3A_588 = arith.addi %add3A_587, %multiple_of3A_581 : i32
          %multiple_of3A_589 = tpu.assume_multiple %add3A_588, 16 : i32
          %get3A_590 = arith.index_cast %multiple_of3A_589 : i32 to index
          %get3A_591 = tpu.vector_load %arg9[%get3A_590] {strides = array<i32>} : memref<3072xf32, #tpu.memory_space<vmem>>, vector<16xf32>,
          %add3A_592 = arith.constant 2048 : i32
          %add3A_593 = arith.addi %add3A_592, %multiple_of3A_581 : i32
          %multiple_of3A_594 = tpu.assume_multiple %add3A_593, 16 : i32
          %get3A_595 = arith.index_cast %multiple_of3A_594 : i32 to index
          %get3A_596 = tpu.vector_load %arg9[%get3A_595] {strides = array<i32>} : memref<3072xf32, #tpu.memory_space<vmem>>, vector<16xf32>,
          %add3A_597 = arith.constant 0 : i32
          %add3A_598 = arith.addi %add3A_136, %add3A_597 : i32
          %get3A_599 = arith.index_cast %add3A_598 : i32 to index
          %get3A_600 = arith.index_cast %multiple_of3A_581 : i32 to index
          %get3A_601 = tpu.vector_load %arg8[%get3A_599, %get3A_600] {strides = array<i32>} : memref<32x1024xf32, #tpu.memory_space<vmem>>, vector<16xf32>,
          %add3A_602 = arith.constant 1 : i32
          %add3A_603 = arith.addi %add3A_136, %add3A_602 : i32
          %get3A_604 = arith.index_cast %add3A_603 : i32 to index
          %get3A_605 = arith.index_cast %multiple_of3A_581 : i32 to index
          %get3A_606 = tpu.vector_load %arg8[%get3A_604, %get3A_605] {strides = array<i32>} : memref<32x1024xf32, #tpu.memory_space<vmem>>, vector<16xf32>,
          %add3A_607 = arith.constant 2 : i32
          %add3A_608 = arith.addi %add3A_136, %add3A_607 : i32
          %get3A_609 = arith.index_cast %add3A_608 : i32 to index
          %get3A_610 = arith.index_cast %multiple_of3A_581 : i32 to index
          %get3A_611 = tpu.vector_load %arg8[%get3A_609, %get3A_610] {strides = array<i32>} : memref<32x1024xf32, #tpu.memory_space<vmem>>, vector<16xf32>,
          %add3A_612 = arith.constant 3 : i32
          %add3A_613 = arith.addi %add3A_136, %add3A_612 : i32
          %get3A_614 = arith.index_cast %add3A_613 : i32 to index
          %get3A_615 = arith.index_cast %multiple_of3A_581 : i32 to index
          %get3A_616 = tpu.vector_load %arg8[%get3A_614, %get3A_615] {strides = array<i32>} : memref<32x1024xf32, #tpu.memory_space<vmem>>, vector<16xf32>,
          %add3A_617 = arith.constant 4 : i32
          %add3A_618 = arith.addi %add3A_136, %add3A_617 : i32
          %get3A_619 = arith.index_cast %add3A_618 : i32 to index
          %get3A_620 = arith.index_cast %multiple_of3A_581 : i32 to index
          %get3A_621 = tpu.vector_load %arg8[%get3A_619, %get3A_620] {strides = array<i32>} : memref<32x1024xf32, #tpu.memory_space<vmem>>, vector<16xf32>,
          %add3A_622 = arith.constant 5 : i32
          %add3A_623 = arith.addi %add3A_136, %add3A_622 : i32
          %get3A_624 = arith.index_cast %add3A_623 : i32 to index
          %get3A_625 = arith.index_cast %multiple_of3A_581 : i32 to index
          %get3A_626 = tpu.vector_load %arg8[%get3A_624, %get3A_625] {strides = array<i32>} : memref<32x1024xf32, #tpu.memory_space<vmem>>, vector<16xf32>,
          %add3A_627 = arith.constant 6 : i32
          %add3A_628 = arith.addi %add3A_136, %add3A_627 : i32
          %get3A_629 = arith.index_cast %add3A_628 : i32 to index
          %get3A_630 = arith.index_cast %multiple_of3A_581 : i32 to index
          %get3A_631 = tpu.vector_load %arg8[%get3A_629, %get3A_630] {strides = array<i32>} : memref<32x1024xf32, #tpu.memory_space<vmem>>, vector<16xf32>,
          %add3A_632 = arith.constant 7 : i32
          %add3A_633 = arith.addi %add3A_136, %add3A_632 : i32
          %get3A_634 = arith.index_cast %add3A_633 : i32 to index
          %get3A_635 = arith.index_cast %multiple_of3A_581 : i32 to index
          %get3A_636 = tpu.vector_load %arg8[%get3A_634, %get3A_635] {strides = array<i32>} : memref<32x1024xf32, #tpu.memory_space<vmem>>, vector<16xf32>,
          %mul3A_637 = arith.mulf %get3A_601, %get3A_586 : vector<16xf32>
          %add3A_638 = arith.addf %add3A_530, %mul3A_637 : vector<16xf32>
          %mul3A_639 = arith.mulf %get3A_606, %get3A_586 : vector<16xf32>
          %add3A_640 = arith.addf %add3A_532, %mul3A_639 : vector<16xf32>
          %mul3A_641 = arith.mulf %get3A_611, %get3A_586 : vector<16xf32>
          %add3A_642 = arith.addf %add3A_534, %mul3A_641 : vector<16xf32>
          %mul3A_643 = arith.mulf %get3A_616, %get3A_586 : vector<16xf32>
          %add3A_644 = arith.addf %add3A_536, %mul3A_643 : vector<16xf32>
          %mul3A_645 = arith.mulf %get3A_621, %get3A_586 : vector<16xf32>
          %add3A_646 = arith.addf %add3A_538, %mul3A_645 : vector<16xf32>
          %mul3A_647 = arith.mulf %get3A_626, %get3A_586 : vector<16xf32>
          %add3A_648 = arith.addf %add3A_540, %mul3A_647 : vector<16xf32>
          %mul3A_649 = arith.mulf %get3A_631, %get3A_586 : vector<16xf32>
          %add3A_650 = arith.addf %add3A_542, %mul3A_649 : vector<16xf32>
          %mul3A_651 = arith.mulf %get3A_636, %get3A_586 : vector<16xf32>
          %add3A_652 = arith.addf %add3A_544, %mul3A_651 : vector<16xf32>
          %mul3A_653 = arith.mulf %get3A_601, %get3A_591 : vector<16xf32>
          %add3A_654 = arith.addf %add3A_546, %mul3A_653 : vector<16xf32>
          %mul3A_655 = arith.mulf %get3A_606, %get3A_591 : vector<16xf32>
          %add3A_656 = arith.addf %add3A_548, %mul3A_655 : vector<16xf32>
          %mul3A_657 = arith.mulf %get3A_611, %get3A_591 : vector<16xf32>
          %add3A_658 = arith.addf %add3A_550, %mul3A_657 : vector<16xf32>
          %mul3A_659 = arith.mulf %get3A_616, %get3A_591 : vector<16xf32>
          %add3A_660 = arith.addf %add3A_552, %mul3A_659 : vector<16xf32>
          %mul3A_661 = arith.mulf %get3A_621, %get3A_591 : vector<16xf32>
          %add3A_662 = arith.addf %add3A_554, %mul3A_661 : vector<16xf32>
          %mul3A_663 = arith.mulf %get3A_626, %get3A_591 : vector<16xf32>
          %add3A_664 = arith.addf %add3A_556, %mul3A_663 : vector<16xf32>
          %mul3A_665 = arith.mulf %get3A_631, %get3A_591 : vector<16xf32>
          %add3A_666 = arith.addf %add3A_558, %mul3A_665 : vector<16xf32>
          %mul3A_667 = arith.mulf %get3A_636, %get3A_591 : vector<16xf32>
          %add3A_668 = arith.addf %add3A_560, %mul3A_667 : vector<16xf32>
          %mul3A_669 = arith.mulf %get3A_601, %get3A_596 : vector<16xf32>
          %add3A_670 = arith.addf %add3A_562, %mul3A_669 : vector<16xf32>
          %mul3A_671 = arith.mulf %get3A_606, %get3A_596 : vector<16xf32>
          %add3A_672 = arith.addf %add3A_564, %mul3A_671 : vector<16xf32>
          %mul3A_673 = arith.mulf %get3A_611, %get3A_596 : vector<16xf32>
          %add3A_674 = arith.addf %add3A_566, %mul3A_673 : vector<16xf32>
          %mul3A_675 = arith.mulf %get3A_616, %get3A_596 : vector<16xf32>
          %add3A_676 = arith.addf %add3A_568, %mul3A_675 : vector<16xf32>
          %mul3A_677 = arith.mulf %get3A_621, %get3A_596 : vector<16xf32>
          %add3A_678 = arith.addf %add3A_570, %mul3A_677 : vector<16xf32>
          %mul3A_679 = arith.mulf %get3A_626, %get3A_596 : vector<16xf32>
          %add3A_680 = arith.addf %add3A_572, %mul3A_679 : vector<16xf32>
          %mul3A_681 = arith.mulf %get3A_631, %get3A_596 : vector<16xf32>
          %add3A_682 = arith.addf %add3A_574, %mul3A_681 : vector<16xf32>
          %mul3A_683 = arith.mulf %get3A_636, %get3A_596 : vector<16xf32>
          %add3A_684 = arith.addf %add3A_576, %mul3A_683 : vector<16xf32>
          scf.yield %add3A_638, %add3A_640, %add3A_642, %add3A_644, %add3A_646, %add3A_648, %add3A_650, %add3A_652, %add3A_654, %add3A_656, %add3A_658, %add3A_660, %add3A_662, %add3A_664, %add3A_666, %add3A_668, %add3A_670, %add3A_672, %add3A_674, %add3A_676, %add3A_678, %add3A_680, %add3A_682, %add3A_684 : vector<16xf32>, vector<16xf32>, vector<16xf32>, vector<16xf32>, vector<16xf32>, vector<16xf32>, vector<16xf32>, vector<16xf32>, vector<16xf32>, vector<16xf32>, vector<16xf32>, vector<16xf32>, vector<16xf32>, vector<16xf32>, vector<16xf32>, vector<16xf32>, vector<16xf32>, vector<16xf32>, vector<16xf32>, vector<16xf32>, vector<16xf32>, vector<16xf32>, vector<16xf32>, vector<16xf32>
        }
        %scan3A_144 = arith.constant 64 : i32
        %swap3A_145 = arith.constant 136 : index
        %swap3A_146 = tpu.vector_load %arg11[%swap3A_145] {strides = array<i32>} : memref<816xf32, #tpu.memory_space<vmem>>, vector<16xf32>,
        tpu.vector_store %arg11[%swap3A_145], %scan3A_143#0 {strides = array<i32>} : memref<816xf32, #tpu.memory_space<vmem>>, vector<16xf32>,
        %swap3A_147 = arith.constant 153 : index
        %swap3A_148 = tpu.vector_load %arg11[%swap3A_147] {strides = array<i32>} : memref<816xf32, #tpu.memory_space<vmem>>, vector<16xf32>,
        tpu.vector_store %arg11[%swap3A_147], %scan3A_143#1 {strides = array<i32>} : memref<816xf32, #tpu.memory_space<vmem>>, vector<16xf32>,
        %swap3A_149 = arith.constant 170 : index
        %swap3A_150 = tpu.vector_load %arg11[%swap3A_149] {strides = array<i32>} : memref<816xf32, #tpu.memory_space<vmem>>, vector<16xf32>,
        tpu.vector_store %arg11[%swap3A_149], %scan3A_143#2 {strides = array<i32>} : memref<816xf32, #tpu.memory_space<vmem>>, vector<16xf32>,
        %swap3A_151 = arith.constant 187 : index
        %swap3A_152 = tpu.vector_load %arg11[%swap3A_151] {strides = array<i32>} : memref<816xf32, #tpu.memory_space<vmem>>, vector<16xf32>,
        tpu.vector_store %arg11[%swap3A_151], %scan3A_143#3 {strides = array<i32>} : memref<816xf32, #tpu.memory_space<vmem>>, vector<16xf32>,
        %swap3A_153 = arith.constant 204 : index
        %swap3A_154 = tpu.vector_load %arg11[%swap3A_153] {strides = array<i32>} : memref<816xf32, #tpu.memory_space<vmem>>, vector<16xf32>,
        tpu.vector_store %arg11[%swap3A_153], %scan3A_143#4 {strides = array<i32>} : memref<816xf32, #tpu.memory_space<vmem>>, vector<16xf32>,
        %swap3A_155 = arith.constant 221 : index
        %swap3A_156 = tpu.vector_load %arg11[%swap3A_155] {strides = array<i32>} : memref<816xf32, #tpu.memory_space<vmem>>, vector<16xf32>,
        tpu.vector_store %arg11[%swap3A_155], %scan3A_143#5 {strides = array<i32>} : memref<816xf32, #tpu.memory_space<vmem>>, vector<16xf32>,
        %swap3A_157 = arith.constant 238 : index
        %swap3A_158 = tpu.vector_load %arg11[%swap3A_157] {strides = array<i32>} : memref<816xf32, #tpu.memory_space<vmem>>, vector<16xf32>,
        tpu.vector_store %arg11[%swap3A_157], %scan3A_143#6 {strides = array<i32>} : memref<816xf32, #tpu.memory_space<vmem>>, vector<16xf32>,
        %swap3A_159 = arith.constant 255 : index
        %swap3A_160 = tpu.vector_load %arg11[%swap3A_159] {strides = array<i32>} : memref<816xf32, #tpu.memory_space<vmem>>, vector<16xf32>,
        tpu.vector_store %arg11[%swap3A_159], %scan3A_143#7 {strides = array<i32>} : memref<816xf32, #tpu.memory_space<vmem>>, vector<16xf32>,
        %swap3A_161 = arith.constant 408 : index
        %swap3A_162 = tpu.vector_load %arg11[%swap3A_161] {strides = array<i32>} : memref<816xf32, #tpu.memory_space<vmem>>, vector<16xf32>,
        tpu.vector_store %arg11[%swap3A_161], %scan3A_143#8 {strides = array<i32>} : memref<816xf32, #tpu.memory_space<vmem>>, vector<16xf32>,
        %swap3A_163 = arith.constant 425 : index
        %swap3A_164 = tpu.vector_load %arg11[%swap3A_163] {strides = array<i32>} : memref<816xf32, #tpu.memory_space<vmem>>, vector<16xf32>,
        tpu.vector_store %arg11[%swap3A_163], %scan3A_143#9 {strides = array<i32>} : memref<816xf32, #tpu.memory_space<vmem>>, vector<16xf32>,
        %swap3A_165 = arith.constant 442 : index
        %swap3A_166 = tpu.vector_load %arg11[%swap3A_165] {strides = array<i32>} : memref<816xf32, #tpu.memory_space<vmem>>, vector<16xf32>,
        tpu.vector_store %arg11[%swap3A_165], %scan3A_143#10 {strides = array<i32>} : memref<816xf32, #tpu.memory_space<vmem>>, vector<16xf32>,
        %swap3A_167 = arith.constant 459 : index
        %swap3A_168 = tpu.vector_load %arg11[%swap3A_167] {strides = array<i32>} : memref<816xf32, #tpu.memory_space<vmem>>, vector<16xf32>,
        tpu.vector_store %arg11[%swap3A_167], %scan3A_143#11 {strides = array<i32>} : memref<816xf32, #tpu.memory_space<vmem>>, vector<16xf32>,
        %swap3A_169 = arith.constant 476 : index
        %swap3A_170 = tpu.vector_load %arg11[%swap3A_169] {strides = array<i32>} : memref<816xf32, #tpu.memory_space<vmem>>, vector<16xf32>,
        tpu.vector_store %arg11[%swap3A_169], %scan3A_143#12 {strides = array<i32>} : memref<816xf32, #tpu.memory_space<vmem>>, vector<16xf32>,
        %swap3A_171 = arith.constant 493 : index
        %swap3A_172 = tpu.vector_load %arg11[%swap3A_171] {strides = array<i32>} : memref<816xf32, #tpu.memory_space<vmem>>, vector<16xf32>,
        tpu.vector_store %arg11[%swap3A_171], %scan3A_143#13 {strides = array<i32>} : memref<816xf32, #tpu.memory_space<vmem>>, vector<16xf32>,
        %swap3A_173 = arith.constant 510 : index
        %swap3A_174 = tpu.vector_load %arg11[%swap3A_173] {strides = array<i32>} : memref<816xf32, #tpu.memory_space<vmem>>, vector<16xf32>,
        tpu.vector_store %arg11[%swap3A_173], %scan3A_143#14 {strides = array<i32>} : memref<816xf32, #tpu.memory_space<vmem>>, vector<16xf32>,
        %swap3A_175 = arith.constant 527 : index
        %swap3A_176 = tpu.vector_load %arg11[%swap3A_175] {strides = array<i32>} : memref<816xf32, #tpu.memory_space<vmem>>, vector<16xf32>,
        tpu.vector_store %arg11[%swap3A_175], %scan3A_143#15 {strides = array<i32>} : memref<816xf32, #tpu.memory_space<vmem>>, vector<16xf32>,
        %swap3A_177 = arith.constant 680 : index
        %swap3A_178 = tpu.vector_load %arg11[%swap3A_177] {strides = array<i32>} : memref<816xf32, #tpu.memory_space<vmem>>, vector<16xf32>,
        tpu.vector_store %arg11[%swap3A_177], %scan3A_143#16 {strides = array<i32>} : memref<816xf32, #tpu.memory_space<vmem>>, vector<16xf32>,
        %swap3A_179 = arith.constant 697 : index
        %swap3A_180 = tpu.vector_load %arg11[%swap3A_179] {strides = array<i32>} : memref<816xf32, #tpu.memory_space<vmem>>, vector<16xf32>,
        tpu.vector_store %arg11[%swap3A_179], %scan3A_143#17 {strides = array<i32>} : memref<816xf32, #tpu.memory_space<vmem>>, vector<16xf32>,
        %swap3A_181 = arith.constant 714 : index
        %swap3A_182 = tpu.vector_load %arg11[%swap3A_181] {strides = array<i32>} : memref<816xf32, #tpu.memory_space<vmem>>, vector<16xf32>,
        tpu.vector_store %arg11[%swap3A_181], %scan3A_143#18 {strides = array<i32>} : memref<816xf32, #tpu.memory_space<vmem>>, vector<16xf32>,
        %swap3A_183 = arith.constant 731 : index
        %swap3A_184 = tpu.vector_load %arg11[%swap3A_183] {strides = array<i32>} : memref<816xf32, #tpu.memory_space<vmem>>, vector<16xf32>,
        tpu.vector_store %arg11[%swap3A_183], %scan3A_143#19 {strides = array<i32>} : memref<816xf32, #tpu.memory_space<vmem>>, vector<16xf32>,
        %swap3A_185 = arith.constant 748 : index
        %swap3A_186 = tpu.vector_load %arg11[%swap3A_185] {strides = array<i32>} : memref<816xf32, #tpu.memory_space<vmem>>, vector<16xf32>,
        tpu.vector_store %arg11[%swap3A_185], %scan3A_143#20 {strides = array<i32>} : memref<816xf32, #tpu.memory_space<vmem>>, vector<16xf32>,
        %swap3A_187 = arith.constant 765 : index
        %swap3A_188 = tpu.vector_load %arg11[%swap3A_187] {strides = array<i32>} : memref<816xf32, #tpu.memory_space<vmem>>, vector<16xf32>,
        tpu.vector_store %arg11[%swap3A_187], %scan3A_143#21 {strides = array<i32>} : memref<816xf32, #tpu.memory_space<vmem>>, vector<16xf32>,
        %swap3A_189 = arith.constant 782 : index
        %swap3A_190 = tpu.vector_load %arg11[%swap3A_189] {strides = array<i32>} : memref<816xf32, #tpu.memory_space<vmem>>, vector<16xf32>,
        tpu.vector_store %arg11[%swap3A_189], %scan3A_143#22 {strides = array<i32>} : memref<816xf32, #tpu.memory_space<vmem>>, vector<16xf32>,
        %swap3A_191 = arith.constant 799 : index
        %swap3A_192 = tpu.vector_load %arg11[%swap3A_191] {strides = array<i32>} : memref<816xf32, #tpu.memory_space<vmem>>, vector<16xf32>,
        tpu.vector_store %arg11[%swap3A_191], %scan3A_143#23 {strides = array<i32>} : memref<816xf32, #tpu.memory_space<vmem>>, vector<16xf32>,
        %mul3A_193 = arith.constant 32 : i32
        %mul3A_194 = arith.muli %add3A_50, %mul3A_193 : i32
        %mul3A_195 = arith.constant 16 : i32
        %mul3A_196 = arith.muli %scan3A_73, %mul3A_195 : i32
        %add3A_197 = arith.addi %mul3A_194, %mul3A_196 : i32
        %add3A_198 = arith.constant 0 : i32
        %add3A_199 = vector.broadcast %add3A_198 : i32 to vector<16xi32>
        %add3A_200 = arith.addi %mul3A_9, %add3A_199 : vector<16xi32>
        %gather3A = tpu.vector_load_idx %arg11[%add3A_200] : memref<816xf32, #tpu.memory_space<vmem>>[vector<16xi32>], vector<16xf32>,
        %add3A_201 = arith.constant 1 : i32
        %add3A_202 = vector.broadcast %add3A_201 : i32 to vector<16xi32>
        %add3A_203 = arith.addi %mul3A_9, %add3A_202 : vector<16xi32>
        %gather3A_204 = tpu.vector_load_idx %arg11[%add3A_203] : memref<816xf32, #tpu.memory_space<vmem>>[vector<16xi32>], vector<16xf32>,
        %add3A_205 = arith.addf %gather3A, %gather3A_204 : vector<16xf32>
        %add3A_206 = arith.constant 2 : i32
        %add3A_207 = vector.broadcast %add3A_206 : i32 to vector<16xi32>
        %add3A_208 = arith.addi %mul3A_9, %add3A_207 : vector<16xi32>
        %gather3A_209 = tpu.vector_load_idx %arg11[%add3A_208] : memref<816xf32, #tpu.memory_space<vmem>>[vector<16xi32>], vector<16xf32>,
        %add3A_210 = arith.addf %add3A_205, %gather3A_209 : vector<16xf32>
        %add3A_211 = arith.constant 3 : i32
        %add3A_212 = vector.broadcast %add3A_211 : i32 to vector<16xi32>
        %add3A_213 = arith.addi %mul3A_9, %add3A_212 : vector<16xi32>
        %gather3A_214 = tpu.vector_load_idx %arg11[%add3A_213] : memref<816xf32, #tpu.memory_space<vmem>>[vector<16xi32>], vector<16xf32>,
        %add3A_215 = arith.addf %add3A_210, %gather3A_214 : vector<16xf32>
        %add3A_216 = arith.constant 4 : i32
        %add3A_217 = vector.broadcast %add3A_216 : i32 to vector<16xi32>
        %add3A_218 = arith.addi %mul3A_9, %add3A_217 : vector<16xi32>
        %gather3A_219 = tpu.vector_load_idx %arg11[%add3A_218] : memref<816xf32, #tpu.memory_space<vmem>>[vector<16xi32>], vector<16xf32>,
        %add3A_220 = arith.addf %add3A_215, %gather3A_219 : vector<16xf32>
        %add3A_221 = arith.constant 5 : i32
        %add3A_222 = vector.broadcast %add3A_221 : i32 to vector<16xi32>
        %add3A_223 = arith.addi %mul3A_9, %add3A_222 : vector<16xi32>
        %gather3A_224 = tpu.vector_load_idx %arg11[%add3A_223] : memref<816xf32, #tpu.memory_space<vmem>>[vector<16xi32>], vector<16xf32>,
        %add3A_225 = arith.addf %add3A_220, %gather3A_224 : vector<16xf32>
        %add3A_226 = arith.constant 6 : i32
        %add3A_227 = vector.broadcast %add3A_226 : i32 to vector<16xi32>
        %add3A_228 = arith.addi %mul3A_9, %add3A_227 : vector<16xi32>
        %gather3A_229 = tpu.vector_load_idx %arg11[%add3A_228] : memref<816xf32, #tpu.memory_space<vmem>>[vector<16xi32>], vector<16xf32>,
        %add3A_230 = arith.addf %add3A_225, %gather3A_229 : vector<16xf32>
        %add3A_231 = arith.constant 7 : i32
        %add3A_232 = vector.broadcast %add3A_231 : i32 to vector<16xi32>
        %add3A_233 = arith.addi %mul3A_9, %add3A_232 : vector<16xi32>
        %gather3A_234 = tpu.vector_load_idx %arg11[%add3A_233] : memref<816xf32, #tpu.memory_space<vmem>>[vector<16xi32>], vector<16xf32>,
        %add3A_235 = arith.addf %add3A_230, %gather3A_234 : vector<16xf32>
        %add3A_236 = arith.constant 8 : i32
        %add3A_237 = vector.broadcast %add3A_236 : i32 to vector<16xi32>
        %add3A_238 = arith.addi %mul3A_9, %add3A_237 : vector<16xi32>
        %gather3A_239 = tpu.vector_load_idx %arg11[%add3A_238] : memref<816xf32, #tpu.memory_space<vmem>>[vector<16xi32>], vector<16xf32>,
        %add3A_240 = arith.addf %add3A_235, %gather3A_239 : vector<16xf32>
        %add3A_241 = arith.constant 9 : i32
        %add3A_242 = vector.broadcast %add3A_241 : i32 to vector<16xi32>
        %add3A_243 = arith.addi %mul3A_9, %add3A_242 : vector<16xi32>
        %gather3A_244 = tpu.vector_load_idx %arg11[%add3A_243] : memref<816xf32, #tpu.memory_space<vmem>>[vector<16xi32>], vector<16xf32>,
        %add3A_245 = arith.addf %add3A_240, %gather3A_244 : vector<16xf32>
        %add3A_246 = arith.constant 10 : i32
        %add3A_247 = vector.broadcast %add3A_246 : i32 to vector<16xi32>
        %add3A_248 = arith.addi %mul3A_9, %add3A_247 : vector<16xi32>
        %gather3A_249 = tpu.vector_load_idx %arg11[%add3A_248] : memref<816xf32, #tpu.memory_space<vmem>>[vector<16xi32>], vector<16xf32>,
        %add3A_250 = arith.addf %add3A_245, %gather3A_249 : vector<16xf32>
        %add3A_251 = arith.constant 11 : i32
        %add3A_252 = vector.broadcast %add3A_251 : i32 to vector<16xi32>
        %add3A_253 = arith.addi %mul3A_9, %add3A_252 : vector<16xi32>
        %gather3A_254 = tpu.vector_load_idx %arg11[%add3A_253] : memref<816xf32, #tpu.memory_space<vmem>>[vector<16xi32>], vector<16xf32>,
        %add3A_255 = arith.addf %add3A_250, %gather3A_254 : vector<16xf32>
        %add3A_256 = arith.constant 12 : i32
        %add3A_257 = vector.broadcast %add3A_256 : i32 to vector<16xi32>
        %add3A_258 = arith.addi %mul3A_9, %add3A_257 : vector<16xi32>
        %gather3A_259 = tpu.vector_load_idx %arg11[%add3A_258] : memref<816xf32, #tpu.memory_space<vmem>>[vector<16xi32>], vector<16xf32>,
        %add3A_260 = arith.addf %add3A_255, %gather3A_259 : vector<16xf32>
        %add3A_261 = arith.constant 13 : i32
        %add3A_262 = vector.broadcast %add3A_261 : i32 to vector<16xi32>
        %add3A_263 = arith.addi %mul3A_9, %add3A_262 : vector<16xi32>
        %gather3A_264 = tpu.vector_load_idx %arg11[%add3A_263] : memref<816xf32, #tpu.memory_space<vmem>>[vector<16xi32>], vector<16xf32>,
        %add3A_265 = arith.addf %add3A_260, %gather3A_264 : vector<16xf32>
        %add3A_266 = arith.constant 14 : i32
        %add3A_267 = vector.broadcast %add3A_266 : i32 to vector<16xi32>
        %add3A_268 = arith.addi %mul3A_9, %add3A_267 : vector<16xi32>
        %gather3A_269 = tpu.vector_load_idx %arg11[%add3A_268] : memref<816xf32, #tpu.memory_space<vmem>>[vector<16xi32>], vector<16xf32>,
        %add3A_270 = arith.addf %add3A_265, %gather3A_269 : vector<16xf32>
        %add3A_271 = arith.constant 15 : i32
        %add3A_272 = vector.broadcast %add3A_271 : i32 to vector<16xi32>
        %add3A_273 = arith.addi %mul3A_9, %add3A_272 : vector<16xi32>
        %gather3A_274 = tpu.vector_load_idx %arg11[%add3A_273] : memref<816xf32, #tpu.memory_space<vmem>>[vector<16xi32>], vector<16xf32>,
        %add3A_275 = arith.addf %add3A_270, %gather3A_274 : vector<16xf32>
        %add3A_276 = arith.constant 0 : i32
        %add3A_277 = arith.addi %add3A_276, %add3A_197 : i32
        %swap3A_278 = arith.index_cast %add3A_277 : i32 to index
        %swap3A_279 = tpu.vector_load %arg10[%swap3A_278] {strides = array<i32>} : memref<3072xf32, #tpu.memory_space<vmem>>, vector<16xf32>,
        tpu.vector_store %arg10[%swap3A_278], %add3A_275 {strides = array<i32>} : memref<3072xf32, #tpu.memory_space<vmem>>, vector<16xf32>,
        %add3A_280 = arith.constant 272 : i32
        %add3A_281 = vector.broadcast %add3A_280 : i32 to vector<16xi32>
        %add3A_282 = arith.addi %mul3A_9, %add3A_281 : vector<16xi32>
        %gather3A_283 = tpu.vector_load_idx %arg11[%add3A_282] : memref<816xf32, #tpu.memory_space<vmem>>[vector<16xi32>], vector<16xf32>,
        %add3A_284 = arith.constant 273 : i32
        %add3A_285 = vector.broadcast %add3A_284 : i32 to vector<16xi32>
        %add3A_286 = arith.addi %mul3A_9, %add3A_285 : vector<16xi32>
        %gather3A_287 = tpu.vector_load_idx %arg11[%add3A_286] : memref<816xf32, #tpu.memory_space<vmem>>[vector<16xi32>], vector<16xf32>,
        %add3A_288 = arith.addf %gather3A_283, %gather3A_287 : vector<16xf32>
        %add3A_289 = arith.constant 274 : i32
        %add3A_290 = vector.broadcast %add3A_289 : i32 to vector<16xi32>
        %add3A_291 = arith.addi %mul3A_9, %add3A_290 : vector<16xi32>
        %gather3A_292 = tpu.vector_load_idx %arg11[%add3A_291] : memref<816xf32, #tpu.memory_space<vmem>>[vector<16xi32>], vector<16xf32>,
        %add3A_293 = arith.addf %add3A_288, %gather3A_292 : vector<16xf32>
        %add3A_294 = arith.constant 275 : i32
        %add3A_295 = vector.broadcast %add3A_294 : i32 to vector<16xi32>
        %add3A_296 = arith.addi %mul3A_9, %add3A_295 : vector<16xi32>
        %gather3A_297 = tpu.vector_load_idx %arg11[%add3A_296] : memref<816xf32, #tpu.memory_space<vmem>>[vector<16xi32>], vector<16xf32>,
        %add3A_298 = arith.addf %add3A_293, %gather3A_297 : vector<16xf32>
        %add3A_299 = arith.constant 276 : i32
        %add3A_300 = vector.broadcast %add3A_299 : i32 to vector<16xi32>
        %add3A_301 = arith.addi %mul3A_9, %add3A_300 : vector<16xi32>
        %gather3A_302 = tpu.vector_load_idx %arg11[%add3A_301] : memref<816xf32, #tpu.memory_space<vmem>>[vector<16xi32>], vector<16xf32>,
        %add3A_303 = arith.addf %add3A_298, %gather3A_302 : vector<16xf32>
        %add3A_304 = arith.constant 277 : i32
        %add3A_305 = vector.broadcast %add3A_304 : i32 to vector<16xi32>
        %add3A_306 = arith.addi %mul3A_9, %add3A_305 : vector<16xi32>
        %gather3A_307 = tpu.vector_load_idx %arg11[%add3A_306] : memref<816xf32, #tpu.memory_space<vmem>>[vector<16xi32>], vector<16xf32>,
        %add3A_308 = arith.addf %add3A_303, %gather3A_307 : vector<16xf32>
        %add3A_309 = arith.constant 278 : i32
        %add3A_310 = vector.broadcast %add3A_309 : i32 to vector<16xi32>
        %add3A_311 = arith.addi %mul3A_9, %add3A_310 : vector<16xi32>
        %gather3A_312 = tpu.vector_load_idx %arg11[%add3A_311] : memref<816xf32, #tpu.memory_space<vmem>>[vector<16xi32>], vector<16xf32>,
        %add3A_313 = arith.addf %add3A_308, %gather3A_312 : vector<16xf32>
        %add3A_314 = arith.constant 279 : i32
        %add3A_315 = vector.broadcast %add3A_314 : i32 to vector<16xi32>
        %add3A_316 = arith.addi %mul3A_9, %add3A_315 : vector<16xi32>
        %gather3A_317 = tpu.vector_load_idx %arg11[%add3A_316] : memref<816xf32, #tpu.memory_space<vmem>>[vector<16xi32>], vector<16xf32>,
        %add3A_318 = arith.addf %add3A_313, %gather3A_317 : vector<16xf32>
        %add3A_319 = arith.constant 280 : i32
        %add3A_320 = vector.broadcast %add3A_319 : i32 to vector<16xi32>
        %add3A_321 = arith.addi %mul3A_9, %add3A_320 : vector<16xi32>
        %gather3A_322 = tpu.vector_load_idx %arg11[%add3A_321] : memref<816xf32, #tpu.memory_space<vmem>>[vector<16xi32>], vector<16xf32>,
        %add3A_323 = arith.addf %add3A_318, %gather3A_322 : vector<16xf32>
        %add3A_324 = arith.constant 281 : i32
        %add3A_325 = vector.broadcast %add3A_324 : i32 to vector<16xi32>
        %add3A_326 = arith.addi %mul3A_9, %add3A_325 : vector<16xi32>
        %gather3A_327 = tpu.vector_load_idx %arg11[%add3A_326] : memref<816xf32, #tpu.memory_space<vmem>>[vector<16xi32>], vector<16xf32>,
        %add3A_328 = arith.addf %add3A_323, %gather3A_327 : vector<16xf32>
        %add3A_329 = arith.constant 282 : i32
        %add3A_330 = vector.broadcast %add3A_329 : i32 to vector<16xi32>
        %add3A_331 = arith.addi %mul3A_9, %add3A_330 : vector<16xi32>
        %gather3A_332 = tpu.vector_load_idx %arg11[%add3A_331] : memref<816xf32, #tpu.memory_space<vmem>>[vector<16xi32>], vector<16xf32>,
        %add3A_333 = arith.addf %add3A_328, %gather3A_332 : vector<16xf32>
        %add3A_334 = arith.constant 283 : i32
        %add3A_335 = vector.broadcast %add3A_334 : i32 to vector<16xi32>
        %add3A_336 = arith.addi %mul3A_9, %add3A_335 : vector<16xi32>
        %gather3A_337 = tpu.vector_load_idx %arg11[%add3A_336] : memref<816xf32, #tpu.memory_space<vmem>>[vector<16xi32>], vector<16xf32>,
        %add3A_338 = arith.addf %add3A_333, %gather3A_337 : vector<16xf32>
        %add3A_339 = arith.constant 284 : i32
        %add3A_340 = vector.broadcast %add3A_339 : i32 to vector<16xi32>
        %add3A_341 = arith.addi %mul3A_9, %add3A_340 : vector<16xi32>
        %gather3A_342 = tpu.vector_load_idx %arg11[%add3A_341] : memref<816xf32, #tpu.memory_space<vmem>>[vector<16xi32>], vector<16xf32>,
        %add3A_343 = arith.addf %add3A_338, %gather3A_342 : vector<16xf32>
        %add3A_344 = arith.constant 285 : i32
        %add3A_345 = vector.broadcast %add3A_344 : i32 to vector<16xi32>
        %add3A_346 = arith.addi %mul3A_9, %add3A_345 : vector<16xi32>
        %gather3A_347 = tpu.vector_load_idx %arg11[%add3A_346] : memref<816xf32, #tpu.memory_space<vmem>>[vector<16xi32>], vector<16xf32>,
        %add3A_348 = arith.addf %add3A_343, %gather3A_347 : vector<16xf32>
        %add3A_349 = arith.constant 286 : i32
        %add3A_350 = vector.broadcast %add3A_349 : i32 to vector<16xi32>
        %add3A_351 = arith.addi %mul3A_9, %add3A_350 : vector<16xi32>
        %gather3A_352 = tpu.vector_load_idx %arg11[%add3A_351] : memref<816xf32, #tpu.memory_space<vmem>>[vector<16xi32>], vector<16xf32>,
        %add3A_353 = arith.addf %add3A_348, %gather3A_352 : vector<16xf32>
        %add3A_354 = arith.constant 287 : i32
        %add3A_355 = vector.broadcast %add3A_354 : i32 to vector<16xi32>
        %add3A_356 = arith.addi %mul3A_9, %add3A_355 : vector<16xi32>
        %gather3A_357 = tpu.vector_load_idx %arg11[%add3A_356] : memref<816xf32, #tpu.memory_space<vmem>>[vector<16xi32>], vector<16xf32>,
        %add3A_358 = arith.addf %add3A_353, %gather3A_357 : vector<16xf32>
        %add3A_359 = arith.constant 1024 : i32
        %add3A_360 = arith.addi %add3A_359, %add3A_197 : i32
        %swap3A_361 = arith.index_cast %add3A_360 : i32 to index
        %swap3A_362 = tpu.vector_load %arg10[%swap3A_361] {strides = array<i32>} : memref<3072xf32, #tpu.memory_space<vmem>>, vector<16xf32>,
        tpu.vector_store %arg10[%swap3A_361], %add3A_358 {strides = array<i32>} : memref<3072xf32, #tpu.memory_space<vmem>>, vector<16xf32>,
        %add3A_363 = arith.constant 544 : i32
        %add3A_364 = vector.broadcast %add3A_363 : i32 to vector<16xi32>
        %add3A_365 = arith.addi %mul3A_9, %add3A_364 : vector<16xi32>
        %gather3A_366 = tpu.vector_load_idx %arg11[%add3A_365] : memref<816xf32, #tpu.memory_space<vmem>>[vector<16xi32>], vector<16xf32>,
        %add3A_367 = arith.constant 545 : i32
        %add3A_368 = vector.broadcast %add3A_367 : i32 to vector<16xi32>
        %add3A_369 = arith.addi %mul3A_9, %add3A_368 : vector<16xi32>
        %gather3A_370 = tpu.vector_load_idx %arg11[%add3A_369] : memref<816xf32, #tpu.memory_space<vmem>>[vector<16xi32>], vector<16xf32>,
        %add3A_371 = arith.addf %gather3A_366, %gather3A_370 : vector<16xf32>
        %add3A_372 = arith.constant 546 : i32
        %add3A_373 = vector.broadcast %add3A_372 : i32 to vector<16xi32>
        %add3A_374 = arith.addi %mul3A_9, %add3A_373 : vector<16xi32>
        %gather3A_375 = tpu.vector_load_idx %arg11[%add3A_374] : memref<816xf32, #tpu.memory_space<vmem>>[vector<16xi32>], vector<16xf32>,
        %add3A_376 = arith.addf %add3A_371, %gather3A_375 : vector<16xf32>
        %add3A_377 = arith.constant 547 : i32
        %add3A_378 = vector.broadcast %add3A_377 : i32 to vector<16xi32>
        %add3A_379 = arith.addi %mul3A_9, %add3A_378 : vector<16xi32>
        %gather3A_380 = tpu.vector_load_idx %arg11[%add3A_379] : memref<816xf32, #tpu.memory_space<vmem>>[vector<16xi32>], vector<16xf32>,
        %add3A_381 = arith.addf %add3A_376, %gather3A_380 : vector<16xf32>
        %add3A_382 = arith.constant 548 : i32
        %add3A_383 = vector.broadcast %add3A_382 : i32 to vector<16xi32>
        %add3A_384 = arith.addi %mul3A_9, %add3A_383 : vector<16xi32>
        %gather3A_385 = tpu.vector_load_idx %arg11[%add3A_384] : memref<816xf32, #tpu.memory_space<vmem>>[vector<16xi32>], vector<16xf32>,
        %add3A_386 = arith.addf %add3A_381, %gather3A_385 : vector<16xf32>
        %add3A_387 = arith.constant 549 : i32
        %add3A_388 = vector.broadcast %add3A_387 : i32 to vector<16xi32>
        %add3A_389 = arith.addi %mul3A_9, %add3A_388 : vector<16xi32>
        %gather3A_390 = tpu.vector_load_idx %arg11[%add3A_389] : memref<816xf32, #tpu.memory_space<vmem>>[vector<16xi32>], vector<16xf32>,
        %add3A_391 = arith.addf %add3A_386, %gather3A_390 : vector<16xf32>
        %add3A_392 = arith.constant 550 : i32
        %add3A_393 = vector.broadcast %add3A_392 : i32 to vector<16xi32>
        %add3A_394 = arith.addi %mul3A_9, %add3A_393 : vector<16xi32>
        %gather3A_395 = tpu.vector_load_idx %arg11[%add3A_394] : memref<816xf32, #tpu.memory_space<vmem>>[vector<16xi32>], vector<16xf32>,
        %add3A_396 = arith.addf %add3A_391, %gather3A_395 : vector<16xf32>
        %add3A_397 = arith.constant 551 : i32
        %add3A_398 = vector.broadcast %add3A_397 : i32 to vector<16xi32>
        %add3A_399 = arith.addi %mul3A_9, %add3A_398 : vector<16xi32>
        %gather3A_400 = tpu.vector_load_idx %arg11[%add3A_399] : memref<816xf32, #tpu.memory_space<vmem>>[vector<16xi32>], vector<16xf32>,
        %add3A_401 = arith.addf %add3A_396, %gather3A_400 : vector<16xf32>
        %add3A_402 = arith.constant 552 : i32
        %add3A_403 = vector.broadcast %add3A_402 : i32 to vector<16xi32>
        %add3A_404 = arith.addi %mul3A_9, %add3A_403 : vector<16xi32>
        %gather3A_405 = tpu.vector_load_idx %arg11[%add3A_404] : memref<816xf32, #tpu.memory_space<vmem>>[vector<16xi32>], vector<16xf32>,
        %add3A_406 = arith.addf %add3A_401, %gather3A_405 : vector<16xf32>
        %add3A_407 = arith.constant 553 : i32
        %add3A_408 = vector.broadcast %add3A_407 : i32 to vector<16xi32>
        %add3A_409 = arith.addi %mul3A_9, %add3A_408 : vector<16xi32>
        %gather3A_410 = tpu.vector_load_idx %arg11[%add3A_409] : memref<816xf32, #tpu.memory_space<vmem>>[vector<16xi32>], vector<16xf32>,
        %add3A_411 = arith.addf %add3A_406, %gather3A_410 : vector<16xf32>
        %add3A_412 = arith.constant 554 : i32
        %add3A_413 = vector.broadcast %add3A_412 : i32 to vector<16xi32>
        %add3A_414 = arith.addi %mul3A_9, %add3A_413 : vector<16xi32>
        %gather3A_415 = tpu.vector_load_idx %arg11[%add3A_414] : memref<816xf32, #tpu.memory_space<vmem>>[vector<16xi32>], vector<16xf32>,
        %add3A_416 = arith.addf %add3A_411, %gather3A_415 : vector<16xf32>
        %add3A_417 = arith.constant 555 : i32
        %add3A_418 = vector.broadcast %add3A_417 : i32 to vector<16xi32>
        %add3A_419 = arith.addi %mul3A_9, %add3A_418 : vector<16xi32>
        %gather3A_420 = tpu.vector_load_idx %arg11[%add3A_419] : memref<816xf32, #tpu.memory_space<vmem>>[vector<16xi32>], vector<16xf32>,
        %add3A_421 = arith.addf %add3A_416, %gather3A_420 : vector<16xf32>
        %add3A_422 = arith.constant 556 : i32
        %add3A_423 = vector.broadcast %add3A_422 : i32 to vector<16xi32>
        %add3A_424 = arith.addi %mul3A_9, %add3A_423 : vector<16xi32>
        %gather3A_425 = tpu.vector_load_idx %arg11[%add3A_424] : memref<816xf32, #tpu.memory_space<vmem>>[vector<16xi32>], vector<16xf32>,
        %add3A_426 = arith.addf %add3A_421, %gather3A_425 : vector<16xf32>
        %add3A_427 = arith.constant 557 : i32
        %add3A_428 = vector.broadcast %add3A_427 : i32 to vector<16xi32>
        %add3A_429 = arith.addi %mul3A_9, %add3A_428 : vector<16xi32>
        %gather3A_430 = tpu.vector_load_idx %arg11[%add3A_429] : memref<816xf32, #tpu.memory_space<vmem>>[vector<16xi32>], vector<16xf32>,
        %add3A_431 = arith.addf %add3A_426, %gather3A_430 : vector<16xf32>
        %add3A_432 = arith.constant 558 : i32
        %add3A_433 = vector.broadcast %add3A_432 : i32 to vector<16xi32>
        %add3A_434 = arith.addi %mul3A_9, %add3A_433 : vector<16xi32>
        %gather3A_435 = tpu.vector_load_idx %arg11[%add3A_434] : memref<816xf32, #tpu.memory_space<vmem>>[vector<16xi32>], vector<16xf32>,
        %add3A_436 = arith.addf %add3A_431, %gather3A_435 : vector<16xf32>
        %add3A_437 = arith.constant 559 : i32
        %add3A_438 = vector.broadcast %add3A_437 : i32 to vector<16xi32>
        %add3A_439 = arith.addi %mul3A_9, %add3A_438 : vector<16xi32>
        %gather3A_440 = tpu.vector_load_idx %arg11[%add3A_439] : memref<816xf32, #tpu.memory_space<vmem>>[vector<16xi32>], vector<16xf32>,
        %add3A_441 = arith.addf %add3A_436, %gather3A_440 : vector<16xf32>
        %add3A_442 = arith.constant 2048 : i32
        %add3A_443 = arith.addi %add3A_442, %add3A_197 : i32
        %swap3A_444 = arith.index_cast %add3A_443 : i32 to index
        %swap3A_445 = tpu.vector_load %arg10[%swap3A_444] {strides = array<i32>} : memref<3072xf32, #tpu.memory_space<vmem>>, vector<16xf32>,
        tpu.vector_store %arg10[%swap3A_444], %add3A_441 {strides = array<i32>} : memref<3072xf32, #tpu.memory_space<vmem>>, vector<16xf32>,
        %scan3A_446 = arith.constant 0 : i32
        scf.yield %scan3A_446 : i32
      }
      %scan3A_71 = arith.constant 2 : i32
      %scan3A_72 = arith.constant 0 : i32
      scf.yield %scan3A_72 : i32
    }
    %scan3A_15 = arith.constant 16 : i32
    %add3A_16 = arith.constant 0 : i32
    %add3A_17 = arith.addi %add3A_16, %multiple_of3A : i32
    %multiple_of3A_18 = tpu.assume_multiple %add3A_17, 8 : i32
    "tpu.region"() ({
      %run_scoped3A = tpu.sem_alloc : memref<!tpu.dma_semaphore, #tpu.memory_space<semaphore_mem>>
      %dma_start3A_25 = arith.constant 0 : i32
      %dma_start3A_26 = tpu.memref_slice %arg10[%dma_start3A_25] : memref<3072xf32, #tpu.memory_space<vmem>> -> memref<1024xf32, #tpu.memory_space<vmem>>
      %dma_start3A_27 = tpu.memref_slice %arg5[%multiple_of3A_18] : memref<98304xf32, #tpu.memory_space<hbm>> -> memref<1024xf32, #tpu.memory_space<hbm>>
      %dma_start3A_28 = tpu.memref_slice %arg5[%multiple_of3A_18] : memref<98304xf32, #tpu.memory_space<hbm>> -> memref<1024xf32, #tpu.memory_space<hbm>>
      %dma_start3A_29 = arith.constant 0 : i32
      %dma_start3A_30 = tpu.memref_slice %arg10[%dma_start3A_29] : memref<3072xf32, #tpu.memory_space<vmem>> -> memref<1024xf32, #tpu.memory_space<vmem>>
      tpu.enqueue_dma source(%dma_start3A_30 : memref<1024xf32, #tpu.memory_space<vmem>>) target(%dma_start3A_28 : memref<1024xf32, #tpu.memory_space<hbm>>) target_semaphore(%run_scoped3A : memref<!tpu.dma_semaphore, #tpu.memory_space<semaphore_mem>>)
      %dma_wait3A = arith.constant 0 : i32
      %dma_wait3A_31 = tpu.memref_slice %arg10[%dma_wait3A] : memref<3072xf32, #tpu.memory_space<vmem>> -> memref<1024xf32, #tpu.memory_space<vmem>>
      %dma_wait3A_32 = tpu.memref_slice %arg5[%multiple_of3A_18] : memref<98304xf32, #tpu.memory_space<hbm>> -> memref<1024xf32, #tpu.memory_space<hbm>>
      %dma_wait3A_33 = tpu.memref_slice %arg5[%multiple_of3A_18] : memref<98304xf32, #tpu.memory_space<hbm>> -> memref<1024xf32, #tpu.memory_space<hbm>>
      %dma_wait3A_34 = arith.constant 0 : i32
      %dma_wait3A_35 = tpu.memref_slice %arg10[%dma_wait3A_34] : memref<3072xf32, #tpu.memory_space<vmem>> -> memref<1024xf32, #tpu.memory_space<vmem>>
      tpu.wait_dma2 semaphore(%run_scoped3A : memref<!tpu.dma_semaphore, #tpu.memory_space<semaphore_mem>>) src(%dma_wait3A_35 : memref<1024xf32, #tpu.memory_space<vmem>>) dst(%dma_wait3A_33 : memref<1024xf32, #tpu.memory_space<hbm>>)
      tpu.yield
    }) : () -> ()
    %add3A_19 = arith.constant 32768 : i32
    %add3A_20 = arith.addi %add3A_19, %multiple_of3A : i32
    %multiple_of3A_21 = tpu.assume_multiple %add3A_20, 8 : i32
    "tpu.region"() ({
      %run_scoped3A = tpu.sem_alloc : memref<!tpu.dma_semaphore, #tpu.memory_space<semaphore_mem>>
      %dma_start3A_25 = arith.constant 1024 : i32
      %dma_start3A_26 = tpu.memref_slice %arg10[%dma_start3A_25] : memref<3072xf32, #tpu.memory_space<vmem>> -> memref<1024xf32, #tpu.memory_space<vmem>>
      %dma_start3A_27 = tpu.memref_slice %arg5[%multiple_of3A_21] : memref<98304xf32, #tpu.memory_space<hbm>> -> memref<1024xf32, #tpu.memory_space<hbm>>
      %dma_start3A_28 = tpu.memref_slice %arg5[%multiple_of3A_21] : memref<98304xf32, #tpu.memory_space<hbm>> -> memref<1024xf32, #tpu.memory_space<hbm>>
      %dma_start3A_29 = arith.constant 1024 : i32
      %dma_start3A_30 = tpu.memref_slice %arg10[%dma_start3A_29] : memref<3072xf32, #tpu.memory_space<vmem>> -> memref<1024xf32, #tpu.memory_space<vmem>>
      tpu.enqueue_dma source(%dma_start3A_30 : memref<1024xf32, #tpu.memory_space<vmem>>) target(%dma_start3A_28 : memref<1024xf32, #tpu.memory_space<hbm>>) target_semaphore(%run_scoped3A : memref<!tpu.dma_semaphore, #tpu.memory_space<semaphore_mem>>)
      %dma_wait3A = arith.constant 1024 : i32
      %dma_wait3A_31 = tpu.memref_slice %arg10[%dma_wait3A] : memref<3072xf32, #tpu.memory_space<vmem>> -> memref<1024xf32, #tpu.memory_space<vmem>>
      %dma_wait3A_32 = tpu.memref_slice %arg5[%multiple_of3A_21] : memref<98304xf32, #tpu.memory_space<hbm>> -> memref<1024xf32, #tpu.memory_space<hbm>>
      %dma_wait3A_33 = tpu.memref_slice %arg5[%multiple_of3A_21] : memref<98304xf32, #tpu.memory_space<hbm>> -> memref<1024xf32, #tpu.memory_space<hbm>>
      %dma_wait3A_34 = arith.constant 1024 : i32
      %dma_wait3A_35 = tpu.memref_slice %arg10[%dma_wait3A_34] : memref<3072xf32, #tpu.memory_space<vmem>> -> memref<1024xf32, #tpu.memory_space<vmem>>
      tpu.wait_dma2 semaphore(%run_scoped3A : memref<!tpu.dma_semaphore, #tpu.memory_space<semaphore_mem>>) src(%dma_wait3A_35 : memref<1024xf32, #tpu.memory_space<vmem>>) dst(%dma_wait3A_33 : memref<1024xf32, #tpu.memory_space<hbm>>)
      tpu.yield
    }) : () -> ()
    %add3A_22 = arith.constant 65536 : i32
    %add3A_23 = arith.addi %add3A_22, %multiple_of3A : i32
    %multiple_of3A_24 = tpu.assume_multiple %add3A_23, 8 : i32
    "tpu.region"() ({
      %run_scoped3A = tpu.sem_alloc : memref<!tpu.dma_semaphore, #tpu.memory_space<semaphore_mem>>
      %dma_start3A_25 = arith.constant 2048 : i32
      %dma_start3A_26 = tpu.memref_slice %arg10[%dma_start3A_25] : memref<3072xf32, #tpu.memory_space<vmem>> -> memref<1024xf32, #tpu.memory_space<vmem>>
      %dma_start3A_27 = tpu.memref_slice %arg5[%multiple_of3A_24] : memref<98304xf32, #tpu.memory_space<hbm>> -> memref<1024xf32, #tpu.memory_space<hbm>>
      %dma_start3A_28 = tpu.memref_slice %arg5[%multiple_of3A_24] : memref<98304xf32, #tpu.memory_space<hbm>> -> memref<1024xf32, #tpu.memory_space<hbm>>
      %dma_start3A_29 = arith.constant 2048 : i32
      %dma_start3A_30 = tpu.memref_slice %arg10[%dma_start3A_29] : memref<3072xf32, #tpu.memory_space<vmem>> -> memref<1024xf32, #tpu.memory_space<vmem>>
      tpu.enqueue_dma source(%dma_start3A_30 : memref<1024xf32, #tpu.memory_space<vmem>>) target(%dma_start3A_28 : memref<1024xf32, #tpu.memory_space<hbm>>) target_semaphore(%run_scoped3A : memref<!tpu.dma_semaphore, #tpu.memory_space<semaphore_mem>>)
      %dma_wait3A = arith.constant 2048 : i32
      %dma_wait3A_31 = tpu.memref_slice %arg10[%dma_wait3A] : memref<3072xf32, #tpu.memory_space<vmem>> -> memref<1024xf32, #tpu.memory_space<vmem>>
      %dma_wait3A_32 = tpu.memref_slice %arg5[%multiple_of3A_24] : memref<98304xf32, #tpu.memory_space<hbm>> -> memref<1024xf32, #tpu.memory_space<hbm>>
      %dma_wait3A_33 = tpu.memref_slice %arg5[%multiple_of3A_24] : memref<98304xf32, #tpu.memory_space<hbm>> -> memref<1024xf32, #tpu.memory_space<hbm>>
      %dma_wait3A_34 = arith.constant 2048 : i32
      %dma_wait3A_35 = tpu.memref_slice %arg10[%dma_wait3A_34] : memref<3072xf32, #tpu.memory_space<vmem>> -> memref<1024xf32, #tpu.memory_space<vmem>>
      tpu.wait_dma2 semaphore(%run_scoped3A : memref<!tpu.dma_semaphore, #tpu.memory_space<semaphore_mem>>) src(%dma_wait3A_35 : memref<1024xf32, #tpu.memory_space<vmem>>) dst(%dma_wait3A_33 : memref<1024xf32, #tpu.memory_space<hbm>>)
      tpu.yield
    }) : () -> ()
    return
  }
}

module attributes {stable_mosaic.version = 14 : i64} {
  func.func @body(%arg0: memref<3x16x2048xf32, #tpu.memory_space<vmem>>, %arg1: memref<1x2xf32, #tpu.memory_space<vmem>>, %arg2: memref<16x2xf32, #tpu.memory_space<vmem>>) attributes {dimension_semantics = [], scalar_prefetch = 0 : i64, scratch_operands = 0 : i64, tpu.core_type = #tpu.core_type<tc>} {
    %get3A = arith.constant 0 : index
    %get3A_0 = arith.constant 0 : index
    %get3A_1 = arith.constant 0 : index
    %get3A_2 = vector.load %arg0[%get3A, %get3A_0, %get3A_1] : memref<3x16x2048xf32, #tpu.memory_space<vmem>>, vector<1x16x2048xf32>
    %get3A_3 = vector.shape_cast %get3A_2 : vector<1x16x2048xf32> to vector<16x2048xf32>
    %get3A_4 = arith.constant 1 : index
    %get3A_5 = arith.constant 0 : index
    %get3A_6 = arith.constant 0 : index
    %get3A_7 = vector.load %arg0[%get3A_4, %get3A_5, %get3A_6] : memref<3x16x2048xf32, #tpu.memory_space<vmem>>, vector<1x16x2048xf32>
    %get3A_8 = vector.shape_cast %get3A_7 : vector<1x16x2048xf32> to vector<16x2048xf32>
    %get3A_9 = arith.constant 2 : index
    %get3A_10 = arith.constant 0 : index
    %get3A_11 = arith.constant 0 : index
    %get3A_12 = vector.load %arg0[%get3A_9, %get3A_10, %get3A_11] : memref<3x16x2048xf32, #tpu.memory_space<vmem>>, vector<1x16x2048xf32>
    %get3A_13 = vector.shape_cast %get3A_12 : vector<1x16x2048xf32> to vector<16x2048xf32>
    %reduce_max3A = arith.constant dense<0xFF800000> : vector<16xf32>
    %reduce_max3A_14 = vector.multi_reduction <maximumf>, %get3A_3, %reduce_max3A [1] : vector<16x2048xf32> to vector<16xf32>
    %broadcast_in_dim3A = vector.shape_cast %reduce_max3A_14 : vector<16xf32> to vector<16x1xf32>
    %sub3A = vector.broadcast %broadcast_in_dim3A : vector<16x1xf32> to vector<16x2048xf32>
    %sub3A_15 = arith.subf %get3A_3, %sub3A : vector<16x2048xf32>
    %exp3A = math.exp %sub3A_15 : vector<16x2048xf32>
    %reduce_sum3A = arith.constant dense<0.000000e+00> : vector<16xf32>
    %reduce_sum3A_16 = vector.multi_reduction <add>, %exp3A, %reduce_sum3A [1] : vector<16x2048xf32> to vector<16xf32>
    %broadcast_in_dim3A_17 = vector.shape_cast %reduce_sum3A_16 : vector<16xf32> to vector<16x1xf32>
    %mul3A = arith.mulf %exp3A, %get3A_8 : vector<16x2048xf32>
    %reduce_sum3A_18 = arith.constant dense<0.000000e+00> : vector<16xf32>
    %reduce_sum3A_19 = vector.multi_reduction <add>, %mul3A, %reduce_sum3A_18 [1] : vector<16x2048xf32> to vector<16xf32>
    %broadcast_in_dim3A_20 = vector.shape_cast %reduce_sum3A_19 : vector<16xf32> to vector<16x1xf32>
    %mul3A_21 = arith.mulf %exp3A, %get3A_13 : vector<16x2048xf32>
    %reduce_sum3A_22 = arith.constant dense<0.000000e+00> : vector<16xf32>
    %reduce_sum3A_23 = vector.multi_reduction <add>, %mul3A_21, %reduce_sum3A_22 [1] : vector<16x2048xf32> to vector<16xf32>
    %broadcast_in_dim3A_24 = vector.shape_cast %reduce_sum3A_23 : vector<16xf32> to vector<16x1xf32>
    %concatenate3A = tpu.concatenate %broadcast_in_dim3A_20, %broadcast_in_dim3A_24 in 1 : vector<16x1xf32>, vector<16x1xf32> -> vector<16x2xf32>
    %div3A = vector.broadcast %broadcast_in_dim3A_17 : vector<16x1xf32> to vector<16x2xf32>
    %div3A_25 = arith.divf %concatenate3A, %div3A : vector<16x2xf32>
    %get3A_26 = arith.constant 0 : index
    %get3A_27 = arith.constant 0 : index
    %get3A_28 = vector.load %arg1[%get3A_26, %get3A_27] : memref<1x2xf32, #tpu.memory_space<vmem>>, vector<1x2xf32>
    %add3A = vector.broadcast %get3A_28 : vector<1x2xf32> to vector<16x2xf32>
    %add3A_29 = arith.addf %div3A_25, %add3A : vector<16x2xf32>
    %swap3A = arith.constant 0 : index
    %swap3A_30 = arith.constant 0 : index
    %swap3A_31 = vector.load %arg2[%swap3A, %swap3A_30] : memref<16x2xf32, #tpu.memory_space<vmem>>, vector<16x2xf32>
    tpu.vector_store %arg2[%swap3A, %swap3A_30], %add3A_29 {strides = array<i32>} : memref<16x2xf32, #tpu.memory_space<vmem>>, vector<16x2xf32>,
    return
  }
}

</mosaic_0001>

<sc_bundles>
// kernel: kernel.4.cloned.1.call-start
scs
__scs_entry_jumppad:
0x0: {  	(pc) =	sbr.rel $0x88, $3  }
0x1: {  	(tag) =	ssettag $0x0;
	lr =	simm.s32 $0x1  }
0x2: {  	[smem:$0x3F9C] =	sst lr;
	_ =	strace $0xD0000000  }
0x3: {  	_ = 	snop  }
0x4: {  	_ = 	snop  }
0x5: {  	_ = 	snop  }
0x6: {  	_ = 	snop  }
0x7: {  	_ = 	snop  }
__scs_overlays_trampoline_lowered:
0x8: {  	[smem:$0x3FAB] =	sst s0  }
0x9: {  	[smem:$0x3FAC] =	sst s1  }
0xa: {  	[smem:$0x3FAD] =	sst s2  }
0xb: {  	[smem:$0x3FAE] =	sst s3  }
0xc: {  	[smem:$0x3FAF] =	sst s4  }
0xd: {  	[smem:$0x3FB0] =	sst s5  }
0xe: {  	[smem:$0x3FB1] =	sst s6  }
0xf: {  	[smem:$0x3FB2] =	sst s7  }
0x10: {  	[smem:$0x3FB3] =	sst s8  }
0x11: {  	[smem:$0x3FB4] =	sst s9;
	s0 =	simm.s32 @!p0 $0x0  }
0x12: {  	s1 =	sld [smem:$0x3F9A];
	s0 =	simm.s32 @p0 $0x1  }
0x13: {  	[smem:$0x3FB5] =	sst s0;
	s0 =	simm.s32 @!p1 $0x0  }
0x14: {  	s2 =	sld [smem:$0x3F99];
	s0 =	simm.s32 @p1 $0x1  }
0x15: {  	[smem:$0x3FB6] =	sst s0;
	s0 =	simm.s32 @!p2 $0x0  }
0x16: {  	s3 =	sld [smem:$0x3FDB];
	s0 =	simm.s32 @p2 $0x1  }
0x17: {  	s4 =	simm.s32 $0x1BF5;
	[smem:$0x3FB8] =	sst s0  }
0x18: {  	s0 =	sld [smem:$0x3F9B];
	_ =	swait.ge [sflag:s4], $0x0  }
0x19: {  	s7 =	sld [smem:$0x3F9C]  }
0x1a: {  	s8 =	sadd.s32 $0xFFFFE003, lr  }
0x1b: {  	s9 =	sadd.s32 $0xFFFFFEF7, lr;
	s5 =	simm.s32 $0xFFFFFFFF;
	p2 =	slt.u32 s8, $0xFFFFF086  }
0x1c: {  	p1 =	slt.u32 s9, $0xF7A;
	s5 =	simm.s32 @!p2 $0x0  }
0x1d: {  	s5 =	simm.s32 @p1 $0x1;
	p0 =	seq.s32 s7, s2  }
0x1e: {  	s7 =	smul.u32 @!p0 $0xF7A, s2;
	p2 =	seq.s32 @!p0 s5, $0x0  }
0x1f: {  	s9 =	smul.u32 $0xF7A, s1;
	s8 =	simm.s32 @!p0 $0x1BF5;
	p2 =	por !p2, p0  }
0x20: {  	[sflag:s8] =	ssyncset.s32 @!p0 $0xFFFFF086;
	s6 =	sadd.s32 @!p0 s3, s7;
	s7 =	simm.s32 @!p0 $0x108  }
0x21: {  	s3 =	sadd.s32 s3, s9;
	s6 =	sadd.s32 @!p0 $0x88, s6;
	s7 =	simm.s32 @p2 $0x1082  }
0x22: {  	[simem:s7], [sflag:s8] =	dma.local @!p0 [hbm:s6], $0xF7A  }
0x23: {  	s9 =	sor.u32 $0xD0000000, s2;
	s6 =	simm.s32 $0x108;
	_ =	swait.ge @!p0 [sflag:s8], $0x0  }
0x24: {  	s3 =	sadd.s32 $0x88, s3;
	s6 =	simm.s32 @!p1 $0x1082;
	[sflag:s4] =	ssyncset.s32 $0xFFFFF086  }
0x25: {  	[simem:s6], [sflag:s4] =	dma.local [hbm:s3], $0xF7A  }
0x26: {  	[smem:$0x3F9C] =	sst s1;
	(tag) =	ssettag s2;
	_ =	strace s9  }
0x27: {  	s1 =	sld [smem:$0x3FAC]  }
0x28: {  	s2 =	sld [smem:$0x3FAD]  }
0x29: {  	s4 =	sld [smem:$0x3FAF]  }
0x2a: {  	p0 =	seq.s32 s5, $0x0;
	s5 =	sld [smem:$0x3FB0]  }
0x2b: {  	s6 =	sld [smem:$0x3FB1]  }
0x2c: {  	s7 =	sld [smem:$0x3FB2]  }
0x2d: {  	s3 =	simm.s32 $0x108;
	s8 =	sld [smem:$0x3FB3]  }
0x2e: {  	s3 =	simm.s32 @!p0 $0x1082;
	s9 =	sld [smem:$0x3FB4]  }
0x2f: {  	lr =	sadd.s32 s0, s3;
	s0 =	sld [smem:$0x3FAB]  }
0x30: {  	s3 =	sld [smem:$0x3FAE]  }
0x31: {  	[smem:$0x3FB7] =	sst s10  }
0x32: {  	s10 =	sld [smem:$0x3FB5];
	_ =	sdelay $0x3  }
0x33: {  	p0 =	seq.s32 s10, $0x1;
	s10 =	sld [smem:$0x3FB7];
	_ =	sdelay $0x3  }
0x34: {  	[smem:$0x3FB7] =	sst s10  }
0x35: {  	s10 =	sld [smem:$0x3FB6];
	_ =	sdelay $0x3  }
0x36: {  	p1 =	seq.s32 s10, $0x1;
	s10 =	sld [smem:$0x3FB7];
	_ =	sdelay $0x3  }
0x37: {  	[smem:$0x3FB7] =	sst s10  }
0x38: {  	s10 =	sld [smem:$0x3FB8]  }
0x39: {  	_ = 	snop;
	(pc) =	sbr.ind lr, $3  }
0x3a: {  	_ = 	snop  }
0x3b: {  	_ = 	snop  }
0x3c: {  	p2 =	seq.s32 s10, $0x1;
	s10 =	sld [smem:$0x3FB7]  }
0x3d: {  	_ =	shalt  }
0x3e: {  	_ =	shalt  }
0x3f: {  	_ =	shalt  }
0x40: {  	_ =	shalt  }
0x41: {  	_ =	shalt  }
0x42: {  	_ =	shalt  }
0x43: {  	_ =	shalt  }
0x44: {  	_ =	shalt  }
0x45: {  	_ =	shalt  }
0x46: {  	_ =	shalt  }
0x47: {  	_ =	shalt  }
0x48: {  	_ =	shalt  }
0x49: {  	_ =	shalt  }
0x4a: {  	_ =	shalt  }
0x4b: {  	_ =	shalt  }
0x4c: {  	_ =	shalt  }
0x4d: {  	_ =	shalt  }
0x4e: {  	_ =	shalt  }
0x4f: {  	_ =	shalt  }
0x50: {  	_ =	shalt  }
0x51: {  	_ =	shalt  }
0x52: {  	_ =	shalt  }
0x53: {  	_ =	shalt  }
0x54: {  	_ =	shalt  }
0x55: {  	_ =	shalt  }
0x56: {  	_ =	shalt  }
0x57: {  	_ =	shalt  }
0x58: {  	_ =	shalt  }
0x59: {  	_ =	shalt  }
0x5a: {  	_ =	shalt  }
0x5b: {  	_ =	shalt  }
0x5c: {  	_ =	shalt  }
0x5d: {  	_ =	shalt  }
0x5e: {  	_ =	shalt  }
0x5f: {  	_ =	shalt  }
0x60: {  	_ =	shalt  }
0x61: {  	_ =	shalt  }
0x62: {  	_ =	shalt  }
0x63: {  	_ =	shalt  }
0x64: {  	_ =	shalt  }
0x65: {  	_ =	shalt  }
0x66: {  	_ =	shalt  }
0x67: {  	_ =	shalt  }
0x68: {  	_ =	shalt  }
0x69: {  	_ =	shalt  }
0x6a: {  	_ =	shalt  }
0x6b: {  	_ =	shalt  }
0x6c: {  	_ =	shalt  }
0x6d: {  	_ =	shalt  }
0x6e: {  	_ =	shalt  }
0x6f: {  	_ =	shalt  }
0x70: {  	_ =	shalt  }
0x71: {  	_ =	shalt  }
0x72: {  	_ =	shalt  }
0x73: {  	_ =	shalt  }
0x74: {  	_ =	shalt  }
0x75: {  	_ =	shalt  }
0x76: {  	_ =	shalt  }
0x77: {  	_ =	shalt  }
0x78: {  	_ =	shalt  }
0x79: {  	_ =	shalt  }
0x7a: {  	_ =	shalt  }
0x7b: {  	_ =	shalt  }
0x7c: {  	_ =	shalt  }
0x7d: {  	_ =	shalt  }
0x7e: {  	_ =	shalt  }
0x7f: {  	_ =	shalt  }
0x80: {  	_ =	shalt  }
0x81: {  	_ =	shalt  }
0x82: {  	_ =	shalt  }
0x83: {  	_ =	shalt  }
0x84: {  	_ =	shalt  }
0x85: {  	_ =	shalt  }
0x86: {  	_ =	shalt  }
0x87: {  	_ =	shalt  }
.Lfunc_end0:
.L_simem_size_0:
called_computation_lowered:
.L_overlay_start_0:
0x88: {  	s2 =	sld [smem:$0x3FD9]  }
0x89: {  	s3 =	sld [smem:$0x3FFE];
	_ =	sdelay $0x1  }
0x8a: {  	s1 =	srdreg.scid  }
0x8b: {  	s0 =	sand.u32 $0x1, s1  }
0x8c: {  	s17 =	sshll.u32 s0, $0xA;
	s2 =	sadd.s32 s3, s2  }
0x8d: {  	s2 =	sadd.s32 s2, s17  }
0x8e: {  	[smem:$0x3FC3] =	sst s2  }
0x8f: {  	_ = 	snop  }
0x90: {  	s2 =	sld [smem:$0x3FC8];
	(tm) =	ssettm $0x1  }
0x91: {  	s18 =	sld [smem:$0x3FFB];
	_ =	sdelay $0x3  }
0x92: {  	_ =	strace s18  }
0x93: {  	s3 =	sld [smem:$0x3FFC];
	_ =	sdelay $0x3  }
0x94: {  	_ =	strace s3  }
0x95: {  	s3 =	sld [smem:$0x3FFD];
	_ =	sdelay $0x3  }
0x96: {  	_ =	strace s3  }
0x97: {  	_ =	strace $0x8FFFFFFF  }
0x98: {  	s19 =	sld [smem:$0x3FDB];
	_ =	sdelay $0x1  }
0x99: {  	s4 =	simm.s32 $_scs_section_size  }
0x9a: {  	s5 =	simm.s32 $_size__tile_overlayer_lowered;
	s6 =	simm.s32 $_tile_overlayer_lowered  }
0x9b: {  	s22 =	simm.s32 $0x1BFF;
	s21 =	sshll.u32 s6, $0x1;
	s3 =	sadd.s32 s4, s19  }
0x9c: {  	s7 =	simm.s32 $0x0;
	s20 =	sshll.u32 s5, $0x1;
	s5 =	sadd.s32 s21, s3  }
0x9d: {  	[timem:s7], [sflag:s22] =	dma.local [hbm:s5], s20  }
0x9e: {  	_ =	swait.ge [sflag:s22], s20  }
0x9f: {  	s4 =	ssub.s32 $0x0, s20;
	[sflag:s22] =	ssyncset.done $0x0  }
0xa0: {  	[sflag:s22] =	ssyncadd.s32 s4;
	_ =	sdelay $0x1  }
0xa1: {  	s23 =	simm.s32 $0x1B8B  }
0xa2: {  	_ =	swait.ge [sflag:s23], $0x1  }
0xa3: {  	[sflag:s23] =	ssyncset.done $0x0  }
0xa4: {  	s25 =	simm.s32 $0x1B8E;
	s24 =	sld [smem:$0x3FFE];
	[sflag:s23] =	ssyncadd.s32 $0xFFFFFFFF  }
0xa5: {  	s26 =	simm.s32 $execute0_lowered;
	[smem:$0x3FD2] =	sst s25  }
0xa6: {  	s5 =	sshll.u32 s26, $0x1;
	_ =	strace $0x80000046;
	[dreg:$0x1] =	wrdreg $0xFFFFFFFF  }
0xa7: {  	s28 =	simm.s32 $_size_execute0_lowered;
	s3 =	sadd.s32 s3, s5;
	[dreg:$0x0] =	wrdreg $0x0  }
0xa8: {  	s5 =	sshll.u32 s28, $0x1;
	[dreg:$0x2] =	wrdreg s3  }
0xa9: {  	[dreg:$0x3] =	wrdreg s5  }
0xaa: {  	[dreg:$0x4] =	wrdreg $0xC0  }
0xab: {  	_ =	task [dreg:s7], $0x5FFFF  }
0xac: {  	[dreg:$0x1] =	wrdreg $0xFFFFFFFF  }
0xad: {  	[dreg:$0x0] =	wrdreg $0x60  }
0xae: {  	[dreg:$0x2] =	wrdreg s24  }
0xaf: {  	[dreg:$0x3] =	wrdreg s2  }
0xb0: {  	[dreg:$0x4] =	wrdreg $0x9  }
0xb1: {  	_ =	task.clear_ibuf [dreg:s7], $0x5FFFF;
	_ =	strace $0x90000046  }
0xb2: {  	s29 =	simm.s32 $0x9;
	_ =	strace $0x80000048  }
0xb3: {  	_ =	swait.ge [sflag:s29], $0x1  }
0xb4: {  	[sflag:s29] =	ssyncadd.s32 $0xFFFFFFFF  }
0xb5: {  	_ =	strace $0x90000048  }
0xb6: {  	_ =	sfence  }
0xb7: {  	s30 =	sld [smem:$0x0];
	_ =	sdelay $0x2  }
0xb8: {  	s31 =	sshll.u32 s1, $0xD;
	s1 =	sshrl.u32 s1, $0x2  }
0xb9: {  	s3 =	sand.u32 $0x4000, s31;
	s1 =	sadd.s32 s1, s30  }
0xba: {  	s0 =	sor.u32 s3, s0;
	s1 =	sshll.u32 s1, $0x11  }
0xbb: {  	s0 =	sor.u32 s1, s0  }
0xbc: {  	s0 =	sadd.s32 $0x8F2B, s0  }
0xbd: {  	[sflag:s0] =	ssyncadd.remote.s32 $0x1  }
0xbe: {  	_ =	sfence.sel $0xFFFF  }
0xbf: {  	[dreg:$0x0] =	wrdreg $0xFFFFFFFF;
	(pc) =	sbr.abs _section_cstart, $3  }
0xc0: {  	[dreg:$0x1] =	wrdreg $0xFFFFFFFF  }
0xc1: {  	_ =	task.clear_ibuf [dreg:s7], $0x2FFFF;
	_ =	strace $0x9FFFFFFF  }
0xc2: {  	(tm) =	ssettm $0x7FFFFFFF  }
0xc3: {  	_ =	shalt  }
tec
execute0_lowered:
.L_overlay_start_1:
0x0: {  	(tag) =	ssettag $0x1  }
0x1: {  	s0 =	rddreg [dreg:$0x0]  }
0x2: {  	s2 =	rddreg [dreg:$0x1]  }
0x3: {  	s1 =	srdreg.scid;
	s3 =	stileid.u32;
	s5 =	simm.s32 $0x0  }
0x4: {  	s20 =	simm.s32 $0xBC00;
	s28 =	simm.s32 $0xF400;
	s29 =	simm.s32 $0xFC00  }
0x5: {  	s30 =	simm.s32 $0x11C00;
	s31 =	simm.s32 $0x2;
	s1 =	sand.u32 $0x1, s1  }
0x6: {  	s3 =	sshll.u32 s3, $0x8;
	[smem:$0x7FF] =	sst s5;
	s6 =	sadd.s32 $0x100, s2  }
0x7: {  	s7 =	sadd.s32 $0x200, s2;
	s8 =	sadd.s32 $0x300, s2;
	s4 =	sshll.u32 s1, $0x7  }
0x8: {  	s1 =	ssub.s32 $0x2, s1;
	_ =	strace $0x80000047;
	s3 =	sor.u32 s4, s3  }
0x9: {  	s21 =	sshrl.u32 s1, $0x1;
	s3 =	sadd.s32 s3, s0;
	s0 =	sadd.s32 $0x600, s0  }
0xa: {  	s4 =	simm.s32 $0x3;
	[dreg:$0x7] =	wrdreg s0;
	s23 =	sadd.s32 $0x800, s3  }
0xb: {  	s22 =	ssub.s32 s1, s21;
	s24 =	sadd.s32 $0x1800, s3;
	[dreg:$0x8] =	wrdreg s23  }
0xc: {  	v1 =	vlaneseq.u32;
	s21 =	simm.s32 $0xC400;
	s25 =	sadd.s32 $0x2800, s3;
	[dreg:$0x9] =	wrdreg s24  }
0xd: {  	v0 =	vand.u32 $0x7, v1;
	v62 =	vshrl.u32 v1, $0x3;
	s26 =	sadd.s32 $0x3800, s3;
	s0 =	smax.u32 s22, $0x1;
	[dreg:$0xa] =	wrdreg s25  }
0xe: {  	v63 =	vor.u32 $0x8, v1;
	[tilespmem:$0x1FFD0] =	vst v0;
	v0 =	vmul.u32 $0x8, v62;
	s22 =	simm.s32 $0xCC00;
	s3 =	simm.s32 $0x0;
	[dreg:$0xb] =	wrdreg s26  }
0xf: {  	[tilespmem:$0x1FFF0] =	vst v63;
	[dreg:$0xc] =	wrdreg s0;
	s0 =	simm.s32 $0x1;
	s23 =	simm.s32 $0xD400  }
0x10: {  	vm0 =	vmmov $0xffff;
	[tilespmem:$0x1FFE0] =	vst v0;
	s24 =	simm.s32 $0xDC00;
	s25 =	simm.s32 $0xE400;
	s26 =	simm.s32 $0xEC00  }
.LBB2_1:
0x11: {  	[dreg:$0xd] =	wrdreg s3  }
0x12: {  	s1 =	rddreg [dreg:$0x7];
	s15 =	simm.s32 $0x10400  }
0x13: {  	[tilespmem:s15], [sflag:$0x3] =	stream.linear.gather [hbm4b:s1+s5], $0xC00, $0x38;
	[tilespmem:$0x11F80] =	vst v63  }
0x14: {  	_ =	swait.ge [sflag:s4], $0xC00  }
0x15: {  	[sflag:s4] =	ssyncset.done $0x0  }
0x16: {  	s16 =	rddreg [dreg:$0x8];
	[sflag:s4] =	ssyncadd.s32 $0xFFFFF400  }
0x17: {  	[tilespmem:s5], [sflag:$0x3] =	stream.linear.gather [hbm4b:s16+s5], $0x400, $0x38;
	[tilespmem:$0x11F80] =	vst v63  }
0x18: {  	_ =	swait.ge [sflag:s4], $0x400  }
0x19: {  	[sflag:s4] =	ssyncset.done $0x0  }
0x1a: {  	[sflag:s4] =	ssyncadd.s32 $0xFFFFFC00  }
0x1b: {  	v0 =	vld [tilespmem:$0x0];
	_ =	sdelay $0x2  }
0x1c: {  	v2 =	vld [tilespmem:$0x1FFD0];
	_ =	sdelay $0x1  }
0x1d: {  	v3 =	vld [tilespmem:$0x1FFE0];
	v1 =	vshll.u32 v0, $0x3  }
0x1e: {  	v0 =	vand.u32 $0x7, v0;
	v1 =	vand.u32 $0xFFFFFFC0, v1  }
0x1f: {  	v0 =	vor.u32 v0, v1  }
0x20: {  	v1 =	vperm.xlane v0, v2;
	_ =	sdelay $0x1  }
0x21: {  	v1 =	vadd.s32 v3, v1  }
0x22: {  	v4 =	vld [tilespmem:$0x1FFF0];
	_ =	sdelay $0x2  }
0x23: {  	s17 =	simm.s32 $0x400  }
0x24: {  	[tilespmem:s17], [sflag:$0x1] =	stream.indirect_vreg.gather [hbm4b:s2+s5], $0x80, v1, vm0, $0xb8;
	[tilespmem:$0x11F80] =	vst v63  }
0x25: {  	s18 =	simm.s32 $0xC00;
	v0 =	vperm.xlane v0, v4  }
0x26: {  	[tilespmem:s18], [sflag:$0x1] =	stream.indirect_vreg.gather [hbm4b:s6+s5], $0x80, v1, vm0, $0xb8;
	[tilespmem:$0x11F80] =	vst v63  }
0x27: {  	s19 =	simm.s32 $0x1400;
	v0 =	vadd.s32 v3, v0  }
0x28: {  	[tilespmem:s19], [sflag:$0x1] =	stream.indirect_vreg.gather [hbm4b:s7+s5], $0x80, v1, vm0, $0xb8;
	[tilespmem:$0x11F80] =	vst v63  }
0x29: {  	s3 =	simm.s32 $0x1C00  }
0x2a: {  	[tilespmem:s3], [sflag:$0x1] =	stream.indirect_vreg.gather [hbm4b:s8+s5], $0x80, v1, vm0, $0xb8;
	[tilespmem:$0x11F80] =	vst v63  }
0x2b: {  	s4 =	simm.s32 $0x2400  }
0x2c: {  	[tilespmem:s4], [sflag:$0x1] =	stream.indirect_vreg.gather [hbm4b:s2+s5], $0x80, v0, vm0, $0xb8;
	[tilespmem:$0x11F80] =	vst v63  }
0x2d: {  	s9 =	simm.s32 $0x2C00  }
0x2e: {  	[tilespmem:s9], [sflag:$0x1] =	stream.indirect_vreg.gather [hbm4b:s6+s5], $0x80, v0, vm0, $0xb8;
	[tilespmem:$0x11F80] =	vst v63  }
0x2f: {  	s10 =	simm.s32 $0x3400  }
0x30: {  	[tilespmem:s10], [sflag:$0x1] =	stream.indirect_vreg.gather [hbm4b:s7+s5], $0x80, v0, vm0, $0xb8;
	[tilespmem:$0x11F80] =	vst v63  }
0x31: {  	s11 =	simm.s32 $0x3C00  }
0x32: {  	[tilespmem:s11], [sflag:$0x1] =	stream.indirect_vreg.gather [hbm4b:s8+s5], $0x80, v0, vm0, $0xb8;
	[tilespmem:$0x11F80] =	vst v63  }
0x33: {  	v0 =	vld [tilespmem:$0x10];
	_ =	sdelay $0x4  }
0x34: {  	v63 =	vshll.u32 v0, $0x3  }
0x35: {  	v0 =	vand.u32 $0x7, v0;
	v1 =	vand.u32 $0xFFFFFFC0, v63  }
0x36: {  	v0 =	vor.u32 v0, v1  }
0x37: {  	v1 =	vperm.xlane v0, v2;
	_ =	sdelay $0x1  }
0x38: {  	v1 =	vadd.s32 v3, v1;
	_ =	sdelay $0x3  }
0x39: {  	s12 =	simm.s32 $0x4400  }
0x3a: {  	[tilespmem:s12], [sflag:$0x1] =	stream.indirect_vreg.gather [hbm4b:s2+s5], $0x80, v1, vm0, $0xb8;
	[tilespmem:$0x11F80] =	vst v63  }
0x3b: {  	s13 =	simm.s32 $0x4C00;
	v0 =	vperm.xlane v0, v4  }
0x3c: {  	[tilespmem:s13], [sflag:$0x1] =	stream.indirect_vreg.gather [hbm4b:s6+s5], $0x80, v1, vm0, $0xb8;
	[tilespmem:$0x11F80] =	vst v63  }
0x3d: {  	s14 =	simm.s32 $0x5400;
	v0 =	vadd.s32 v3, v0  }
0x3e: {  	[tilespmem:s14], [sflag:$0x1] =	stream.indirect_vreg.gather [hbm4b:s7+s5], $0x80, v1, vm0, $0xb8;
	[tilespmem:$0x11F80] =	vst v63  }
0x3f: {  	s15 =	simm.s32 $0x5C00  }
0x40: {  	[tilespmem:s15], [sflag:$0x1] =	stream.indirect_vreg.gather [hbm4b:s8+s5], $0x80, v1, vm0, $0xb8;
	[tilespmem:$0x11F80] =	vst v63  }
0x41: {  	s16 =	simm.s32 $0x6400  }
0x42: {  	[tilespmem:s16], [sflag:$0x1] =	stream.indirect_vreg.gather [hbm4b:s2+s5], $0x80, v0, vm0, $0xb8;
	[tilespmem:$0x11F80] =	vst v63  }
0x43: {  	s17 =	simm.s32 $0x6C00  }
0x44: {  	[tilespmem:s17], [sflag:$0x1] =	stream.indirect_vreg.gather [hbm4b:s6+s5], $0x80, v0, vm0, $0xb8;
	[tilespmem:$0x11F80] =	vst v63  }
0x45: {  	s18 =	simm.s32 $0x7400  }
0x46: {  	[tilespmem:s18], [sflag:$0x1] =	stream.indirect_vreg.gather [hbm4b:s7+s5], $0x80, v0, vm0, $0xb8;
	[tilespmem:$0x11F80] =	vst v63  }
0x47: {  	s19 =	simm.s32 $0x7C00  }
0x48: {  	[tilespmem:s19], [sflag:$0x1] =	stream.indirect_vreg.gather [hbm4b:s8+s5], $0x80, v0, vm0, $0xb8;
	[tilespmem:$0x11F80] =	vst v63  }
0x49: {  	s5 =	simm.s32 $0x0  }
.LBB2_2:
0x4a: {  	_ =	swait.ge [sflag:s0], $0x8000;
	s1 =	sshllo.u32 s5, $0x1  }
0x4b: {  	[sflag:s0] =	ssyncset.done $0x0;
	s9 =	sshll.u32 s1, $0x5  }
0x4c: {  	[sflag:s0] =	ssyncadd.s32 $0xFFFF8000;
	s1 =	sand.u32 $0x3FFFFFE0, s9  }
0x4d: {  	v0 =	vld [tilespmem:s1+$0x0];
	_ =	sdelay $0x2  }
0x4e: {  	v2 =	vld [tilespmem:$0x1FFD0];
	_ =	sdelay $0x1  }
0x4f: {  	v3 =	vld [tilespmem:$0x1FFE0];
	v1 =	vshll.u32 v0, $0x3  }
0x50: {  	v0 =	vand.u32 $0x7, v0;
	v1 =	vand.u32 $0xFFFFFFC0, v1  }
0x51: {  	v0 =	vor.u32 v0, v1  }
0x52: {  	v1 =	vperm.xlane v0, v2;
	_ =	sdelay $0x1  }
0x53: {  	v1 =	vadd.s32 v3, v1  }
0x54: {  	v4 =	vld [tilespmem:$0x1FFF0];
	_ =	sdelay $0x2  }
0x55: {  	s10 =	simm.s32 $0x0;
	s3 =	simm.s32 $0x8400  }
0x56: {  	[tilespmem:s3], [sflag:$0x2] =	stream.indirect_vreg.gather [hbm4b:s2+s10], $0x80, v1, vm0, $0xb8;
	[tilespmem:$0x11F80] =	vst v63  }
0x57: {  	s12 =	simm.s32 $0x8C00;
	v0 =	vperm.xlane v0, v4  }
0x58: {  	[tilespmem:s12], [sflag:$0x2] =	stream.indirect_vreg.gather [hbm4b:s6+s10], $0x80, v1, vm0, $0xb8;
	[tilespmem:$0x11F80] =	vst v63  }
0x59: {  	s13 =	simm.s32 $0x9400;
	v0 =	vadd.s32 v3, v0  }
0x5a: {  	[tilespmem:s13], [sflag:$0x2] =	stream.indirect_vreg.gather [hbm4b:s7+s10], $0x80, v1, vm0, $0xb8;
	[tilespmem:$0x11F80] =	vst v63  }
0x5b: {  	s14 =	simm.s32 $0x9C00  }
0x5c: {  	[tilespmem:s14], [sflag:$0x2] =	stream.indirect_vreg.gather [hbm4b:s8+s10], $0x80, v1, vm0, $0xb8;
	[tilespmem:$0x11F80] =	vst v63  }
0x5d: {  	s15 =	simm.s32 $0xA400  }
0x5e: {  	[tilespmem:s15], [sflag:$0x2] =	stream.indirect_vreg.gather [hbm4b:s2+s10], $0x80, v0, vm0, $0xb8;
	[tilespmem:$0x11F80] =	vst v63  }
0x5f: {  	s16 =	simm.s32 $0xAC00  }
0x60: {  	[tilespmem:s16], [sflag:$0x2] =	stream.indirect_vreg.gather [hbm4b:s6+s10], $0x80, v0, vm0, $0xb8;
	[tilespmem:$0x11F80] =	vst v63  }
0x61: {  	s17 =	simm.s32 $0xB400  }
0x62: {  	[tilespmem:s17], [sflag:$0x2] =	stream.indirect_vreg.gather [hbm4b:s7+s10], $0x80, v0, vm0, $0xb8;
	[tilespmem:$0x11F80] =	vst v63  }
0x63: {  	_ = 	snop  }
0x64: {  	[tilespmem:s20], [sflag:$0x2] =	stream.indirect_vreg.gather [hbm4b:s8+s10], $0x80, v0, vm0, $0xb8;
	[tilespmem:$0x11F80] =	vst v63  }
0x65: {  	v0 =	vld [tilespmem:s1+$0x10];
	_ =	sdelay $0x4  }
0x66: {  	v61 =	vshll.u32 v0, $0x3  }
0x67: {  	v0 =	vand.u32 $0x7, v0;
	v1 =	vand.u32 $0xFFFFFFC0, v61  }
0x68: {  	v0 =	vor.u32 v0, v1  }
0x69: {  	v1 =	vperm.xlane v0, v2;
	_ =	sdelay $0x1  }
0x6a: {  	v1 =	vadd.s32 v3, v1;
	_ =	sdelay $0x4  }
0x6b: {  	[tilespmem:s21], [sflag:$0x2] =	stream.indirect_vreg.gather [hbm4b:s2+s10], $0x80, v1, vm0, $0xb8;
	[tilespmem:$0x11F80] =	vst v63  }
0x6c: {  	v0 =	vperm.xlane v0, v4  }
0x6d: {  	[tilespmem:s22], [sflag:$0x2] =	stream.indirect_vreg.gather [hbm4b:s6+s10], $0x80, v1, vm0, $0xb8;
	[tilespmem:$0x11F80] =	vst v63  }
0x6e: {  	v0 =	vadd.s32 v3, v0  }
0x6f: {  	[tilespmem:s23], [sflag:$0x2] =	stream.indirect_vreg.gather [hbm4b:s7+s10], $0x80, v1, vm0, $0xb8;
	[tilespmem:$0x11F80] =	vst v63  }
0x70: {  	s11 =	sshll.u32 s5, $0x6  }
0x71: {  	[tilespmem:s24], [sflag:$0x2] =	stream.indirect_vreg.gather [hbm4b:s8+s10], $0x80, v1, vm0, $0xb8;
	[tilespmem:$0x11F80] =	vst v63  }
0x72: {  	s18 =	sand.u32 $0x380, s11  }
0x73: {  	[tilespmem:s25], [sflag:$0x2] =	stream.indirect_vreg.gather [hbm4b:s2+s10], $0x80, v0, vm0, $0xb8;
	[tilespmem:$0x11F80] =	vst v63  }
0x74: {  	s19 =	sor.u32 $0x11400, s18  }
0x75: {  	v62 =	vmov s19;
	[tilespmem:s26], [sflag:$0x2] =	stream.indirect_vreg.gather [hbm4b:s6+s10], $0x80, v0, vm0, $0xb8;
	[tilespmem:$0x11F80] =	vst v63  }
0x76: {  	[tilespmem:$0x1FFB0] =	vst v62;
	s1 =	sor.u32 $0x11800, s18  }
0x77: {  	v63 =	vmov s1;
	[tilespmem:s28], [sflag:$0x2] =	stream.indirect_vreg.gather [hbm4b:s7+s10], $0x80, v0, vm0, $0xb8;
	[tilespmem:$0x11F80] =	vst v63  }
0x78: {  	p1 =	por $0x1, $0x1;
	s12 =	simm.s32 $0x0;
	[tilespmem:$0x1FFC0] =	vst v63  }
0x79: {  	[tilespmem:s29], [sflag:$0x2] =	stream.indirect_vreg.gather [hbm4b:s8+s10], $0x80, v0, vm0, $0xb8;
	[tilespmem:$0x11F80] =	vst v63  }
.LBB2_3:
0x7a: {  	s1 =	sshll.u32 s12, $0xE;
	s3 =	simm.s32 $0x10400  }
0x7b: {  	s4 =	sand.u32 $0x3FFFC000, s1;
	v2 =	vld [tilespmem:s3+$0x410]  }
0x7c: {  	v5 =	vld [tilespmem:s3+$0x0];
	s1 =	sor.u32 $0x400, s4  }
0x7d: {  	s18 =	simm.s32 $0x0;
	s15 =	simm.s32 $0x10;
	v4 =	vld [tilespmem:s3+$0x810];
	[dreg:$0x3] =	wrdreg s1  }
0x7e: {  	s16 =	sand.u32 $0x1C00, s10;
	s14 =	sand.u32 $0x3E0, s18;
	v7 =	vld [tilespmem:s3+$0x10];
	s13 =	rddreg [dreg:$0x3]  }
0x7f: {  	s15 =	sand.u32 $0x70, s15;
	v11 =	vld [tilespmem:s14+$0x10800];
	s13 =	sadd.s32 s16, s13  }
0x80: {  	v21 =	vld [tilespmem:s14+$0x10C00];
	s19 =	sadd.s32 s15, s13  }
0x81: {  	v1 =	vld [tilespmem:s19+$0x180]  }
0x82: {  	v3 =	vld [tilespmem:s19+$0x0]  }
0x83: {  	v9 =	vld [tilespmem:s19+$0x200]  }
0x84: {  	v10 =	vld [tilespmem:s19+$0x380]  }
0x85: {  	s1 =	sand.u32 $0x60, s18;
	v22 =	vld [tilespmem:s19+$0x80]  }
0x86: {  	s1 =	sadd.s32 s1, s13;
	v6 =	vld [tilespmem:s19+$0x100]  }
0x87: {  	v15 =	vld [tilespmem:s1+$0x200];
	v12 =	vmul.f32 v1, v2  }
0x88: {  	v13 =	vld [tilespmem:s19+$0x280];
	v24 =	vmul.f32 v1, v4;
	v14 =	vmul.f32 v3, v2  }
0x89: {  	v23 =	vld [tilespmem:s1+$0x0];
	v0 =	vmul.f32 v3, v4;
	v53 =	vmul.f32 v1, v7  }
0x8a: {  	v29 =	vld [tilespmem:s1+$0x180];
	v25 =	vmul.f32 v9, v4;
	v52 =	vmul.f32 v9, v2  }
0x8b: {  	v45 =	vld [tilespmem:s1+$0x380];
	v16 =	vmul.f32 v9, v7;
	v19 =	vmul.f32 v22, v2  }
0x8c: {  	v30 =	vld [tilespmem:s1+$0x80];
	v37 =	vmul.f32 v6, v2;
	v27 =	vmul.f32 v10, v2  }
0x8d: {  	v31 =	vld [tilespmem:s1+$0x100];
	v9 =	vmul.f32 v15, v21;
	v26 =	vmul.f32 v10, v7  }
0x8e: {  	v35 =	vld [tilespmem:s1+$0x300];
	v28 =	vmul.f32 v15, v5;
	v20 =	vmul.f32 v15, v11  }
0x8f: {  	v17 =	vmul.f32 v13, v7;
	v15 =	vmul.f32 v10, v4  }
0x90: {  	v36 =	vld [tilespmem:s1+$0x280];
	v10 =	vmul.f32 v29, v21;
	v32 =	vmul.f32 v23, v21  }
0x91: {  	v33 =	vmul.f32 v45, v21;
	v54 =	vmul.f32 v22, v7  }
0x92: {  	v50 =	vmul.f32 v23, v11;
	v39 =	vmul.f32 v30, v21  }
0x93: {  	v40 =	vmul.f32 v31, v5;
	v41 =	vmul.f32 v35, v21  }
0x94: {  	v34 =	vimm.f32 $0.0e+00;
	v43 =	vmul.f32 v22, v4;
	v22 =	vmul.f32 v45, v11  }
0x95: {  	v57 =	vimm.f32 $0.0e+00;
	v18 =	vld [tilespmem:s19+$0x300];
	v51 =	vmul.f32 v36, v21;
	v60 =	vmul.f32 v30, v11  }
0x96: {  	v46 =	vimm.f32 $0.0e+00;
	v59 =	vmul.f32 v36, v11;
	v62 =	vmul.f32 v30, v5  }
0x97: {  	v61 =	vmul.f32 v36, v5;
	v58 =	vmul.f32 v13, v2;
	v30 =	vimm.f32 $0.0e+00  }
0x98: {  	v36 =	vimm.f32 $0.0e+00;
	v9 =	vadd.f32 v9, v34;
	v10 =	vadd.f32 v10, v34  }
0x99: {  	v48 =	vadd.f32 v28, v34;
	v56 =	vadd.f32 v32, v34;
	v32 =	vmul.f32 v35, v5  }
0x9a: {  	v38 =	vadd.f32 v33, v34;
	v44 =	vadd.f32 v39, v34;
	v28 =	vmul.f32 v18, v2  }
0x9b: {  	v22 =	vadd.f32 v22, v34;
	v42 =	vadd.f32 v40, v34;
	v39 =	vimm.f32 $0.0e+00  }
0x9c: {  	v40 =	vimm.f32 $0.0e+00;
	v33 =	vimm.f32 $0.0e+00;
	v8 =	vadd.f32 v25, v9  }
0x9d: {  	v25 =	vmul.f32 v31, v21;
	v49 =	vadd.f32 v32, v34;
	v2 =	vadd.f32 v27, v22  }
0x9e: {  	v22 =	vimm.f32 $0.0e+00;
	[tilespmem:$0x1FF90] =	vst v8;
	v8 =	vadd.f32 v24, v10;
	v24 =	vmul.f32 v31, v11  }
0x9f: {  	p0 =	por p1, p1;
	s3 =	simm.s32 $0x100;
	v32 =	vimm.f32 $0.0e+00;
	v27 =	vimm.f32 $0.0e+00;
	v21 =	vimm.f32 $0.0e+00  }
0xa0: {  	s14 =	simm.s32 $0x0;
	s13 =	simm.s32 $0x30;
	s1 =	simm.s32 $0x10420;
	v31 =	vimm.f32 $0.0e+00;
	[tilespmem:$0x1FFA0] =	vst v8;
	v55 =	vadd.f32 v24, v34;
	v24 =	vimm.f32 $0.0e+00  }
.LBB2_4:
0xa1: {  	v47 =	vld [tilespmem:s1+$0x410];
	v34 =	vadd.f32 v62, v34  }
0xa2: {  	v8 =	vld [tilespmem:$0x1FF90];
	v57 =	vadd.f32 v61, v57;
	v55 =	vadd.f32 v37, v55  }
0xa3: {  	v35 =	vmul.f32 v35, v11;
	v10 =	vld [tilespmem:$0x1FFA0];
	v56 =	vadd.f32 v0, v56;
	v31 =	vadd.f32 v60, v31  }
0xa4: {  	s15 =	sadd.s32 $0xFFFFFFF0, s13;
	v61 =	vmul.f32 v29, v11;
	v62 =	vld [tilespmem:s1+$0x0];
	v11 =	vadd.f32 v51, v24;
	v24 =	vadd.f32 v50, v36  }
0xa5: {  	s16 =	rddreg [dreg:$0x3];
	v45 =	vmul.f32 v45, v5;
	s19 =	sand.u32 $0x1C00, s3;
	s18 =	sand.u32 $0x3E0, s15;
	v0 =	vld [tilespmem:s1+$0x810];
	v32 =	vadd.f32 v41, v32;
	v38 =	vadd.f32 v15, v38  }
0xa6: {  	v13 =	vmul.f32 v13, v4;
	s17 =	sand.u32 $0x60, s15;
	s16 =	sadd.s32 s19, s16;
	s19 =	sand.u32 $0x70, s13;
	v44 =	vadd.f32 v43, v44;
	v48 =	vadd.f32 v16, v48;
	v37 =	vld [tilespmem:s18+$0x10800]  }
0xa7: {  	v29 =	vmul.f32 v29, v5;
	v21 =	vadd.f32 v25, v21;
	v39 =	vadd.f32 v45, v39;
	s15 =	sadd.s32 s17, s16;
	v45 =	vld [tilespmem:s1+$0x10];
	s16 =	sadd.s32 s19, s16  }
0xa8: {  	v50 =	vmul.f32 v6, v7;
	v30 =	vadd.f32 v61, v30;
	v31 =	vadd.f32 v19, v31;
	v19 =	vld [tilespmem:s16+$0x180]  }
0xa9: {  	v41 =	vmul.f32 v18, v7;
	v34 =	vadd.f32 v54, v34;
	v51 =	vld [tilespmem:s16+$0x0];
	v36 =	vadd.f32 v14, v24  }
0xaa: {  	v18 =	vmul.f32 v18, v4;
	v15 =	vld [tilespmem:s16+$0x380];
	v14 =	vadd.f32 v20, v27;
	v22 =	vadd.f32 v59, v22  }
0xab: {  	v60 =	vmul.f32 v3, v7;
	v43 =	vld [tilespmem:s16+$0x80];
	v24 =	vadd.f32 v13, v11;
	v16 =	vadd.f32 v29, v40  }
0xac: {  	v54 =	vmul.f32 v23, v5;
	v20 =	vld [tilespmem:s15+$0x200];
	v57 =	vadd.f32 v17, v57;
	v1 =	vadd.f32 v58, v22  }
0xad: {  	v13 =	vld [tilespmem:s16+$0x280];
	v17 =	vadd.f32 v35, v33;
	v32 =	vadd.f32 v18, v32;
	v59 =	vmul.f32 v6, v4;
	v4 =	vmovc v0  }
0xae: {  	v23 =	vld [tilespmem:s15+$0x0];
	v42 =	vadd.f32 v50, v42;
	[tilespmem:$0x1FF80] =	vst v1;
	v1 =	vmul.f32 v19, v47;
	v61 =	vmul.f32 v19, v4  }
0xaf: {  	v39 =	vadd.f32 v26, v39;
	v26 =	vld [tilespmem:s16+$0x200];
	v7 =	vmovc v45;
	v22 =	vmul.f32 v51, v47;
	v0 =	vmul.f32 v51, v4  }
0xb0: {  	v6 =	vld [tilespmem:s16+$0x100];
	v27 =	vadd.f32 v52, v14;
	v5 =	vmovc v62;
	v45 =	vmul.f32 v19, v7;
	v19 =	vmul.f32 v43, v47  }
0xb1: {  	v46 =	vadd.f32 v54, v46;
	v58 =	vld [tilespmem:s18+$0x10C00];
	v63 =	vmul.f32 v15, v47;
	v52 =	vmul.f32 v20, v5  }
0xb2: {  	v29 =	vld [tilespmem:s15+$0x180];
	v33 =	vadd.f32 v28, v17;
	v11 =	vmovc v37;
	v17 =	vmul.f32 v13, v7;
	v54 =	vmul.f32 v43, v7  }
0xb3: {  	v40 =	vadd.f32 v53, v16;
	v53 =	vld [tilespmem:s15+$0x100];
	v50 =	vmul.f32 v23, v11;
	v43 =	vmul.f32 v43, v4  }
0xb4: {  	v35 =	vld [tilespmem:s15+$0x300];
	v30 =	vadd.f32 v12, v30;
	v3 =	vmovc v51;
	v51 =	vmul.f32 v26, v4;
	v12 =	vmul.f32 v26, v47  }
0xb5: {  	v49 =	vadd.f32 v41, v49;
	v62 =	vld [tilespmem:s15+$0x80];
	v16 =	vmul.f32 v26, v7;
	v37 =	vmul.f32 v6, v47  }
0xb6: {  	v21 =	vadd.f32 v59, v21;
	v26 =	vmul.f32 v15, v7;
	v14 =	vmovc v45;
	v45 =	vld [tilespmem:s15+$0x380];
	v18 =	vmul.f32 v20, v58  }
0xb7: {  	v46 =	vadd.f32 v60, v46;
	v15 =	vmul.f32 v15, v4;
	v25 =	vmul.f32 v29, v58  }
0xb8: {  	v48 =	vadd.f32 v52, v48;
	v59 =	vmul.f32 v53, v11;
	v9 =	vadd.f32 v18, v8  }
0xb9: {  	v20 =	vmul.f32 v20, v11;
	v28 =	vmul.f32 v23, v58;
	v18 =	vld [tilespmem:s16+$0x300];
	v10 =	vadd.f32 v25, v10  }
0xba: {  	v41 =	vmul.f32 v35, v58;
	v8 =	vld [tilespmem:s15+$0x280];
	v25 =	vmul.f32 v62, v58;
	v9 =	vadd.f32 v51, v9  }
0xbb: {  	s14 =	sadd.s32 $0x2, s14;
	v55 =	vadd.f32 v59, v55;
	v60 =	vmul.f32 v45, v58;
	v10 =	vadd.f32 v61, v10  }
0xbc: {  	p1 =	slt.u32 s14, $0x3E;
	v61 =	vmul.f32 v45, v11;
	v44 =	vadd.f32 v25, v44;
	v25 =	vmul.f32 v53, v58;
	[tilespmem:$0x1FF90] =	vst v9  }
.Ltmp0:
0xbd: {  	v56 =	vadd.f32 v28, v56;
	v9 =	vmul.f32 v53, v5;
	[tilespmem:$0x1FFA0] =	vst v10;
	v10 =	vmul.f32 v35, v5;
	(pc) =	sbr.rel @p1 .LBB2_4-.Ltmp0, $4  }
0xbe: {  	v52 =	vmovc v12;
	v38 =	vadd.f32 v60, v38;
	v60 =	vmul.f32 v62, v11;
	v62 =	vmul.f32 v62, v5  }
0xbf: {  	v12 =	vmovc v1;
	v2 =	vadd.f32 v61, v2;
	v51 =	vmul.f32 v8, v58;
	v28 =	vmul.f32 v18, v47  }
0xc0: {  	v53 =	vmovc v14;
	v59 =	vmul.f32 v8, v11;
	v61 =	vmul.f32 v8, v5;
	v42 =	vadd.f32 v9, v42  }
0xc1: {  	s3 =	sadd.s32 $0x100, s3;
	s13 =	sadd.s32 $0x20, s13;
	s1 =	sadd.s32 $0x20, s1;
	v14 =	vmovc v22;
	v22 =	vld [tilespmem:$0x1FF80];
	v58 =	vmul.f32 v13, v47;
	v49 =	vadd.f32 v10, v49;
	v2 =	vadd.f32 v63, v2  }
0xc2: {  	v8 =	vmul.f32 v23, v5  }
0xc3: {  	v3 =	vmul.f32 v3, v7  }
0xc4: {  	v23 =	vmul.f32 v6, v7;
	v7 =	vmul.f32 v18, v7;
	v8 =	vadd.f32 v8, v46  }
0xc5: {  	v9 =	vadd.f32 v62, v34;
	v10 =	vmul.f32 v29, v5;
	v0 =	vadd.f32 v0, v56  }
0xc6: {  	v7 =	vadd.f32 v7, v49;
	v3 =	vadd.f32 v3, v8  }
0xc7: {  	[tilespmem:$0x11D87] =	vst v2;
	v8 =	vadd.f32 v54, v9;
	v9 =	vadd.f32 v10, v40  }
0xc8: {  	v5 =	vmul.f32 v45, v5;
	[tilespmem:$0x11E20] =	vst v0  }
0xc9: {  	[tilespmem:$0x11C66] =	vst v7;
	v1 =	vadd.f32 v53, v9  }
0xca: {  	v5 =	vadd.f32 v5, v39;
	[tilespmem:$0x11C00] =	vst v3  }
0xcb: {  	v10 =	vadd.f32 v23, v42;
	[tilespmem:$0x11C33] =	vst v1;
	v1 =	vadd.f32 v50, v36  }
0xcc: {  	v5 =	vadd.f32 v26, v5;
	[tilespmem:$0x11C11] =	vst v8  }
0xcd: {  	v0 =	vadd.f32 v51, v24;
	[tilespmem:$0x11C22] =	vst v10;
	v1 =	vadd.f32 v14, v1  }
0xce: {  	v2 =	vmul.f32 v13, v4;
	v3 =	vadd.f32 v61, v57;
	v8 =	vadd.f32 v16, v48;
	[tilespmem:$0x11C77] =	vst v5  }
0xcf: {  	v5 =	vadd.f32 v37, v55;
	[tilespmem:$0x11D10] =	vst v1;
	v1 =	vadd.f32 v59, v22  }
0xd0: {  	v0 =	vadd.f32 v2, v0;
	v2 =	vld [tilespmem:$0x1FF90];
	v3 =	vadd.f32 v17, v3;
	[tilespmem:$0x11C44] =	vst v8;
	v8 =	vmul.f32 v29, v11  }
0xd1: {  	[tilespmem:$0x11D32] =	vst v5;
	v1 =	vadd.f32 v58, v1  }
0xd2: {  	[tilespmem:$0x11C55] =	vst v3;
	v3 =	vadd.f32 v8, v30;
	v8 =	vmul.f32 v35, v11  }
0xd3: {  	v5 =	vadd.f32 v25, v21;
	[tilespmem:$0x11D65] =	vst v1;
	v1 =	vmul.f32 v6, v4  }
0xd4: {  	[tilespmem:$0x11E75] =	vst v0;
	v3 =	vadd.f32 v12, v3;
	v8 =	vadd.f32 v8, v33  }
0xd5: {  	v9 =	vadd.f32 v60, v31;
	[tilespmem:$0x11E64] =	vst v2;
	v1 =	vadd.f32 v1, v5  }
0xd6: {  	[tilespmem:$0x11D43] =	vst v3;
	v3 =	vadd.f32 v28, v8  }
0xd7: {  	v7 =	vadd.f32 v19, v9;
	[tilespmem:$0x11E42] =	vst v1;
	v1 =	vld [tilespmem:$0x1FFA0]  }
0xd8: {  	[tilespmem:$0x11D76] =	vst v3;
	v3 =	vadd.f32 v43, v44  }
0xd9: {  	v9 =	vadd.f32 v20, v27;
	v2 =	vadd.f32 v15, v38;
	[tilespmem:$0x11D21] =	vst v7  }
0xda: {  	v4 =	vmul.f32 v18, v4;
	[tilespmem:$0x11E31] =	vst v3;
	v3 =	vadd.f32 v41, v32  }
0xdb: {  	v7 =	vadd.f32 v52, v9;
	[tilespmem:$0x11E97] =	vst v2  }
0xdc: {  	[tilespmem:$0x11E53] =	vst v1;
	v1 =	vadd.f32 v4, v3  }
0xdd: {  	[tilespmem:$0x11D54] =	vst v7  }
0xde: {  	s3 =	simm.s32 $0x10400;
	[tilespmem:$0x11E86] =	vst v1  }
0xdf: {  	v0 =	vld [tilespmem:s3+$0x410]  }
0xe0: {  	s1 =	sadd.s32 $0x2400, s4;
	s16 =	simm.s32 $0x0;
	v5 =	vld [tilespmem:s3+$0x0]  }
0xe1: {  	s13 =	simm.s32 $0x0;
	[dreg:$0x4] =	wrdreg s1;
	s14 =	sand.u32 $0x3E0, s16;
	v4 =	vld [tilespmem:s3+$0x810]  }
0xe2: {  	s15 =	simm.s32 $0x10;
	s13 =	sand.u32 $0x1C00, s13;
	s17 =	rddreg [dreg:$0x4];
	v11 =	vld [tilespmem:s14+$0x10800]  }
0xe3: {  	s18 =	sand.u32 $0x70, s15;
	s4 =	sadd.s32 s13, s17;
	v7 =	vld [tilespmem:s3+$0x10]  }
0xe4: {  	s19 =	sadd.s32 s18, s4;
	v20 =	vld [tilespmem:s14+$0x10C00]  }
0xe5: {  	v3 =	vld [tilespmem:s19+$0x180]  }
0xe6: {  	v2 =	vld [tilespmem:s19+$0x0]  }
0xe7: {  	v9 =	vld [tilespmem:s19+$0x200]  }
0xe8: {  	v10 =	vld [tilespmem:s19+$0x380]  }
0xe9: {  	s1 =	sand.u32 $0x60, s16;
	v22 =	vld [tilespmem:s19+$0x80]  }
0xea: {  	s1 =	sadd.s32 s1, s4;
	v6 =	vld [tilespmem:s19+$0x100]  }
0xeb: {  	v14 =	vld [tilespmem:s1+$0x200];
	v12 =	vmul.f32 v3, v0  }
0xec: {  	v13 =	vld [tilespmem:s19+$0x280];
	v24 =	vmul.f32 v3, v4;
	v1 =	vmul.f32 v2, v0  }
0xed: {  	v23 =	vld [tilespmem:s1+$0x0];
	v15 =	vmul.f32 v2, v4;
	v3 =	vmul.f32 v3, v7  }
0xee: {  	v29 =	vld [tilespmem:s1+$0x180];
	v25 =	vmul.f32 v9, v4;
	v63 =	vmul.f32 v9, v0  }
0xef: {  	v45 =	vld [tilespmem:s1+$0x380];
	v16 =	vmul.f32 v9, v7;
	v19 =	vmul.f32 v22, v0  }
0xf0: {  	v30 =	vld [tilespmem:s1+$0x80];
	v37 =	vmul.f32 v6, v0;
	v27 =	vmul.f32 v10, v0  }
0xf1: {  	v31 =	vld [tilespmem:s1+$0x100];
	v9 =	vmul.f32 v14, v20;
	v26 =	vmul.f32 v10, v7  }
0xf2: {  	v35 =	vld [tilespmem:s1+$0x300];
	v28 =	vmul.f32 v14, v5;
	v21 =	vmul.f32 v14, v11  }
0xf3: {  	v17 =	vmul.f32 v13, v7;
	v14 =	vmul.f32 v10, v4  }
0xf4: {  	v36 =	vld [tilespmem:s1+$0x280];
	v10 =	vmul.f32 v29, v20;
	v60 =	vmul.f32 v23, v20  }
0xf5: {  	v34 =	vimm.f32 $0.0e+00;
	v61 =	vmul.f32 v45, v20;
	v54 =	vmul.f32 v22, v7  }
0xf6: {  	v39 =	vimm.f32 $0.0e+00;
	v50 =	vmul.f32 v23, v11;
	v62 =	vmul.f32 v30, v20  }
0xf7: {  	v46 =	vimm.f32 $0.0e+00;
	v40 =	vmul.f32 v31, v5;
	v41 =	vmul.f32 v35, v20  }
0xf8: {  	v57 =	vimm.f32 $0.0e+00;
	v18 =	vld [tilespmem:s19+$0x300];
	v32 =	vmul.f32 v35, v5;
	v43 =	vmul.f32 v22, v4  }
0xf9: {  	v33 =	vimm.f32 $0.0e+00;
	v22 =	vmul.f32 v45, v11;
	v51 =	vmul.f32 v36, v20  }
0xfa: {  	v59 =	vmul.f32 v36, v11;
	v9 =	vadd.f32 v9, v34;
	v10 =	vadd.f32 v10, v34  }
0xfb: {  	v58 =	vmul.f32 v13, v0;
	v48 =	vadd.f32 v28, v34;
	v56 =	vadd.f32 v60, v34  }
0xfc: {  	v38 =	vadd.f32 v61, v34;
	v44 =	vadd.f32 v62, v34;
	v60 =	vmul.f32 v30, v11  }
0xfd: {  	v28 =	vmul.f32 v18, v0;
	v22 =	vadd.f32 v22, v34;
	v62 =	vmul.f32 v30, v5  }
0xfe: {  	v42 =	vadd.f32 v40, v34;
	v61 =	vmul.f32 v36, v5;
	v49 =	vadd.f32 v32, v34  }
0xff: {  	v32 =	vimm.f32 $0.0e+00;
	v30 =	vimm.f32 $0.0e+00;
	v8 =	vadd.f32 v25, v9  }
0x100: {  	v36 =	vimm.f32 $0.0e+00;
	v40 =	vimm.f32 $0.0e+00;
	v25 =	vmul.f32 v31, v20  }
0x101: {  	v0 =	vadd.f32 v27, v22;
	[tilespmem:$0x1FF60] =	vst v8;
	v8 =	vadd.f32 v24, v10;
	v24 =	vmul.f32 v31, v11  }
0x102: {  	s13 =	simm.s32 $0x30;
	[tilespmem:$0x1FF50] =	vst v3;
	v22 =	vimm.f32 $0.0e+00;
	v27 =	vimm.f32 $0.0e+00;
	v20 =	vimm.f32 $0.0e+00  }
0x103: {  	s4 =	simm.s32 $0x0;
	s3 =	simm.s32 $0x100;
	s1 =	simm.s32 $0x10420;
	v31 =	vimm.f32 $0.0e+00;
	[tilespmem:$0x1FF70] =	vst v8;
	v55 =	vadd.f32 v24, v34;
	v24 =	vimm.f32 $0.0e+00  }
.LBB2_6:
0x104: {  	v47 =	vld [tilespmem:s1+$0x410]  }
0x105: {  	v8 =	vld [tilespmem:$0x1FF50];
	v34 =	vadd.f32 v62, v34;
	v52 =	vadd.f32 v61, v57  }
0x106: {  	s14 =	sadd.s32 $0xFFFFFFF0, s13;
	v53 =	vmul.f32 v29, v11;
	v61 =	vld [tilespmem:s1+$0x0];
	v55 =	vadd.f32 v37, v55;
	v56 =	vadd.f32 v15, v56  }
0x107: {  	v45 =	vmul.f32 v45, v5;
	s17 =	sand.u32 $0x3E0, s14;
	v15 =	vld [tilespmem:s1+$0x810];
	v32 =	vadd.f32 v60, v32;
	v22 =	vadd.f32 v59, v22  }
0x108: {  	s15 =	rddreg [dreg:$0x4];
	s19 =	sand.u32 $0x1C00, s3;
	v35 =	vmul.f32 v35, v11;
	v11 =	vadd.f32 v51, v24;
	v24 =	vadd.f32 v50, v36;
	v62 =	vld [tilespmem:s17+$0x10800]  }
0x109: {  	s18 =	sand.u32 $0x70, s13;
	v29 =	vmul.f32 v29, v5;
	s16 =	sand.u32 $0x60, s14;
	s15 =	sadd.s32 s19, s15;
	v33 =	vadd.f32 v41, v33;
	v39 =	vadd.f32 v45, v39;
	v45 =	vld [tilespmem:s1+$0x10]  }
0x10a: {  	v13 =	vmul.f32 v13, v4;
	v38 =	vadd.f32 v14, v38;
	v30 =	vadd.f32 v53, v30;
	s14 =	sadd.s32 s16, s15;
	s15 =	sadd.s32 s18, s15;
	v53 =	vld [tilespmem:s17+$0x10C00]  }
0x10b: {  	v59 =	vmul.f32 v6, v4;
	v44 =	vadd.f32 v43, v44;
	v32 =	vadd.f32 v19, v32;
	v19 =	vld [tilespmem:s15+$0x180]  }
0x10c: {  	v50 =	vmul.f32 v6, v7;
	v48 =	vadd.f32 v16, v48;
	v20 =	vadd.f32 v25, v20;
	v51 =	vld [tilespmem:s15+$0x0]  }
0x10d: {  	v41 =	vmul.f32 v18, v7;
	v16 =	vadd.f32 v29, v40;
	v22 =	vadd.f32 v58, v22;
	v14 =	vld [tilespmem:s15+$0x380]  }
0x10e: {  	v18 =	vmul.f32 v18, v4;
	v34 =	vadd.f32 v54, v34;
	v36 =	vadd.f32 v1, v24;
	v43 =	vld [tilespmem:s15+$0x80]  }
0x10f: {  	v54 =	vmul.f32 v23, v5;
	v1 =	vadd.f32 v21, v27;
	v24 =	vadd.f32 v13, v11;
	v6 =	vld [tilespmem:s15+$0x100]  }
0x110: {  	v58 =	vmul.f32 v2, v7;
	v21 =	vld [tilespmem:s14+$0x200];
	v57 =	vadd.f32 v17, v52;
	v17 =	vadd.f32 v35, v31  }
0x111: {  	v13 =	vld [tilespmem:s15+$0x280];
	v33 =	vadd.f32 v18, v33;
	v49 =	vadd.f32 v41, v49;
	v4 =	vmovc v15;
	v3 =	vmul.f32 v19, v47  }
0x112: {  	v29 =	vld [tilespmem:s14+$0x180];
	v27 =	vadd.f32 v63, v1;
	v7 =	vmovc v45;
	v60 =	vmul.f32 v19, v4;
	v1 =	vmul.f32 v51, v47  }
0x113: {  	v23 =	vld [tilespmem:s14+$0x0];
	v39 =	vadd.f32 v26, v39;
	v15 =	vmul.f32 v51, v4;
	v45 =	vmul.f32 v19, v7  }
0x114: {  	v35 =	vld [tilespmem:s14+$0x300];
	v40 =	vadd.f32 v8, v16;
	v19 =	vmul.f32 v43, v47;
	v37 =	vmul.f32 v6, v47  }
0x115: {  	v26 =	vld [tilespmem:s15+$0x200];
	v5 =	vmovc v61;
	v11 =	vmov v62;
	v52 =	vmul.f32 v14, v47;
	v18 =	vmul.f32 v21, v53  }
0x116: {  	v10 =	vld [tilespmem:$0x1FF70];
	v54 =	vadd.f32 v54, v46;
	v62 =	vmul.f32 v21, v5;
	v21 =	vmul.f32 v21, v11  }
0x117: {  	v31 =	vadd.f32 v28, v17;
	v63 =	vld [tilespmem:s14+$0x100];
	v17 =	vmul.f32 v13, v7;
	v25 =	vmul.f32 v29, v53  }
0x118: {  	v46 =	vadd.f32 v58, v54;
	v28 =	vmul.f32 v23, v53;
	v54 =	vmul.f32 v43, v7;
	v8 =	vmovc v45;
	v45 =	vld [tilespmem:s14+$0x380]  }
0x119: {  	v42 =	vadd.f32 v50, v42;
	v50 =	vmul.f32 v23, v11;
	v41 =	vmul.f32 v35, v53;
	[tilespmem:$0x1FF50] =	vst v8;
	v8 =	vld [tilespmem:$0x1FF60]  }
0x11a: {  	v61 =	vld [tilespmem:s14+$0x80];
	v2 =	vmov v51;
	v43 =	vmul.f32 v43, v4;
	v51 =	vmul.f32 v26, v4  }
0x11b: {  	v30 =	vadd.f32 v12, v30;
	v12 =	vmul.f32 v26, v47;
	v16 =	vmul.f32 v26, v7  }
0x11c: {  	v20 =	vadd.f32 v59, v20;
	v26 =	vmul.f32 v14, v7;
	v14 =	vmul.f32 v14, v4  }
0x11d: {  	v10 =	vadd.f32 v25, v10;
	v48 =	vadd.f32 v62, v48;
	v59 =	vmul.f32 v63, v11  }
0x11e: {  	v56 =	vadd.f32 v28, v56;
	v58 =	vmul.f32 v45, v53;
	v9 =	vadd.f32 v18, v8;
	v8 =	vld [tilespmem:s14+$0x280]  }
0x11f: {  	s4 =	sadd.s32 $0x2, s4;
	v25 =	vmul.f32 v61, v53;
	v62 =	vmul.f32 v61, v5;
	v10 =	vadd.f32 v60, v10;
	v18 =	vld [tilespmem:s15+$0x300]  }
0x120: {  	p1 =	slt.u32 s4, $0x3E;
	v60 =	vmul.f32 v61, v11;
	v38 =	vadd.f32 v58, v38;
	v58 =	vmul.f32 v45, v11  }
.Ltmp1:
0x121: {  	v44 =	vadd.f32 v25, v44;
	v25 =	vmul.f32 v63, v53;
	v9 =	vadd.f32 v51, v9;
	(pc) =	sbr.rel @p1 .LBB2_6-.Ltmp1, $4  }
0x122: {  	[tilespmem:$0x1FF70] =	vst v10;
	v10 =	vmul.f32 v35, v5;
	v0 =	vadd.f32 v58, v0;
	v58 =	vmul.f32 v13, v47  }
0x123: {  	v55 =	vadd.f32 v59, v55;
	[tilespmem:$0x1FF60] =	vst v9;
	v9 =	vmul.f32 v63, v5;
	v51 =	vmul.f32 v8, v53  }
0x124: {  	v49 =	vadd.f32 v10, v49;
	v63 =	vmovc v12;
	v28 =	vmul.f32 v18, v47;
	v59 =	vmul.f32 v8, v11  }
0x125: {  	s3 =	sadd.s32 $0x100, s3;
	s13 =	sadd.s32 $0x20, s13;
	s1 =	sadd.s32 $0x20, s1;
	v12 =	vmovc v3;
	v61 =	vmul.f32 v8, v5;
	v0 =	vadd.f32 v52, v0;
	v42 =	vadd.f32 v9, v42  }
0x126: {  	v8 =	vmul.f32 v23, v5  }
0x127: {  	v2 =	vmul.f32 v2, v7;
	v9 =	vadd.f32 v62, v34;
	v10 =	vmul.f32 v29, v5  }
0x128: {  	v23 =	vmul.f32 v6, v7;
	v7 =	vmul.f32 v18, v7;
	v56 =	vadd.f32 v15, v56  }
0x129: {  	v5 =	vmul.f32 v45, v5;
	v3 =	vld [tilespmem:$0x1FF50];
	v34 =	vadd.f32 v14, v38;
	[tilespmem:$0x11E0F] =	vst v0;
	v8 =	vadd.f32 v8, v46  }
0x12a: {  	v7 =	vadd.f32 v7, v49;
	[tilespmem:$0x11EA8] =	vst v56  }
0x12b: {  	v5 =	vadd.f32 v5, v39;
	[tilespmem:$0x11F1F] =	vst v34;
	v2 =	vadd.f32 v2, v8  }
0x12c: {  	v8 =	vadd.f32 v54, v9;
	v9 =	vadd.f32 v10, v40;
	[tilespmem:$0x11CEE] =	vst v7  }
0x12d: {  	v52 =	vadd.f32 v61, v57;
	v5 =	vadd.f32 v26, v5;
	[tilespmem:$0x11C88] =	vst v2  }
0x12e: {  	v57 =	vadd.f32 v43, v44;
	v3 =	vadd.f32 v3, v9;
	[tilespmem:$0x11C99] =	vst v8  }
0x12f: {  	v10 =	vadd.f32 v23, v42;
	v8 =	vadd.f32 v16, v48;
	[tilespmem:$0x11CFF] =	vst v5  }
0x130: {  	v7 =	vmul.f32 v35, v11;
	v2 =	vadd.f32 v17, v52;
	v9 =	vadd.f32 v60, v32;
	[tilespmem:$0x11CBB] =	vst v3  }
0x131: {  	v5 =	vadd.f32 v37, v55;
	v3 =	vadd.f32 v50, v36;
	[tilespmem:$0x11CCC] =	vst v8;
	v8 =	vmul.f32 v29, v11  }
0x132: {  	[tilespmem:$0x11EB9] =	vst v57;
	v7 =	vadd.f32 v7, v31;
	v60 =	vadd.f32 v41, v33  }
0x133: {  	[tilespmem:$0x11CAA] =	vst v10;
	v1 =	vadd.f32 v1, v3;
	v53 =	vadd.f32 v8, v30  }
0x134: {  	v33 =	vld [tilespmem:$0x1FF60];
	[tilespmem:$0x11CDD] =	vst v2;
	v3 =	vadd.f32 v19, v9;
	v8 =	vadd.f32 v21, v27  }
0x135: {  	[tilespmem:$0x11DBA] =	vst v5;
	v55 =	vadd.f32 v28, v7  }
0x136: {  	[tilespmem:$0x11DA9] =	vst v3;
	v3 =	vadd.f32 v63, v8  }
0x137: {  	[tilespmem:$0x11DFE] =	vst v55  }
0x138: {  	v54 =	vadd.f32 v59, v22;
	v5 =	vadd.f32 v25, v20;
	v63 =	vld [tilespmem:$0x1FF70];
	[tilespmem:$0x11DDC] =	vst v3;
	v3 =	vmul.f32 v6, v4  }
0x139: {  	v59 =	vadd.f32 v51, v24;
	[tilespmem:$0x11EEC] =	vst v33;
	v2 =	vadd.f32 v12, v53  }
0x13a: {  	v61 =	vlaneseq.u32;
	[tilespmem:$0x11D98] =	vst v1;
	v1 =	vadd.f32 v58, v54;
	v58 =	vadd.f32 v3, v5  }
0x13b: {  	[tilespmem:$0x11DCB] =	vst v2;
	v3 =	vmul.f32 v13, v4;
	v5 =	vmul.f32 v18, v4;
	v4 =	vmul.u32 $0x11, v61  }
0x13c: {  	[tilespmem:$0x11DED] =	vst v1  }
0x13d: {  	[tilespmem:$0x11EDB] =	vst v63;
	v62 =	vadd.f32 v3, v59;
	v6 =	vadd.s32 $0x1, v4  }
0x13e: {  	[tilespmem:$0x11ECA] =	vst v58;
	v32 =	vadd.f32 v5, v60  }
0x13f: {  	v7 =	vadd.s32 $0x2, v4;
	[tilespmem:$0x11EFD] =	vst v62  }
0x140: {  	[tilespmem:$0x11F0E] =	vst v32  }
0x141: {  	v8 =	vadd.s32 $0x3, v4;
	v0 =	vld.idx.msk [tilespmem:v4+s30+$0x0], $0xffff  }
0x142: {  	v1 =	vld.idx.msk [tilespmem:v6+s30+$0x0], $0xffff  }
0x143: {  	v9 =	vadd.s32 $0x4, v4  }
0x144: {  	v2 =	vld.idx.msk [tilespmem:v7+s30+$0x0], $0xffff  }
0x145: {  	v10 =	vadd.s32 $0x5, v4  }
0x146: {  	v3 =	vld.idx.msk [tilespmem:v8+s30+$0x0], $0xffff  }
0x147: {  	v11 =	vadd.s32 $0x6, v4;
	v0 =	vadd.f32 v1, v0  }
0x148: {  	v35 =	vld.idx.msk [tilespmem:v9+s30+$0x0], $0xffff  }
0x149: {  	v12 =	vadd.s32 $0x7, v4;
	v0 =	vadd.f32 v2, v0  }
0x14a: {  	v36 =	vld.idx.msk [tilespmem:v10+s30+$0x0], $0xffff  }
0x14b: {  	v13 =	vadd.s32 $0x8, v4;
	v0 =	vadd.f32 v3, v0  }
0x14c: {  	v3 =	vld.idx.msk [tilespmem:v11+s30+$0x0], $0xffff  }
0x14d: {  	v14 =	vadd.s32 $0x9, v4;
	v0 =	vadd.f32 v35, v0  }
0x14e: {  	v37 =	vld.idx.msk [tilespmem:v12+s30+$0x0], $0xffff  }
0x14f: {  	v15 =	vadd.s32 $0xA, v4;
	v0 =	vadd.f32 v36, v0  }
0x150: {  	v38 =	vld.idx.msk [tilespmem:v13+s30+$0x0], $0xffff  }
0x151: {  	v16 =	vadd.s32 $0xB, v4;
	v0 =	vadd.f32 v3, v0  }
0x152: {  	v3 =	vld.idx.msk [tilespmem:v14+s30+$0x0], $0xffff  }
0x153: {  	v17 =	vadd.s32 $0xC, v4;
	v0 =	vadd.f32 v37, v0  }
0x154: {  	v39 =	vld.idx.msk [tilespmem:v15+s30+$0x0], $0xffff  }
0x155: {  	v18 =	vadd.s32 $0xD, v4;
	v0 =	vadd.f32 v38, v0  }
0x156: {  	v40 =	vld.idx.msk [tilespmem:v16+s30+$0x0], $0xffff  }
0x157: {  	v19 =	vadd.s32 $0xE, v4;
	v0 =	vadd.f32 v3, v0  }
0x158: {  	v3 =	vld.idx.msk [tilespmem:v17+s30+$0x0], $0xffff  }
0x159: {  	v20 =	vadd.s32 $0xF, v4;
	v0 =	vadd.f32 v39, v0  }
0x15a: {  	v41 =	vld.idx.msk [tilespmem:v18+s30+$0x0], $0xffff  }
0x15b: {  	v0 =	vadd.f32 v40, v0  }
0x15c: {  	v42 =	vld.idx.msk [tilespmem:v19+s30+$0x0], $0xffff  }
0x15d: {  	v0 =	vadd.f32 v3, v0  }
0x15e: {  	v3 =	vld.idx.msk [tilespmem:v20+s30+$0x0], $0xffff  }
0x15f: {  	v0 =	vadd.f32 v41, v0;
	_ =	sdelay $0x1  }
0x160: {  	v21 =	vadd.s32 $0x110, v4;
	v0 =	vadd.f32 v42, v0  }
0x161: {  	v22 =	vadd.s32 $0x111, v4  }
0x162: {  	s1 =	sshll.u32 s12, $0x4;
	v0 =	vadd.f32 v3, v0  }
0x163: {  	s1 =	sor.u32 s11, s1;
	v23 =	vadd.s32 $0x112, v4  }
0x164: {  	[tilespmem:s1+$0x11000] =	vst v0  }
0x165: {  	v24 =	vadd.s32 $0x113, v4;
	v0 =	vld.idx.msk [tilespmem:v21+s30+$0x0], $0xffff  }
0x166: {  	v43 =	vld.idx.msk [tilespmem:v22+s30+$0x0], $0xffff  }
0x167: {  	v25 =	vadd.s32 $0x114, v4  }
0x168: {  	v44 =	vld.idx.msk [tilespmem:v23+s30+$0x0], $0xffff  }
0x169: {  	v26 =	vadd.s32 $0x115, v4  }
0x16a: {  	v3 =	vld.idx.msk [tilespmem:v24+s30+$0x0], $0xffff  }
0x16b: {  	v27 =	vadd.s32 $0x116, v4;
	v0 =	vadd.f32 v43, v0  }
0x16c: {  	v45 =	vld.idx.msk [tilespmem:v25+s30+$0x0], $0xffff  }
0x16d: {  	v28 =	vadd.s32 $0x117, v4;
	v0 =	vadd.f32 v44, v0  }
0x16e: {  	v46 =	vld.idx.msk [tilespmem:v26+s30+$0x0], $0xffff  }
0x16f: {  	v29 =	vadd.s32 $0x118, v4;
	v0 =	vadd.f32 v3, v0  }
0x170: {  	v3 =	vld.idx.msk [tilespmem:v27+s30+$0x0], $0xffff  }
0x171: {  	v30 =	vadd.s32 $0x119, v4;
	v0 =	vadd.f32 v45, v0  }
0x172: {  	v47 =	vld.idx.msk [tilespmem:v28+s30+$0x0], $0xffff  }
0x173: {  	v31 =	vadd.s32 $0x11A, v4;
	v0 =	vadd.f32 v46, v0  }
0x174: {  	v48 =	vld.idx.msk [tilespmem:v29+s30+$0x0], $0xffff  }
0x175: {  	v32 =	vadd.s32 $0x11B, v4;
	v0 =	vadd.f32 v3, v0  }
0x176: {  	v3 =	vld.idx.msk [tilespmem:v30+s30+$0x0], $0xffff  }
0x177: {  	v33 =	vadd.s32 $0x11C, v4;
	v0 =	vadd.f32 v47, v0  }
0x178: {  	v49 =	vld.idx.msk [tilespmem:v31+s30+$0x0], $0xffff  }
0x179: {  	v34 =	vadd.s32 $0x11D, v4;
	v0 =	vadd.f32 v48, v0  }
0x17a: {  	v50 =	vld.idx.msk [tilespmem:v32+s30+$0x0], $0xffff  }
0x17b: {  	v35 =	vadd.s32 $0x11E, v4;
	v0 =	vadd.f32 v3, v0  }
0x17c: {  	v3 =	vld.idx.msk [tilespmem:v33+s30+$0x0], $0xffff  }
0x17d: {  	v36 =	vadd.s32 $0x11F, v4;
	v0 =	vadd.f32 v49, v0  }
0x17e: {  	v51 =	vld.idx.msk [tilespmem:v34+s30+$0x0], $0xffff  }
0x17f: {  	v0 =	vadd.f32 v50, v0  }
0x180: {  	v52 =	vld.idx.msk [tilespmem:v35+s30+$0x0], $0xffff  }
0x181: {  	v53 =	vld [tilespmem:$0x1FFB0];
	v0 =	vadd.f32 v3, v0  }
0x182: {  	v3 =	vld.idx.msk [tilespmem:v36+s30+$0x0], $0xffff  }
0x183: {  	v0 =	vadd.f32 v51, v0;
	_ =	sdelay $0x1  }
0x184: {  	v37 =	vadd.s32 $0x220, v4;
	v0 =	vadd.f32 v52, v0  }
0x185: {  	v38 =	vadd.s32 $0x221, v4  }
0x186: {  	v0 =	vadd.f32 v3, v0  }
0x187: {  	v39 =	vadd.s32 $0x222, v4;
	s1 =	sand.u32 $0x50, s1  }
0x188: {  	[tilespmem:v53+s1+$0x0 ss:$0x1] =	vst.idx.msk $0xffff, v0  }
0x189: {  	v40 =	vadd.s32 $0x223, v4;
	v0 =	vld.idx.msk [tilespmem:v37+s30+$0x0], $0xffff  }
0x18a: {  	v1 =	vld.idx.msk [tilespmem:v38+s30+$0x0], $0xffff  }
0x18b: {  	v41 =	vadd.s32 $0x224, v4  }
0x18c: {  	v54 =	vld.idx.msk [tilespmem:v39+s30+$0x0], $0xffff  }
0x18d: {  	v42 =	vadd.s32 $0x225, v4  }
0x18e: {  	v3 =	vld.idx.msk [tilespmem:v40+s30+$0x0], $0xffff  }
0x18f: {  	v43 =	vadd.s32 $0x226, v4;
	v0 =	vadd.f32 v1, v0  }
0x190: {  	v55 =	vld.idx.msk [tilespmem:v41+s30+$0x0], $0xffff  }
0x191: {  	v44 =	vadd.s32 $0x227, v4;
	v0 =	vadd.f32 v54, v0  }
0x192: {  	v56 =	vld.idx.msk [tilespmem:v42+s30+$0x0], $0xffff  }
0x193: {  	v45 =	vadd.s32 $0x228, v4;
	v0 =	vadd.f32 v3, v0  }
0x194: {  	v3 =	vld.idx.msk [tilespmem:v43+s30+$0x0], $0xffff  }
0x195: {  	v46 =	vadd.s32 $0x229, v4;
	v0 =	vadd.f32 v55, v0  }
0x196: {  	v57 =	vld.idx.msk [tilespmem:v44+s30+$0x0], $0xffff  }
0x197: {  	v47 =	vadd.s32 $0x22A, v4;
	v0 =	vadd.f32 v56, v0  }
0x198: {  	v58 =	vld.idx.msk [tilespmem:v45+s30+$0x0], $0xffff  }
0x199: {  	v48 =	vadd.s32 $0x22B, v4;
	v0 =	vadd.f32 v3, v0  }
0x19a: {  	v3 =	vld.idx.msk [tilespmem:v46+s30+$0x0], $0xffff  }
0x19b: {  	v49 =	vadd.s32 $0x22C, v4;
	v0 =	vadd.f32 v57, v0  }
0x19c: {  	v59 =	vld.idx.msk [tilespmem:v47+s30+$0x0], $0xffff  }
0x19d: {  	v50 =	vadd.s32 $0x22D, v4;
	v0 =	vadd.f32 v58, v0  }
0x19e: {  	v60 =	vld.idx.msk [tilespmem:v48+s30+$0x0], $0xffff  }
0x19f: {  	v51 =	vadd.s32 $0x22E, v4;
	v0 =	vadd.f32 v3, v0  }
0x1a0: {  	v3 =	vld.idx.msk [tilespmem:v49+s30+$0x0], $0xffff  }
0x1a1: {  	v52 =	vadd.s32 $0x22F, v4;
	v0 =	vadd.f32 v59, v0  }
0x1a2: {  	v61 =	vld.idx.msk [tilespmem:v50+s30+$0x0], $0xffff  }
0x1a3: {  	v0 =	vadd.f32 v60, v0  }
0x1a4: {  	v62 =	vld.idx.msk [tilespmem:v51+s30+$0x0], $0xffff  }
0x1a5: {  	v63 =	vld [tilespmem:$0x1FFC0];
	v0 =	vadd.f32 v3, v0  }
0x1a6: {  	v3 =	vld.idx.msk [tilespmem:v52+s30+$0x0], $0xffff  }
0x1a7: {  	v0 =	vadd.f32 v61, v0;
	_ =	sdelay $0x1  }
.Ltmp2:
0x1a8: {  	v0 =	vadd.f32 v62, v0;
	(pc) =	sbr.rel @p0 .LBB2_3-.Ltmp2, $3  }
0x1a9: {  	_ = 	snop  }
0x1aa: {  	v0 =	vadd.f32 v3, v0;
	_ =	sdelay $0x1  }
0x1ab: {  	s12 =	simm.s32 $0x1;
	p1 =	por $0x0, $0x0;
	[tilespmem:v63+s1+$0x0 ss:$0x1] =	vst.idx.msk $0xffff, v0  }
0x1ac: {  	_ =	swait.ge [sflag:s31], $0x8000  }
0x1ad: {  	p0 =	seq.s32 s5, $0xF;
	[tilespmem:$0x1FC50] =	vst v4  }
0x1ae: {  	[sflag:s31] =	ssyncset.done $0x0;
	s1 =	sshll.u32 @!p0 s5, $0x6;
	[tilespmem:$0x1FC60] =	vst v6  }
0x1af: {  	[tilespmem:$0x1FC70] =	vst v7;
	[sflag:s31] =	ssyncadd.s32 $0xFFFF8000;
	s1 =	sand.u32 @!p0 $0x3FFFFFC0, s1  }
0x1b0: {  	[tilespmem:$0x1FC80] =	vst v8;
	v0 =	vld @!p0 [tilespmem:s1+$0x40]  }
0x1b1: {  	[tilespmem:$0x1FC90] =	vst v9  }
0x1b2: {  	[tilespmem:$0x1FCA0] =	vst v10  }
0x1b3: {  	[tilespmem:$0x1FCB0] =	vst v11  }
0x1b4: {  	[tilespmem:$0x1FCC0] =	vst v12  }
0x1b5: {  	[tilespmem:$0x1FCD0] =	vst v13;
	v1 =	vshll.u32 @!p0 v0, $0x3  }
0x1b6: {  	v2 =	vlaneseq.u32 @!p0;
	[tilespmem:$0x1FCE0] =	vst v14;
	v0 =	vand.u32 @!p0 $0x7, v0;
	v1 =	vand.u32 @!p0 $0xFFFFFFC0, v1  }
0x1b7: {  	[tilespmem:$0x1FCF0] =	vst v15;
	v3 =	vshrl.u32 @!p0 v2, $0x3;
	v0 =	vor.u32 @!p0 v0, v1;
	v1 =	vand.u32 @!p0 $0x7, v2  }
0x1b8: {  	[tilespmem:$0x1FD00] =	vst v16;
	v3 =	vmul.u32 @!p0 $0x8, v3;
	v5 =	vperm.xlane @!p0 v0, v1  }
0x1b9: {  	[tilespmem:$0x1FD10] =	vst v17  }
0x1ba: {  	[tilespmem:$0x1FD20] =	vst v18;
	v5 =	vadd.s32 @!p0 v3, v5  }
0x1bb: {  	[tilespmem:$0x1FD30] =	vst v19  }
0x1bc: {  	[tilespmem:$0x1FD40] =	vst v20  }
0x1bd: {  	[tilespmem:$0x1FD50] =	vst v21  }
0x1be: {  	vm1 =	vmmov @!p0 $0xffff;
	s3 =	simm.s32 @!p0 $0x0;
	s4 =	simm.s32 @!p0 $0x400;
	[tilespmem:$0x1FD60] =	vst v22  }
0x1bf: {  	v2 =	vor.u32 @!p0 $0x8, v2;
	[tilespmem:s4], [sflag:$0x1] =	stream.indirect_vreg.gather @!p0 [hbm4b:s2+s3], $0x80, v5, vm1, $0xb8;
	[tilespmem:$0x11F80] =	vst v63  }
0x1c0: {  	[tilespmem:$0x1FD70] =	vst v23;
	v0 =	vperm.xlane @!p0 v0, v2;
	s4 =	simm.s32 @!p0 $0xC00  }
0x1c1: {  	[tilespmem:s4], [sflag:$0x1] =	stream.indirect_vreg.gather @!p0 [hbm4b:s6+s3], $0x80, v5, vm1, $0xb8;
	[tilespmem:$0x11F80] =	vst v63  }
0x1c2: {  	[tilespmem:$0x1FD80] =	vst v24;
	v0 =	vadd.s32 @!p0 v3, v0;
	s4 =	simm.s32 @!p0 $0x1400  }
0x1c3: {  	[tilespmem:s4], [sflag:$0x1] =	stream.indirect_vreg.gather @!p0 [hbm4b:s7+s3], $0x80, v5, vm1, $0xb8;
	[tilespmem:$0x11F80] =	vst v63  }
0x1c4: {  	[tilespmem:$0x1FD90] =	vst v25;
	s4 =	simm.s32 @!p0 $0x1C00  }
0x1c5: {  	[tilespmem:s4], [sflag:$0x1] =	stream.indirect_vreg.gather @!p0 [hbm4b:s8+s3], $0x80, v5, vm1, $0xb8;
	[tilespmem:$0x11F80] =	vst v63  }
0x1c6: {  	[tilespmem:$0x1FDA0] =	vst v26;
	s4 =	simm.s32 @!p0 $0x2400  }
0x1c7: {  	[tilespmem:s4], [sflag:$0x1] =	stream.indirect_vreg.gather @!p0 [hbm4b:s2+s3], $0x80, v0, vm1, $0xb8;
	[tilespmem:$0x11F80] =	vst v63  }
0x1c8: {  	[tilespmem:$0x1FDB0] =	vst v27;
	s4 =	simm.s32 @!p0 $0x2C00  }
0x1c9: {  	[tilespmem:s4], [sflag:$0x1] =	stream.indirect_vreg.gather @!p0 [hbm4b:s6+s3], $0x80, v0, vm1, $0xb8;
	[tilespmem:$0x11F80] =	vst v63  }
0x1ca: {  	[tilespmem:$0x1FDC0] =	vst v28;
	s4 =	simm.s32 @!p0 $0x3400  }
0x1cb: {  	[tilespmem:s4], [sflag:$0x1] =	stream.indirect_vreg.gather @!p0 [hbm4b:s7+s3], $0x80, v0, vm1, $0xb8;
	[tilespmem:$0x11F80] =	vst v63  }
0x1cc: {  	[tilespmem:$0x1FDD0] =	vst v29;
	s4 =	simm.s32 @!p0 $0x3C00  }
0x1cd: {  	[tilespmem:s4], [sflag:$0x1] =	stream.indirect_vreg.gather @!p0 [hbm4b:s8+s3], $0x80, v0, vm1, $0xb8;
	[tilespmem:$0x11F80] =	vst v63  }
0x1ce: {  	[tilespmem:$0x1FDE0] =	vst v30;
	v0 =	vld @!p0 [tilespmem:s1+$0x50]  }
0x1cf: {  	[tilespmem:$0x1FDF0] =	vst v31  }
0x1d0: {  	[tilespmem:$0x1FE00] =	vst v32  }
0x1d1: {  	[tilespmem:$0x1FE10] =	vst v33  }
0x1d2: {  	[tilespmem:$0x1FE20] =	vst v34  }
0x1d3: {  	[tilespmem:$0x1FE30] =	vst v35;
	v5 =	vshll.u32 @!p0 v0, $0x3  }
0x1d4: {  	[tilespmem:$0x1FE40] =	vst v36;
	v0 =	vand.u32 @!p0 $0x7, v0;
	v5 =	vand.u32 @!p0 $0xFFFFFFC0, v5  }
0x1d5: {  	[tilespmem:$0x1FE50] =	vst v37;
	v0 =	vor.u32 @!p0 v0, v5  }
0x1d6: {  	[tilespmem:$0x1FE60] =	vst v38;
	v1 =	vperm.xlane @!p0 v0, v1  }
0x1d7: {  	[tilespmem:$0x1FE70] =	vst v39  }
0x1d8: {  	[tilespmem:$0x1FE80] =	vst v40;
	v1 =	vadd.s32 @!p0 v3, v1  }
0x1d9: {  	[tilespmem:$0x1FE90] =	vst v41  }
0x1da: {  	[tilespmem:$0x1FEA0] =	vst v42  }
0x1db: {  	[tilespmem:$0x1FEB0] =	vst v43  }
0x1dc: {  	[tilespmem:$0x1FEC0] =	vst v44;
	s1 =	simm.s32 @!p0 $0x4400  }
0x1dd: {  	[tilespmem:s1], [sflag:$0x1] =	stream.indirect_vreg.gather @!p0 [hbm4b:s2+s3], $0x80, v1, vm1, $0xb8;
	[tilespmem:$0x11F80] =	vst v63  }
0x1de: {  	[tilespmem:$0x1FED0] =	vst v45;
	v0 =	vperm.xlane @!p0 v0, v2;
	s1 =	simm.s32 @!p0 $0x4C00  }
0x1df: {  	[tilespmem:s1], [sflag:$0x1] =	stream.indirect_vreg.gather @!p0 [hbm4b:s6+s3], $0x80, v1, vm1, $0xb8;
	[tilespmem:$0x11F80] =	vst v63  }
0x1e0: {  	[tilespmem:$0x1FEE0] =	vst v46;
	v0 =	vadd.s32 @!p0 v3, v0;
	s1 =	simm.s32 @!p0 $0x5400  }
0x1e1: {  	[tilespmem:s1], [sflag:$0x1] =	stream.indirect_vreg.gather @!p0 [hbm4b:s7+s3], $0x80, v1, vm1, $0xb8;
	[tilespmem:$0x11F80] =	vst v63  }
0x1e2: {  	[tilespmem:$0x1FEF0] =	vst v47;
	s1 =	simm.s32 @!p0 $0x5C00  }
0x1e3: {  	[tilespmem:s1], [sflag:$0x1] =	stream.indirect_vreg.gather @!p0 [hbm4b:s8+s3], $0x80, v1, vm1, $0xb8;
	[tilespmem:$0x11F80] =	vst v63  }
0x1e4: {  	[tilespmem:$0x1FF00] =	vst v48;
	s1 =	simm.s32 @!p0 $0x6400  }
0x1e5: {  	[tilespmem:s1], [sflag:$0x1] =	stream.indirect_vreg.gather @!p0 [hbm4b:s2+s3], $0x80, v0, vm1, $0xb8;
	[tilespmem:$0x11F80] =	vst v63  }
0x1e6: {  	[tilespmem:$0x1FF10] =	vst v49;
	s1 =	simm.s32 @!p0 $0x6C00  }
0x1e7: {  	[tilespmem:s1], [sflag:$0x1] =	stream.indirect_vreg.gather @!p0 [hbm4b:s6+s3], $0x80, v0, vm1, $0xb8;
	[tilespmem:$0x11F80] =	vst v63  }
0x1e8: {  	s18 =	sand.u32 $0x380, s9;
	[tilespmem:$0x1FF20] =	vst v50;
	s1 =	simm.s32 @!p0 $0x7400  }
0x1e9: {  	[tilespmem:s1], [sflag:$0x1] =	stream.indirect_vreg.gather @!p0 [hbm4b:s7+s3], $0x80, v0, vm1, $0xb8;
	[tilespmem:$0x11F80] =	vst v63  }
0x1ea: {  	s19 =	sor.u32 $0x11400, s18;
	[tilespmem:$0x1FF30] =	vst v51;
	s1 =	simm.s32 @!p0 $0x7C00  }
0x1eb: {  	[tilespmem:s1], [sflag:$0x1] =	stream.indirect_vreg.gather @!p0 [hbm4b:s8+s3], $0x80, v0, vm1, $0xb8;
	[tilespmem:$0x11F80] =	vst v63  }
0x1ec: {  	[tilespmem:$0x1FF40] =	vst v52;
	v62 =	vmov s19;
	s1 =	sor.u32 $0x11800, s18  }
0x1ed: {  	[tilespmem:$0x1FC30] =	vst v62;
	v63 =	vmov s1  }
0x1ee: {  	s10 =	simm.s32 $0x0;
	p1 =	por $0x1, $0x1;
	s11 =	simm.s32 $0x0;
	[tilespmem:$0x1FC40] =	vst v63  }
.LBB2_9:
0x1ef: {  	s1 =	sshll.u32 s11, $0xE;
	s3 =	simm.s32 $0x10400  }
0x1f0: {  	s4 =	sand.u32 $0x3FFFC000, s1;
	v0 =	vld [tilespmem:s3+$0x410]  }
0x1f1: {  	v55 =	vld [tilespmem:s3+$0x0];
	s1 =	sadd.s32 $0x8400, s4  }
0x1f2: {  	s18 =	simm.s32 $0x0;
	s14 =	simm.s32 $0x10;
	v54 =	vld [tilespmem:s3+$0x810];
	[dreg:$0x5] =	wrdreg s1  }
0x1f3: {  	s15 =	sand.u32 $0x1C00, s10;
	s13 =	sand.u32 $0x3E0, s18;
	v57 =	vld [tilespmem:s3+$0x10];
	s12 =	rddreg [dreg:$0x5]  }
0x1f4: {  	s14 =	sand.u32 $0x70, s14;
	v61 =	vld [tilespmem:s13+$0x10800];
	s12 =	sadd.s32 s15, s12  }
0x1f5: {  	v10 =	vld [tilespmem:s13+$0x10C00];
	s19 =	sadd.s32 s14, s12  }
0x1f6: {  	v3 =	vld [tilespmem:s19+$0x180]  }
0x1f7: {  	v2 =	vld [tilespmem:s19+$0x0]  }
0x1f8: {  	v5 =	vld [tilespmem:s19+$0x200]  }
0x1f9: {  	v7 =	vld [tilespmem:s19+$0x380]  }
0x1fa: {  	s1 =	sand.u32 $0x60, s18;
	v11 =	vld [tilespmem:s19+$0x80]  }
0x1fb: {  	s1 =	sadd.s32 s1, s12;
	v56 =	vld [tilespmem:s19+$0x100]  }
0x1fc: {  	v6 =	vld [tilespmem:s1+$0x200];
	v62 =	vmul.f32 v3, v0  }
0x1fd: {  	v63 =	vld [tilespmem:s19+$0x280];
	v13 =	vmul.f32 v3, v54;
	v1 =	vmul.f32 v2, v0  }
0x1fe: {  	v12 =	vld [tilespmem:s1+$0x0];
	v52 =	vmul.f32 v2, v54;
	v3 =	vmul.f32 v3, v57  }
0x1ff: {  	v18 =	vld [tilespmem:s1+$0x180];
	v14 =	vmul.f32 v5, v54;
	v60 =	vmul.f32 v5, v0  }
0x200: {  	v34 =	vld [tilespmem:s1+$0x380];
	v5 =	vmul.f32 v5, v57;
	v8 =	vmul.f32 v11, v0  }
0x201: {  	v19 =	vld [tilespmem:s1+$0x80];
	v26 =	vmul.f32 v56, v0;
	v16 =	vmul.f32 v7, v0  }
0x202: {  	v21 =	vld [tilespmem:s1+$0x100];
	v17 =	vmul.f32 v6, v10;
	v15 =	vmul.f32 v7, v57  }
0x203: {  	v24 =	vld [tilespmem:s1+$0x300];
	v20 =	vmul.f32 v6, v55;
	v9 =	vmul.f32 v6, v61  }
0x204: {  	v6 =	vmul.f32 v63, v57;
	v53 =	vmul.f32 v7, v54  }
0x205: {  	v28 =	vld [tilespmem:s1+$0x280];
	v7 =	vmul.f32 v18, v10;
	v22 =	vmul.f32 v12, v10  }
0x206: {  	v25 =	vmul.f32 v34, v10;
	v41 =	vmul.f32 v11, v57  }
0x207: {  	v39 =	vmul.f32 v12, v61;
	v29 =	vmul.f32 v19, v10  }
0x208: {  	v31 =	vmul.f32 v21, v55;
	v30 =	vmul.f32 v24, v10  }
0x209: {  	v23 =	vimm.f32 $0.0e+00;
	v32 =	vmul.f32 v11, v54;
	v11 =	vmul.f32 v34, v61  }
0x20a: {  	v44 =	vimm.f32 $0.0e+00;
	v40 =	vmul.f32 v28, v10;
	v47 =	vmul.f32 v19, v61  }
0x20b: {  	v35 =	vimm.f32 $0.0e+00;
	v46 =	vmul.f32 v28, v61;
	v49 =	vmul.f32 v19, v55  }
0x20c: {  	v48 =	vmul.f32 v28, v55;
	v45 =	vmul.f32 v63, v0;
	v17 =	vadd.f32 v17, v23  }
0x20d: {  	v28 =	vimm.f32 $0.0e+00;
	v27 =	vadd.f32 v7, v23;
	v37 =	vadd.f32 v20, v23  }
0x20e: {  	v19 =	vimm.f32 $0.0e+00;
	v43 =	vadd.f32 v22, v23;
	v33 =	vadd.f32 v29, v23  }
0x20f: {  	v7 =	vld [tilespmem:s19+$0x300];
	v20 =	vmul.f32 v24, v55;
	v11 =	vadd.f32 v11, v23;
	v31 =	vadd.f32 v31, v23  }
0x210: {  	v29 =	vimm.f32 $0.0e+00;
	v22 =	vimm.f32 $0.0e+00;
	v4 =	vadd.f32 v14, v17  }
0x211: {  	v14 =	vmul.f32 v21, v10;
	v38 =	vadd.f32 v20, v23;
	v20 =	vimm.f32 $0.0e+00  }
0x212: {  	v10 =	vimm.f32 $0.0e+00;
	[tilespmem:$0x1FC10] =	vst v4;
	v4 =	vadd.f32 v13, v27;
	v13 =	vmul.f32 v21, v61  }
0x213: {  	v27 =	vadd.f32 v25, v23;
	v25 =	vimm.f32 $0.0e+00;
	v21 =	vimm.f32 $0.0e+00  }
0x214: {  	p0 =	por p1, p1;
	s3 =	simm.s32 $0x100;
	v17 =	vmul.f32 v7, v0;
	v0 =	vadd.f32 v16, v11;
	v11 =	vimm.f32 $0.0e+00  }
0x215: {  	s13 =	simm.s32 $0x30;
	s12 =	simm.s32 $0x0;
	s1 =	simm.s32 $0x10420;
	v16 =	vimm.f32 $0.0e+00;
	[tilespmem:$0x1FC20] =	vst v4;
	v42 =	vadd.f32 v13, v23;
	v13 =	vimm.f32 $0.0e+00  }
.LBB2_10:
0x216: {  	v27 =	vadd.f32 v53, v27  }
0x217: {  	v36 =	vld [tilespmem:s1+$0x410];
	v37 =	vadd.f32 v5, v37;
	v23 =	vadd.f32 v49, v23  }
0x218: {  	s14 =	sadd.s32 $0xFFFFFFF0, s13;
	v58 =	vld [tilespmem:s1+$0x0];
	v44 =	vadd.f32 v48, v44;
	v42 =	vadd.f32 v26, v42  }
0x219: {  	v34 =	vmul.f32 v34, v55;
	s17 =	sand.u32 $0x3E0, s14;
	v43 =	vadd.f32 v52, v43;
	v26 =	vld [tilespmem:s1+$0x810];
	v20 =	vadd.f32 v47, v20  }
0x21a: {  	s15 =	rddreg [dreg:$0x5];
	s19 =	sand.u32 $0x1C00, s3;
	v24 =	vmul.f32 v24, v61;
	v11 =	vadd.f32 v46, v11;
	v13 =	vadd.f32 v40, v13;
	v59 =	vld [tilespmem:s17+$0x10800]  }
0x21b: {  	s18 =	sand.u32 $0x70, s13;
	v50 =	vmul.f32 v2, v57;
	s16 =	sand.u32 $0x60, s14;
	s15 =	sadd.s32 s19, s15;
	v25 =	vadd.f32 v39, v25;
	v28 =	vadd.f32 v34, v28;
	v34 =	vld [tilespmem:s1+$0x10]  }
0x21c: {  	v48 =	vmul.f32 v18, v61;
	v21 =	vadd.f32 v30, v21;
	s14 =	sadd.s32 s16, s15;
	s15 =	sadd.s32 s18, s15;
	v11 =	vadd.f32 v45, v11;
	v45 =	vld [tilespmem:s17+$0x10C00]  }
0x21d: {  	v46 =	vmul.f32 v56, v54;
	v33 =	vadd.f32 v32, v33;
	v10 =	vadd.f32 v14, v10;
	v39 =	vld [tilespmem:s15+$0x180]  }
0x21e: {  	v18 =	vmul.f32 v18, v55;
	v19 =	vadd.f32 v48, v19;
	v23 =	vadd.f32 v41, v23;
	v41 =	vld [tilespmem:s15+$0x0]  }
0x21f: {  	v30 =	vmul.f32 v7, v57;
	v20 =	vadd.f32 v8, v20;
	v25 =	vadd.f32 v1, v25;
	v49 =	vld [tilespmem:s15+$0x380]  }
0x220: {  	v7 =	vmul.f32 v7, v54;
	v1 =	vadd.f32 v9, v16;
	v32 =	vld [tilespmem:s15+$0x80];
	v5 =	vadd.f32 v18, v29  }
0x221: {  	v40 =	vmul.f32 v56, v57;
	v56 =	vld [tilespmem:s15+$0x100];
	v44 =	vadd.f32 v6, v44;
	v6 =	vadd.f32 v24, v22  }
0x222: {  	v8 =	vmul.f32 v63, v54;
	v9 =	vld [tilespmem:s14+$0x200];
	v21 =	vadd.f32 v7, v21;
	v38 =	vadd.f32 v30, v38  }
0x223: {  	v48 =	vmul.f32 v12, v55;
	v63 =	vld [tilespmem:s15+$0x280];
	v10 =	vadd.f32 v46, v10;
	v28 =	vadd.f32 v15, v28;
	v54 =	vmovc v26  }
0x224: {  	v12 =	vld [tilespmem:s14+$0x0];
	v19 =	vadd.f32 v62, v19;
	v62 =	vmul.f32 v39, v36;
	v47 =	vmul.f32 v39, v54  }
0x225: {  	v18 =	vld [tilespmem:s14+$0x180];
	v16 =	vadd.f32 v60, v1;
	v57 =	vmovc v34;
	v1 =	vmul.f32 v41, v36;
	v52 =	vmul.f32 v41, v54  }
0x226: {  	v24 =	vld [tilespmem:s14+$0x300];
	v13 =	vadd.f32 v8, v13;
	v26 =	vmul.f32 v39, v57;
	v8 =	vmul.f32 v32, v36  }
0x227: {  	v15 =	vld [tilespmem:s15+$0x200];
	v55 =	vmovc v58;
	v61 =	vmov v59;
	v4 =	vmul.f32 v49, v36;
	v7 =	vmul.f32 v9, v45  }
0x228: {  	v46 =	vld [tilespmem:$0x1FC20];
	v30 =	vadd.f32 v48, v35;
	v58 =	vmul.f32 v9, v55;
	v9 =	vmul.f32 v9, v61  }
0x229: {  	v22 =	vadd.f32 v17, v6;
	v17 =	vld [tilespmem:$0x1FC10];
	v6 =	vmul.f32 v63, v57;
	v53 =	vmul.f32 v49, v54  }
0x22a: {  	v48 =	vld [tilespmem:s14+$0x80];
	v35 =	vadd.f32 v50, v30;
	v14 =	vmul.f32 v18, v45;
	v30 =	vmul.f32 v12, v45  }
0x22b: {  	v34 =	vld [tilespmem:s14+$0x380];
	v2 =	vmov v41;
	v41 =	vmul.f32 v32, v57;
	v39 =	vmul.f32 v12, v61  }
0x22c: {  	v31 =	vadd.f32 v40, v31;
	v59 =	vld [tilespmem:s14+$0x100];
	v32 =	vmul.f32 v32, v54;
	v51 =	vmul.f32 v15, v54  }
0x22d: {  	v29 =	vadd.f32 v3, v5;
	v50 =	vld [tilespmem:s14+$0x280];
	v60 =	vmul.f32 v15, v36;
	v5 =	vmul.f32 v15, v57  }
0x22e: {  	v15 =	vmul.f32 v49, v57;
	v3 =	vmovc v26;
	v26 =	vmul.f32 v56, v36;
	v17 =	vadd.f32 v7, v17  }
0x22f: {  	v14 =	vadd.f32 v14, v46;
	v46 =	vmul.f32 v48, v45;
	v37 =	vadd.f32 v58, v37  }
0x230: {  	v7 =	vld [tilespmem:s15+$0x300];
	v43 =	vadd.f32 v30, v43;
	v30 =	vmul.f32 v24, v45;
	v58 =	vmul.f32 v24, v55  }
0x231: {  	s12 =	sadd.s32 $0x2, s12;
	v49 =	vmul.f32 v34, v45;
	v17 =	vadd.f32 v51, v17;
	v51 =	vmul.f32 v59, v55  }
0x232: {  	p1 =	slt.u32 s12, $0x3E;
	v14 =	vadd.f32 v47, v14;
	v33 =	vadd.f32 v46, v33;
	v40 =	vmul.f32 v50, v45  }
.Ltmp3:
0x233: {  	v47 =	vmul.f32 v48, v61;
	v27 =	vadd.f32 v49, v27;
	v49 =	vmul.f32 v34, v61;
	(pc) =	sbr.rel @p1 .LBB2_10-.Ltmp3, $4  }
0x234: {  	v46 =	vmul.f32 v50, v61;
	v38 =	vadd.f32 v58, v38;
	[tilespmem:$0x1FC20] =	vst v14;
	v14 =	vmul.f32 v59, v61  }
0x235: {  	[tilespmem:$0x1FC10] =	vst v17;
	v31 =	vadd.f32 v51, v31;
	v17 =	vmul.f32 v7, v36;
	v0 =	vadd.f32 v49, v0  }
0x236: {  	v42 =	vadd.f32 v14, v42;
	v14 =	vmul.f32 v59, v45;
	v49 =	vmul.f32 v48, v55  }
0x237: {  	s3 =	sadd.s32 $0x100, s3;
	s13 =	sadd.s32 $0x20, s13;
	s1 =	sadd.s32 $0x20, s1;
	v48 =	vmul.f32 v50, v55;
	v45 =	vmul.f32 v63, v36;
	v0 =	vadd.f32 v4, v0  }
0x238: {  	v4 =	vmul.f32 v12, v55;
	_ =	sdelay $0x1  }
0x239: {  	v2 =	vmul.f32 v2, v57;
	v4 =	vadd.f32 v4, v35  }
0x23a: {  	v12 =	vadd.f32 v49, v23;
	v23 =	vmul.f32 v18, v55  }
0x23b: {  	v2 =	vadd.f32 v2, v4  }
0x23c: {  	v4 =	vadd.f32 v41, v12;
	v12 =	vadd.f32 v23, v29;
	_ =	sdelay $0x1  }
0x23d: {  	[tilespmem:$0x11C00] =	vst v2;
	v2 =	vadd.f32 v48, v44;
	v3 =	vadd.f32 v3, v12  }
0x23e: {  	v5 =	vadd.f32 v5, v37;
	[tilespmem:$0x11C11] =	vst v4;
	v4 =	vmul.f32 v7, v57  }
0x23f: {  	v2 =	vadd.f32 v6, v2;
	[tilespmem:$0x11C33] =	vst v3;
	v3 =	vadd.f32 v39, v25  }
0x240: {  	[tilespmem:$0x11C44] =	vst v5;
	v4 =	vadd.f32 v4, v38;
	v6 =	vadd.f32 v47, v20  }
0x241: {  	[tilespmem:$0x11C55] =	vst v2;
	v1 =	vadd.f32 v1, v3  }
0x242: {  	[tilespmem:$0x11C66] =	vst v4;
	v3 =	vadd.f32 v8, v6;
	v6 =	vadd.f32 v9, v16  }
0x243: {  	v4 =	vadd.f32 v26, v42;
	[tilespmem:$0x11D10] =	vst v1;
	v1 =	vadd.f32 v46, v11  }
0x244: {  	v5 =	vmul.f32 v18, v61;
	[tilespmem:$0x11D21] =	vst v3;
	v3 =	vadd.f32 v60, v6  }
0x245: {  	[tilespmem:$0x11D32] =	vst v4;
	v1 =	vadd.f32 v45, v1  }
0x246: {  	v2 =	vadd.f32 v5, v19;
	v5 =	vmul.f32 v24, v61;
	[tilespmem:$0x11D54] =	vst v3  }
0x247: {  	v4 =	vadd.f32 v14, v10;
	v3 =	vmul.f32 v56, v54;
	[tilespmem:$0x11D65] =	vst v1;
	v1 =	vadd.f32 v52, v43  }
0x248: {  	[tilespmem:$0x11D87] =	vst v0;
	v2 =	vadd.f32 v62, v2;
	v5 =	vadd.f32 v5, v22  }
0x249: {  	v0 =	vadd.f32 v3, v4;
	v3 =	vmul.f32 v63, v54;
	[tilespmem:$0x11E20] =	vst v1;
	v1 =	vadd.f32 v40, v13  }
0x24a: {  	[tilespmem:$0x11D43] =	vst v2;
	v2 =	vadd.f32 v17, v5  }
0x24b: {  	[tilespmem:$0x11E42] =	vst v0;
	v0 =	vadd.f32 v3, v1;
	v1 =	vld [tilespmem:$0x1FC20]  }
0x24c: {  	[tilespmem:$0x11D76] =	vst v2;
	v2 =	vadd.f32 v32, v33  }
0x24d: {  	v29 =	vmul.f32 v34, v55  }
0x24e: {  	v59 =	vmul.f32 v56, v57;
	v4 =	vmul.f32 v7, v54;
	[tilespmem:$0x11E31] =	vst v2;
	v2 =	vadd.f32 v30, v21  }
0x24f: {  	v12 =	vadd.f32 v29, v28  }
0x250: {  	v23 =	vadd.f32 v59, v31;
	[tilespmem:$0x11E53] =	vst v1;
	v1 =	vadd.f32 v4, v2;
	v2 =	vld [tilespmem:$0x1FC10]  }
0x251: {  	v12 =	vadd.f32 v15, v12  }
0x252: {  	[tilespmem:$0x11C22] =	vst v23  }
0x253: {  	[tilespmem:$0x11C77] =	vst v12  }
0x254: {  	[tilespmem:$0x11E75] =	vst v0  }
0x255: {  	[tilespmem:$0x11E64] =	vst v2;
	v2 =	vadd.f32 v53, v27  }
0x256: {  	[tilespmem:$0x11E86] =	vst v1  }
0x257: {  	s3 =	simm.s32 $0x10400;
	[tilespmem:$0x11E97] =	vst v2  }
0x258: {  	v0 =	vld [tilespmem:s3+$0x410]  }
0x259: {  	s1 =	sadd.s32 $0xA400, s4;
	s16 =	simm.s32 $0x0;
	v55 =	vld [tilespmem:s3+$0x0]  }
0x25a: {  	s12 =	simm.s32 $0x0;
	[dreg:$0x6] =	wrdreg s1;
	s13 =	sand.u32 $0x3E0, s16;
	v54 =	vld [tilespmem:s3+$0x810]  }
0x25b: {  	s14 =	simm.s32 $0x10;
	s12 =	sand.u32 $0x1C00, s12;
	s17 =	rddreg [dreg:$0x6];
	v61 =	vld [tilespmem:s13+$0x10800]  }
0x25c: {  	s18 =	sand.u32 $0x70, s14;
	s4 =	sadd.s32 s12, s17;
	v57 =	vld [tilespmem:s3+$0x10]  }
0x25d: {  	s19 =	sadd.s32 s18, s4;
	v4 =	vld [tilespmem:s13+$0x10C00]  }
0x25e: {  	v3 =	vld [tilespmem:s19+$0x180]  }
0x25f: {  	v2 =	vld [tilespmem:s19+$0x0]  }
0x260: {  	v5 =	vld [tilespmem:s19+$0x200]  }
0x261: {  	v7 =	vld [tilespmem:s19+$0x380]  }
0x262: {  	s1 =	sand.u32 $0x60, s16;
	v10 =	vld [tilespmem:s19+$0x80]  }
0x263: {  	s1 =	sadd.s32 s1, s4;
	v56 =	vld [tilespmem:s19+$0x100]  }
0x264: {  	v6 =	vld [tilespmem:s1+$0x200];
	v51 =	vmul.f32 v3, v0;
	v11 =	vmul.f32 v3, v54  }
0x265: {  	v63 =	vld [tilespmem:s19+$0x280];
	v1 =	vmul.f32 v2, v0;
	v8 =	vmul.f32 v2, v54  }
0x266: {  	v12 =	vld [tilespmem:s1+$0x0];
	v3 =	vmul.f32 v3, v57;
	v13 =	vmul.f32 v5, v54  }
0x267: {  	v16 =	vld [tilespmem:s1+$0x180];
	v50 =	vmul.f32 v5, v0;
	v5 =	vmul.f32 v5, v57  }
0x268: {  	v34 =	vld [tilespmem:s1+$0x380];
	v15 =	vmul.f32 v10, v0;
	v26 =	vmul.f32 v56, v0  }
0x269: {  	v19 =	vld [tilespmem:s1+$0x80];
	v17 =	vmul.f32 v7, v0;
	v14 =	vmul.f32 v6, v4  }
0x26a: {  	v24 =	vld [tilespmem:s1+$0x300];
	v53 =	vmul.f32 v7, v57;
	v18 =	vmul.f32 v6, v55  }
0x26b: {  	v9 =	vmul.f32 v6, v61;
	v6 =	vmul.f32 v63, v57  }
0x26c: {  	v25 =	vld [tilespmem:s1+$0x280];
	v52 =	vmul.f32 v7, v54;
	v7 =	vmul.f32 v16, v4  }
0x26d: {  	v21 =	vmul.f32 v12, v4;
	v23 =	vmul.f32 v34, v4  }
0x26e: {  	v41 =	vmul.f32 v10, v57;
	v39 =	vmul.f32 v12, v61  }
0x26f: {  	v36 =	vimm.f32 $0.0e+00;
	v28 =	vmul.f32 v19, v4;
	v30 =	vmul.f32 v24, v4  }
0x270: {  	v44 =	vimm.f32 $0.0e+00;
	v32 =	vmul.f32 v10, v54;
	v10 =	vmul.f32 v34, v61  }
0x271: {  	v29 =	vimm.f32 $0.0e+00;
	v40 =	vmul.f32 v25, v4;
	v47 =	vmul.f32 v19, v61  }
0x272: {  	v22 =	vimm.f32 $0.0e+00;
	v20 =	vld [tilespmem:s1+$0x100];
	v46 =	vmul.f32 v25, v61;
	v49 =	vmul.f32 v19, v55  }
0x273: {  	v48 =	vmul.f32 v25, v55;
	v45 =	vmul.f32 v63, v0;
	v19 =	vimm.f32 $0.0e+00  }
0x274: {  	v25 =	vimm.f32 $0.0e+00;
	v14 =	vadd.f32 v14, v22;
	v27 =	vadd.f32 v7, v22  }
0x275: {  	v37 =	vadd.f32 v18, v22;
	v43 =	vadd.f32 v21, v22;
	v21 =	vmul.f32 v24, v55  }
0x276: {  	v7 =	vld [tilespmem:s19+$0x300];
	v33 =	vadd.f32 v28, v22;
	v10 =	vadd.f32 v10, v22;
	v28 =	vimm.f32 $0.0e+00  }
0x277: {  	v60 =	vadd.f32 v13, v14;
	v13 =	vmul.f32 v20, v55;
	v62 =	vadd.f32 v11, v27  }
0x278: {  	v11 =	vmul.f32 v20, v61;
	v27 =	vadd.f32 v23, v22;
	v14 =	vmul.f32 v20, v4  }
0x279: {  	v38 =	vadd.f32 v21, v22;
	v23 =	vimm.f32 $0.0e+00;
	v21 =	vimm.f32 $0.0e+00  }
0x27a: {  	v20 =	vimm.f32 $0.0e+00;
	v42 =	vadd.f32 v11, v22;
	v31 =	vadd.f32 v13, v22  }
0x27b: {  	s12 =	simm.s32 $0x30;
	v11 =	vimm.f32 $0.0e+00;
	v13 =	vimm.f32 $0.0e+00;
	v18 =	vmul.f32 v7, v0  }
0x27c: {  	s4 =	simm.s32 $0x0;
	s3 =	simm.s32 $0x100;
	s1 =	simm.s32 $0x10420;
	v0 =	vadd.f32 v17, v10;
	v17 =	vimm.f32 $0.0e+00;
	v10 =	vimm.f32 $0.0e+00  }
.LBB2_12:
0x27d: {  	v27 =	vadd.f32 v52, v27;
	v37 =	vadd.f32 v5, v37  }
0x27e: {  	v35 =	vld [tilespmem:s1+$0x410];
	v4 =	vadd.f32 v49, v22;
	v44 =	vadd.f32 v48, v44  }
0x27f: {  	s13 =	sadd.s32 $0xFFFFFFF0, s12;
	v58 =	vld [tilespmem:s1+$0x0];
	v34 =	vmul.f32 v34, v55;
	v42 =	vadd.f32 v26, v42;
	v43 =	vadd.f32 v8, v43  }
0x280: {  	s14 =	rddreg [dreg:$0x6];
	s19 =	sand.u32 $0x1C00, s3;
	v24 =	vmul.f32 v24, v61;
	s16 =	sand.u32 $0x3E0, s13;
	v26 =	vld [tilespmem:s1+$0x810];
	v23 =	vadd.f32 v47, v23;
	v25 =	vadd.f32 v39, v25  }
0x281: {  	s17 =	sand.u32 $0x70, s12;
	v22 =	vmul.f32 v16, v61;
	s15 =	sand.u32 $0x60, s13;
	s14 =	sadd.s32 s19, s14;
	v21 =	vadd.f32 v30, v21;
	v33 =	vadd.f32 v32, v33;
	v59 =	vld [tilespmem:s16+$0x10800]  }
0x282: {  	v16 =	vmul.f32 v16, v55;
	v10 =	vadd.f32 v14, v10;
	v28 =	vadd.f32 v34, v28;
	s13 =	sadd.s32 s15, s14;
	v34 =	vld [tilespmem:s1+$0x10];
	s14 =	sadd.s32 s17, s14  }
0x283: {  	v30 =	vmul.f32 v7, v57;
	v19 =	vadd.f32 v22, v19;
	v23 =	vadd.f32 v15, v23;
	v39 =	vld [tilespmem:s14+$0x180]  }
0x284: {  	v7 =	vmul.f32 v7, v54;
	v22 =	vadd.f32 v41, v4;
	v15 =	vld [tilespmem:s14+$0x200];
	v5 =	vadd.f32 v16, v29  }
0x285: {  	v49 =	vmul.f32 v2, v57;
	v48 =	vld [tilespmem:s14+$0x380];
	v44 =	vadd.f32 v6, v44;
	v11 =	vadd.f32 v46, v11  }
0x286: {  	v4 =	vmul.f32 v56, v57;
	v32 =	vld [tilespmem:s14+$0x80];
	v6 =	vadd.f32 v24, v20;
	v38 =	vadd.f32 v30, v38  }
0x287: {  	v41 =	vmul.f32 v12, v55;
	v12 =	vld [tilespmem:s13+$0x0];
	v13 =	vadd.f32 v40, v13;
	v8 =	vadd.f32 v45, v11  }
0x288: {  	v46 =	vmul.f32 v56, v54;
	v40 =	vld [tilespmem:s14+$0x0];
	v28 =	vadd.f32 v53, v28;
	v25 =	vadd.f32 v1, v25  }
0x289: {  	v1 =	vadd.f32 v9, v17;
	v9 =	vld [tilespmem:s13+$0x200];
	v57 =	vmov v34;
	[tilespmem:$0x1FBE0] =	vst v8;
	v8 =	vmul.f32 v63, v54  }
0x28a: {  	v56 =	vld [tilespmem:s14+$0x100];
	v19 =	vadd.f32 v51, v19;
	v54 =	vmovc v26;
	v26 =	vmul.f32 v39, v57;
	v17 =	vmul.f32 v15, v57  }
0x28b: {  	v51 =	vld [tilespmem:s13+$0x80];
	v1 =	vadd.f32 v50, v1;
	v50 =	vmul.f32 v48, v35;
	v53 =	vmul.f32 v48, v57  }
0x28c: {  	v30 =	vadd.f32 v41, v36;
	v45 =	vld [tilespmem:s16+$0x10C00];
	v41 =	vmul.f32 v32, v57;
	v47 =	vmul.f32 v39, v54  }
0x28d: {  	v16 =	vld [tilespmem:s13+$0x180];
	v55 =	vmov v58;
	[tilespmem:$0x1FBF0] =	vst v1;
	v1 =	vmul.f32 v40, v35;
	v11 =	vmul.f32 v40, v54  }
0x28e: {  	v29 =	vadd.f32 v3, v5;
	v61 =	vmovc v59;
	v58 =	vmul.f32 v9, v55;
	v52 =	vmul.f32 v48, v54  }
0x28f: {  	v24 =	vld [tilespmem:s13+$0x300];
	v2 =	vadd.f32 v8, v13;
	v13 =	vmul.f32 v39, v35;
	v5 =	vmovc v26;
	v26 =	vmul.f32 v56, v35  }
0x290: {  	v34 =	vld [tilespmem:s13+$0x380];
	v36 =	vadd.f32 v49, v30;
	v39 =	vmul.f32 v12, v61;
	v49 =	vmul.f32 v51, v55  }
0x291: {  	v21 =	vadd.f32 v7, v21;
	v59 =	vld [tilespmem:s13+$0x100];
	[tilespmem:$0x1FC00] =	vst v1;
	v1 =	vmul.f32 v15, v35;
	v7 =	vmul.f32 v9, v45  }
0x292: {  	v20 =	vadd.f32 v18, v6;
	v63 =	vld [tilespmem:s14+$0x280];
	v9 =	vmul.f32 v9, v61;
	v14 =	vmul.f32 v16, v45  }
0x293: {  	v4 =	vadd.f32 v4, v31;
	v30 =	vmul.f32 v12, v45;
	v31 =	vmul.f32 v51, v45  }
0x294: {  	v37 =	vadd.f32 v58, v37;
	v58 =	vmul.f32 v24, v55;
	v8 =	vmovc v40;
	v40 =	vmul.f32 v15, v54  }
0x295: {  	v10 =	vadd.f32 v46, v10;
	v15 =	vmul.f32 v32, v35;
	v48 =	vmul.f32 v34, v45  }
0x296: {  	[tilespmem:$0x1FBD0] =	vst v2;
	v2 =	vmul.f32 v59, v55;
	v32 =	vmul.f32 v32, v54;
	v18 =	vadd.f32 v7, v60  }
0x297: {  	v6 =	vmul.f32 v63, v57;
	v60 =	vld [tilespmem:s13+$0x280];
	v14 =	vadd.f32 v14, v62;
	v43 =	vadd.f32 v30, v43  }
0x298: {  	s4 =	sadd.s32 $0x2, s4;
	v7 =	vld [tilespmem:s14+$0x300];
	v30 =	vmul.f32 v24, v45;
	v33 =	vadd.f32 v31, v33;
	v38 =	vadd.f32 v58, v38  }
0x299: {  	p1 =	slt.u32 s4, $0x3E;
	v27 =	vadd.f32 v48, v27;
	v48 =	vmul.f32 v34, v61;
	v31 =	vadd.f32 v2, v4  }
.Ltmp4:
0x29a: {  	v3 =	vadd.f32 v40, v18;
	v62 =	vadd.f32 v47, v14;
	v14 =	vmul.f32 v59, v61;
	(pc) =	sbr.rel @p1 .LBB2_12-.Ltmp4, $4  }
0x29b: {  	v47 =	vmul.f32 v51, v61;
	v51 =	vmovc v13;
	v13 =	vld [tilespmem:$0x1FBD0];
	v0 =	vadd.f32 v48, v0;
	v2 =	vmov v8  }
0x29c: {  	v8 =	vmovc v11;
	v11 =	vld [tilespmem:$0x1FBE0];
	v42 =	vadd.f32 v14, v42;
	v14 =	vmul.f32 v59, v45;
	v40 =	vmul.f32 v60, v45  }
0x29d: {  	v18 =	vmul.f32 v7, v35;
	v46 =	vmul.f32 v60, v61;
	v0 =	vadd.f32 v50, v0;
	v50 =	vmovc v1;
	v1 =	vld [tilespmem:$0x1FC00]  }
0x29e: {  	s3 =	sadd.s32 $0x100, s3;
	s12 =	sadd.s32 $0x20, s12;
	s1 =	sadd.s32 $0x20, s1;
	v48 =	vmul.f32 v60, v55;
	v60 =	vmovc v3;
	v45 =	vmul.f32 v63, v35;
	v3 =	vmovc v5;
	v5 =	vmov v17;
	v17 =	vld [tilespmem:$0x1FBF0]  }
0x29f: {  	v4 =	vmul.f32 v12, v55;
	v49 =	vadd.f32 v49, v22;
	[tilespmem:$0x11E0F] =	vst v0  }
0x2a0: {  	v2 =	vmul.f32 v2, v57;
	v5 =	vadd.f32 v5, v37;
	v47 =	vadd.f32 v47, v23;
	[tilespmem:$0x11EDB] =	vst v62  }
0x2a1: {  	v58 =	vmul.f32 v16, v55;
	[tilespmem:$0x11EEC] =	vst v60;
	v23 =	vadd.f32 v52, v27;
	v35 =	vadd.f32 v48, v44  }
0x2a2: {  	v59 =	vmul.f32 v56, v57;
	v44 =	vadd.f32 v39, v25;
	v12 =	vadd.f32 v41, v49;
	[tilespmem:$0x11CCC] =	vst v5  }
0x2a3: {  	v4 =	vadd.f32 v4, v36;
	v36 =	vmul.f32 v34, v55;
	v55 =	vadd.f32 v26, v42;
	[tilespmem:$0x11F1F] =	vst v23  }
0x2a4: {  	v37 =	vmul.f32 v7, v57;
	v57 =	vmul.f32 v24, v61;
	v1 =	vadd.f32 v1, v44;
	[tilespmem:$0x11C99] =	vst v12  }
0x2a5: {  	v22 =	vadd.f32 v58, v29;
	v2 =	vadd.f32 v2, v4;
	[tilespmem:$0x11DBA] =	vst v55  }
0x2a6: {  	v5 =	vadd.f32 v57, v20;
	v4 =	vadd.f32 v59, v31;
	[tilespmem:$0x11D98] =	vst v1  }
0x2a7: {  	v3 =	vadd.f32 v3, v22;
	[tilespmem:$0x11C88] =	vst v2  }
0x2a8: {  	v58 =	vadd.f32 v9, v17;
	v9 =	vadd.f32 v18, v5;
	[tilespmem:$0x11CAA] =	vst v4  }
0x2a9: {  	v59 =	vadd.f32 v46, v11;
	v11 =	vadd.f32 v8, v43;
	[tilespmem:$0x11CBB] =	vst v3  }
0x2aa: {  	v41 =	vadd.f32 v36, v28;
	v2 =	vadd.f32 v6, v35;
	[tilespmem:$0x11DFE] =	vst v9  }
0x2ab: {  	v4 =	vadd.f32 v37, v38;
	[tilespmem:$0x11EA8] =	vst v11  }
0x2ac: {  	v48 =	vadd.f32 v53, v41;
	[tilespmem:$0x11CDD] =	vst v2  }
0x2ad: {  	v53 =	vadd.f32 v15, v47;
	[tilespmem:$0x11CEE] =	vst v4  }
0x2ae: {  	v49 =	vmul.f32 v16, v61;
	v61 =	vadd.f32 v50, v58;
	[tilespmem:$0x11CFF] =	vst v48  }
0x2af: {  	v24 =	vld [tilespmem:$0x1FC50];
	v12 =	vadd.f32 v14, v10;
	v14 =	vmul.f32 v56, v54;
	v1 =	vadd.f32 v45, v59;
	[tilespmem:$0x11DA9] =	vst v53  }
0x2b0: {  	v25 =	vld [tilespmem:$0x1FC60];
	v17 =	vadd.f32 v40, v13;
	v18 =	vmul.f32 v63, v54;
	v15 =	vadd.f32 v32, v33;
	[tilespmem:$0x11DDC] =	vst v61  }
0x2b1: {  	v16 =	vadd.f32 v14, v12;
	v2 =	vadd.f32 v49, v19;
	[tilespmem:$0x11DED] =	vst v1  }
0x2b2: {  	v20 =	vmul.f32 v7, v54;
	v26 =	vld [tilespmem:$0x1FC70];
	[tilespmem:$0x11EB9] =	vst v15;
	v19 =	vadd.f32 v30, v21;
	v21 =	vadd.f32 v18, v17  }
0x2b3: {  	[tilespmem:$0x11ECA] =	vst v16;
	v2 =	vadd.f32 v51, v2  }
0x2b4: {  	v27 =	vld [tilespmem:$0x1FC80];
	v22 =	vadd.f32 v20, v19;
	[tilespmem:$0x11EFD] =	vst v21  }
0x2b5: {  	v29 =	vld [tilespmem:$0x1FC90];
	[tilespmem:$0x11DCB] =	vst v2  }
0x2b6: {  	v31 =	vld [tilespmem:$0x1FCA0];
	[tilespmem:$0x11F0E] =	vst v22  }
0x2b7: {  	v0 =	vld.idx.msk [tilespmem:v24+s30+$0x0], $0xffff  }
0x2b8: {  	v1 =	vld.idx.msk [tilespmem:v25+s30+$0x0], $0xffff  }
0x2b9: {  	v33 =	vld [tilespmem:$0x1FCB0]  }
0x2ba: {  	v2 =	vld.idx.msk [tilespmem:v26+s30+$0x0], $0xffff  }
0x2bb: {  	v35 =	vld [tilespmem:$0x1FCC0]  }
0x2bc: {  	v28 =	vld.idx.msk [tilespmem:v27+s30+$0x0], $0xffff  }
0x2bd: {  	v37 =	vld [tilespmem:$0x1FCD0];
	v0 =	vadd.f32 v1, v0  }
0x2be: {  	v30 =	vld.idx.msk [tilespmem:v29+s30+$0x0], $0xffff  }
0x2bf: {  	v39 =	vld [tilespmem:$0x1FCE0];
	v0 =	vadd.f32 v2, v0  }
0x2c0: {  	v32 =	vld.idx.msk [tilespmem:v31+s30+$0x0], $0xffff  }
0x2c1: {  	v41 =	vld [tilespmem:$0x1FCF0];
	v0 =	vadd.f32 v28, v0  }
0x2c2: {  	v34 =	vld.idx.msk [tilespmem:v33+s30+$0x0], $0xffff  }
0x2c3: {  	v43 =	vld [tilespmem:$0x1FD00];
	v0 =	vadd.f32 v30, v0  }
0x2c4: {  	v36 =	vld.idx.msk [tilespmem:v35+s30+$0x0], $0xffff  }
0x2c5: {  	v45 =	vld [tilespmem:$0x1FD10];
	v0 =	vadd.f32 v32, v0  }
0x2c6: {  	v38 =	vld.idx.msk [tilespmem:v37+s30+$0x0], $0xffff  }
0x2c7: {  	v47 =	vld [tilespmem:$0x1FD20];
	v0 =	vadd.f32 v34, v0  }
0x2c8: {  	v40 =	vld.idx.msk [tilespmem:v39+s30+$0x0], $0xffff  }
0x2c9: {  	v49 =	vld [tilespmem:$0x1FD30];
	v0 =	vadd.f32 v36, v0  }
0x2ca: {  	v42 =	vld.idx.msk [tilespmem:v41+s30+$0x0], $0xffff  }
0x2cb: {  	v51 =	vld [tilespmem:$0x1FD40];
	v0 =	vadd.f32 v38, v0  }
0x2cc: {  	v44 =	vld.idx.msk [tilespmem:v43+s30+$0x0], $0xffff  }
0x2cd: {  	v0 =	vadd.f32 v40, v0  }
0x2ce: {  	v46 =	vld.idx.msk [tilespmem:v45+s30+$0x0], $0xffff  }
0x2cf: {  	v0 =	vadd.f32 v42, v0  }
0x2d0: {  	v48 =	vld.idx.msk [tilespmem:v47+s30+$0x0], $0xffff  }
0x2d1: {  	v0 =	vadd.f32 v44, v0  }
0x2d2: {  	v50 =	vld.idx.msk [tilespmem:v49+s30+$0x0], $0xffff  }
0x2d3: {  	v53 =	vld [tilespmem:$0x1FD50];
	v0 =	vadd.f32 v46, v0  }
0x2d4: {  	v52 =	vld.idx.msk [tilespmem:v51+s30+$0x0], $0xffff  }
0x2d5: {  	v54 =	vld [tilespmem:$0x1FD60];
	v0 =	vadd.f32 v48, v0;
	_ =	sdelay $0x1  }
0x2d6: {  	v56 =	vld [tilespmem:$0x1FD70];
	v0 =	vadd.f32 v50, v0;
	_ =	sdelay $0x1  }
0x2d7: {  	s1 =	sshll.u32 s11, $0x4;
	v58 =	vld [tilespmem:$0x1FD80];
	v0 =	vadd.f32 v52, v0  }
0x2d8: {  	v60 =	vld [tilespmem:$0x1FD90];
	s1 =	sor.u32 s9, s1  }
0x2d9: {  	v62 =	vld [tilespmem:$0x1FDA0];
	[tilespmem:s1+$0x11000] =	vst v0  }
0x2da: {  	v0 =	vld.idx.msk [tilespmem:v53+s30+$0x0], $0xffff  }
0x2db: {  	v55 =	vld.idx.msk [tilespmem:v54+s30+$0x0], $0xffff  }
0x2dc: {  	v6 =	vld [tilespmem:$0x1FDB0]  }
0x2dd: {  	v57 =	vld.idx.msk [tilespmem:v56+s30+$0x0], $0xffff  }
0x2de: {  	v8 =	vld [tilespmem:$0x1FDC0]  }
0x2df: {  	v59 =	vld.idx.msk [tilespmem:v58+s30+$0x0], $0xffff  }
0x2e0: {  	v10 =	vld [tilespmem:$0x1FDD0];
	v0 =	vadd.f32 v55, v0  }
0x2e1: {  	v61 =	vld.idx.msk [tilespmem:v60+s30+$0x0], $0xffff  }
0x2e2: {  	v12 =	vld [tilespmem:$0x1FDE0];
	v0 =	vadd.f32 v57, v0  }
0x2e3: {  	v63 =	vld.idx.msk [tilespmem:v62+s30+$0x0], $0xffff  }
0x2e4: {  	v14 =	vld [tilespmem:$0x1FDF0];
	v0 =	vadd.f32 v59, v0  }
0x2e5: {  	v7 =	vld.idx.msk [tilespmem:v6+s30+$0x0], $0xffff  }
0x2e6: {  	v16 =	vld [tilespmem:$0x1FE00];
	v0 =	vadd.f32 v61, v0  }
0x2e7: {  	v9 =	vld.idx.msk [tilespmem:v8+s30+$0x0], $0xffff  }
0x2e8: {  	v18 =	vld [tilespmem:$0x1FE10];
	v0 =	vadd.f32 v63, v0  }
0x2e9: {  	v11 =	vld.idx.msk [tilespmem:v10+s30+$0x0], $0xffff  }
0x2ea: {  	v20 =	vld [tilespmem:$0x1FE20];
	v0 =	vadd.f32 v7, v0  }
0x2eb: {  	v13 =	vld.idx.msk [tilespmem:v12+s30+$0x0], $0xffff  }
0x2ec: {  	v35 =	vld [tilespmem:$0x1FE30];
	v0 =	vadd.f32 v9, v0  }
0x2ed: {  	v15 =	vld.idx.msk [tilespmem:v14+s30+$0x0], $0xffff  }
0x2ee: {  	v23 =	vld [tilespmem:$0x1FE40];
	v0 =	vadd.f32 v11, v0  }
0x2ef: {  	v17 =	vld.idx.msk [tilespmem:v16+s30+$0x0], $0xffff  }
0x2f0: {  	v0 =	vadd.f32 v13, v0  }
0x2f1: {  	v19 =	vld.idx.msk [tilespmem:v18+s30+$0x0], $0xffff  }
0x2f2: {  	v0 =	vadd.f32 v15, v0  }
0x2f3: {  	v21 =	vld.idx.msk [tilespmem:v20+s30+$0x0], $0xffff  }
0x2f4: {  	v25 =	vld [tilespmem:$0x1FC30];
	v0 =	vadd.f32 v17, v0  }
0x2f5: {  	v22 =	vld.idx.msk [tilespmem:v35+s30+$0x0], $0xffff  }
0x2f6: {  	v26 =	vld [tilespmem:$0x1FE50];
	v0 =	vadd.f32 v19, v0  }
0x2f7: {  	v24 =	vld.idx.msk [tilespmem:v23+s30+$0x0], $0xffff  }
0x2f8: {  	v27 =	vld [tilespmem:$0x1FE60];
	v0 =	vadd.f32 v21, v0;
	_ =	sdelay $0x1  }
0x2f9: {  	v28 =	vld [tilespmem:$0x1FE70];
	v0 =	vadd.f32 v22, v0;
	_ =	sdelay $0x1  }
0x2fa: {  	v30 =	vld [tilespmem:$0x1FE80];
	v0 =	vadd.f32 v24, v0  }
0x2fb: {  	v32 =	vld [tilespmem:$0x1FE90];
	s1 =	sand.u32 $0x70, s1  }
0x2fc: {  	v34 =	vld [tilespmem:$0x1FEA0];
	[tilespmem:v25+s1+$0x0 ss:$0x1] =	vst.idx.msk $0xffff, v0  }
0x2fd: {  	v0 =	vld.idx.msk [tilespmem:v26+s30+$0x0], $0xffff  }
0x2fe: {  	v1 =	vld.idx.msk [tilespmem:v27+s30+$0x0], $0xffff  }
0x2ff: {  	v36 =	vld [tilespmem:$0x1FEB0]  }
0x300: {  	v29 =	vld.idx.msk [tilespmem:v28+s30+$0x0], $0xffff  }
0x301: {  	v38 =	vld [tilespmem:$0x1FEC0]  }
0x302: {  	v31 =	vld.idx.msk [tilespmem:v30+s30+$0x0], $0xffff  }
0x303: {  	v40 =	vld [tilespmem:$0x1FED0];
	v0 =	vadd.f32 v1, v0  }
0x304: {  	v33 =	vld.idx.msk [tilespmem:v32+s30+$0x0], $0xffff  }
0x305: {  	v42 =	vld [tilespmem:$0x1FEE0];
	v0 =	vadd.f32 v29, v0  }
0x306: {  	v35 =	vld.idx.msk [tilespmem:v34+s30+$0x0], $0xffff  }
0x307: {  	v51 =	vld [tilespmem:$0x1FEF0];
	v0 =	vadd.f32 v31, v0  }
0x308: {  	v37 =	vld.idx.msk [tilespmem:v36+s30+$0x0], $0xffff  }
0x309: {  	v53 =	vld [tilespmem:$0x1FF00];
	v0 =	vadd.f32 v33, v0  }
0x30a: {  	v39 =	vld.idx.msk [tilespmem:v38+s30+$0x0], $0xffff  }
0x30b: {  	v55 =	vld [tilespmem:$0x1FF10];
	v0 =	vadd.f32 v35, v0  }
0x30c: {  	v41 =	vld.idx.msk [tilespmem:v40+s30+$0x0], $0xffff  }
0x30d: {  	v57 =	vld [tilespmem:$0x1FF20];
	v0 =	vadd.f32 v37, v0  }
0x30e: {  	v43 =	vld.idx.msk [tilespmem:v42+s30+$0x0], $0xffff  }
0x30f: {  	v59 =	vld [tilespmem:$0x1FF30];
	v0 =	vadd.f32 v39, v0  }
0x310: {  	v52 =	vld.idx.msk [tilespmem:v51+s30+$0x0], $0xffff  }
0x311: {  	v61 =	vld [tilespmem:$0x1FF40];
	v0 =	vadd.f32 v41, v0  }
0x312: {  	v54 =	vld.idx.msk [tilespmem:v53+s30+$0x0], $0xffff  }
0x313: {  	v0 =	vadd.f32 v43, v0  }
0x314: {  	v56 =	vld.idx.msk [tilespmem:v55+s30+$0x0], $0xffff  }
0x315: {  	v0 =	vadd.f32 v52, v0  }
0x316: {  	v58 =	vld.idx.msk [tilespmem:v57+s30+$0x0], $0xffff  }
0x317: {  	v0 =	vadd.f32 v54, v0  }
0x318: {  	v60 =	vld.idx.msk [tilespmem:v59+s30+$0x0], $0xffff  }
0x319: {  	v63 =	vld [tilespmem:$0x1FC40];
	v0 =	vadd.f32 v56, v0  }
0x31a: {  	v62 =	vld.idx.msk [tilespmem:v61+s30+$0x0], $0xffff  }
0x31b: {  	v0 =	vadd.f32 v58, v0;
	_ =	sdelay $0x1  }
.Ltmp5:
0x31c: {  	v0 =	vadd.f32 v60, v0;
	(pc) =	sbr.rel @p0 .LBB2_9-.Ltmp5, $3  }
0x31d: {  	_ = 	snop  }
0x31e: {  	v0 =	vadd.f32 v62, v0;
	_ =	sdelay $0x1  }
0x31f: {  	s11 =	simm.s32 $0x1;
	p1 =	por $0x0, $0x0;
	[tilespmem:v63+s1+$0x0 ss:$0x1] =	vst.idx.msk $0xffff, v0  }
0x320: {  	s5 =	sadd.s32 $0x1, s5  }
0x321: {  	p0 =	sne.s32 s5, $0x10  }
.Ltmp6:
0x322: {  	_ = 	snop;
	(pc) =	sbr.rel @p0 .LBB2_2-.Ltmp6, $1  }
0x323: {  	_ =	sdelay $0x3  }
0x324: {  	s5 =	simm.s32 $0x0  }
0x325: {  	s1 =	rddreg [dreg:$0x9];
	s3 =	simm.s32 $0x11000;
	s4 =	simm.s32 $0x3  }
0x326: {  	[hbm4b:s1+s5] =	stream.linear.scatter [tilespmem:s3], [sflag:$0x3], $0x400, $0x38;
	[tilespmem:$0x11F80] =	vst v63  }
0x327: {  	_ =	swait.ge [sflag:s4], $0x400  }
0x328: {  	[sflag:s4] =	ssyncset.done $0x0  }
0x329: {  	s15 =	simm.s32 $0x11400;
	s14 =	rddreg [dreg:$0xa];
	[sflag:s4] =	ssyncadd.s32 $0xFFFFFC00  }
0x32a: {  	[hbm4b:s14+s5] =	stream.linear.scatter [tilespmem:s15], [sflag:$0x3], $0x400, $0x38;
	[tilespmem:$0x11F80] =	vst v63  }
0x32b: {  	_ =	swait.ge [sflag:s4], $0x400  }
0x32c: {  	[sflag:s4] =	ssyncset.done $0x0  }
0x32d: {  	s17 =	simm.s32 $0x11800;
	s16 =	rddreg [dreg:$0xb];
	[sflag:s4] =	ssyncadd.s32 $0xFFFFFC00  }
0x32e: {  	[hbm4b:s16+s5] =	stream.linear.scatter [tilespmem:s17], [sflag:$0x3], $0x400, $0x38;
	[tilespmem:$0x11F80] =	vst v63  }
0x32f: {  	_ =	swait.ge [sflag:s4], $0x400  }
0x330: {  	s18 =	rddreg [dreg:$0xd]  }
0x331: {  	s19 =	rddreg [dreg:$0xc];
	s3 =	sadd.s32 $0x1, s18  }
0x332: {  	p0 =	sne.s32 s3, s19  }
.Ltmp7:
0x333: {  	_ = 	snop;
	(pc) =	sbr.rel @p0 .LBB2_1-.Ltmp7, $3  }
0x334: {  	_ =	sdelay $0x1  }
0x335: {  	[sflag:s4] =	ssyncset.done $0x0  }
0x336: {  	[sflag:s4] =	ssyncadd.s32 $0xFFFFFC00  }
0x337: {  	_ =	sfence.sel $0x180000  }
0x338: {  	[bflag:$0x0] =	sbarrier.arrive $0xFFFF  }
0x339: {  	_ =	strace $0x90000047  }
0x33a: {  	s0 =	stileid.u32;
	[bflag:$0x2] =	sbarrier.arrive $0xFFFF  }
0x33b: {  	p0 =	sne.s32 s0, $0x0;
	s0 =	rddreg [dreg:$0x2]  }
0x33c: {  	s0 =	sadd.s32 @!p0 $0x100000, s0  }
0x33d: {  	[sflag:s0] =	ssyncadd.tile.s32 @!p0 $0x1;
	_ =	shalt  }
.Lfunc_end2:
_tile_overlayer_lowered:
.L_overlay_start_2:
0x33e: {  	(tag) =	ssettag $0x2  }
0x33f: {  	s0 =	rddreg [dreg:$0x0];
	s2 =	stileid.u32  }
0x340: {  	s1 =	rddreg [dreg:$0x1];
	p0 =	sne.s32 s2, $0x0  }
0x341: {  	s3 =	rddreg [dreg:$0x2];
	[bflag:$0x3] =	sbarrier.arrive $0xFFFF;
	s2 =	simm.s32 @!p0 $0x1C03  }
0x342: {  	[timem:s3], [sflag:s2] =	dma.local @!p0 [hbm:s0], s1  }
0x343: {  	s0 =	simm.s32 @!p0 $0x3  }
0x344: {  	_ =	swait.ge @!p0 [sflag:s0], s1  }
0x345: {  	s1 =	ssub.s32 @!p0 $0x0, s1;
	[sflag:s0] =	ssyncset.done @!p0 $0x0  }
0x346: {  	[sflag:s0] =	ssyncadd.s32 @!p0 s1  }
0x347: {  	[bflag:$0x3] =	sbarrier.arrive $0xFFFF  }
0x348: {  	_ =	shalt  }

</sc_bundles>
